<compile_context>
chip_gen: v7x
topology: tpu7x:2x2x1
jax: 0.10.2.dev20260603
libtpu: 0.0.44.dev20260713+nightly
codegen_flags: <defaults>
</compile_context>

<pallas_src>
import functools
import jax
import jax.numpy as jnp
from jax import lax
from jax.experimental import pallas as pl
from jax.experimental.pallas import tpu as pltpu
from jax.experimental.pallas import tpu_sc as plsc

N, D, E, H, TOPK = 8192, 768, 8, 512, 2
TB = 256
B = 256
DW = D // 2
P = N * TOPK + E * B
NB = P // B

NC, NS = 2, 16
NW = NC * NS
TPW = N // NW
CK = 128
NCH = TPW // CK


def _gelu(v):
    return 0.5 * v * (1.0 + jax.lax.erf(v * 0.7071067811865476))


def _pack_rows(xf):
    u = jax.lax.bitcast_convert_type(xf, jnp.uint32)
    r = u + 0x7FFF + ((u >> 16) & 1)
    r = (r >> 16).astype(jnp.int32)
    lo = r[:, :DW]
    hi = r[:, DW:]
    return jnp.bitwise_or(lo, hi << 16)


def _unpack_rows(w):
    lo = jax.lax.bitcast_convert_type(w << 16, jnp.float32)
    hi = jax.lax.bitcast_convert_type(
        jnp.bitwise_and(w, jnp.int32(-65536)), jnp.float32)
    return jnp.concatenate([lo, hi], axis=1)


def _top2(logits):
    T = logits.shape[0]
    iota = jax.lax.broadcasted_iota(jnp.int32, (T, E), 1)
    m1 = jnp.max(logits, axis=-1, keepdims=True)
    i1 = jnp.min(jnp.where(logits == m1, iota, E), axis=-1, keepdims=True)
    l2 = jnp.where(iota == i1, -jnp.inf, logits)
    m2 = jnp.max(l2, axis=-1, keepdims=True)
    i2 = jnp.min(jnp.where(l2 == m2, iota, E), axis=-1, keepdims=True)
    r = jnp.exp(m2 - m1)
    w_a = 1.0 / (1.0 + r)
    return w_a, 1.0 - w_a, i1, i2



def _gate_body(x_ref, gw_ref, wts_ref, eid_ref, rnk_ref, cnts_ref, xh_ref, cntv):
    i = pl.program_id(0)

    @pl.when(i == 0)
    def _init():
        cntv[...] = jnp.zeros((1, E), jnp.float32)

    xh_ref[...] = _pack_rows(x_ref[...])
    logits = jnp.dot(x_ref[...], gw_ref[...], preferred_element_type=jnp.float32)
    w_a, w_b, i1, i2 = _top2(logits)
    wts_ref[...] = jnp.concatenate([w_a, w_b], axis=1)
    eid_ref[...] = jnp.concatenate([i1, i2], axis=1)

    laneio = jax.lax.broadcasted_iota(jnp.int32, (TB, E), 1)
    cnt_tok = (laneio == i1).astype(jnp.float32) + (laneio == i2).astype(jnp.float32)
    lt = (jax.lax.broadcasted_iota(jnp.int32, (TB, TB), 0)
          > jax.lax.broadcasted_iota(jnp.int32, (TB, TB), 1)).astype(jnp.float32)
    cumexc = jnp.dot(lt, cnt_tok, preferred_element_type=jnp.float32)
    base = cntv[...]
    r_all = cumexc + base
    rankA = jnp.sum(jnp.where(laneio == i1, r_all, 0.0), axis=1, keepdims=True)
    rankB = jnp.sum(jnp.where(laneio == i2, r_all, 0.0), axis=1, keepdims=True)
    rnk_ref[...] = jnp.concatenate([rankA, rankB], axis=1).astype(jnp.int32)

    newtot = base + jnp.sum(cnt_tok, axis=0, keepdims=True)
    cntv[...] = newtot
    cnts_ref[...] = jnp.broadcast_to(newtot, (E, E)).astype(jnp.int32)


def _gate(x, gate_W):
    return pl.pallas_call(
        _gate_body,
        grid=(N // TB,),
        in_specs=[
            pl.BlockSpec((TB, D), lambda i: (i, 0)),
            pl.BlockSpec((D, E), lambda i: (0, 0)),
        ],
        out_specs=[
            pl.BlockSpec((TB, TOPK), lambda i: (i, 0)),
            pl.BlockSpec((TB, TOPK), lambda i: (i, 0)),
            pl.BlockSpec((TB, TOPK), lambda i: (i, 0)),
            pl.BlockSpec((E, E), lambda i: (0, 0)),
            pl.BlockSpec((TB, DW), lambda i: (i, 0)),
        ],
        out_shape=[
            jax.ShapeDtypeStruct((N, TOPK), jnp.float32),
            jax.ShapeDtypeStruct((N, TOPK), jnp.int32),
            jax.ShapeDtypeStruct((N, TOPK), jnp.int32),
            jax.ShapeDtypeStruct((E, E), jnp.int32),
            jax.ShapeDtypeStruct((N, DW), jnp.int32),
        ],
        scratch_shapes=[pltpu.VMEM((1, E), jnp.float32)],
    )(x, gate_W)



def _route_body(eid_ref, rnk_ref, cnts_ref, pa_ref, pb_ref, bexp_ref):
    c = cnts_ref[0:1, :]
    padded = jnp.bitwise_and(c + (B - 1), ~(B - 1))
    ut = (jax.lax.broadcasted_iota(jnp.int32, (E, E), 0)
          < jax.lax.broadcasted_iota(jnp.int32, (E, E), 1)).astype(jnp.float32)
    off = jnp.dot(padded.astype(jnp.float32), ut,
                  preferred_element_type=jnp.float32).astype(jnp.int32)
    eid = eid_ref[...]
    laneio = jax.lax.broadcasted_iota(jnp.int32, (TB, E), 1)
    offb = jnp.broadcast_to(off, (TB, E))
    offA = jnp.sum(jnp.where(laneio == eid[:, 0:1], offb, 0),
                   axis=1, keepdims=True)
    offB = jnp.sum(jnp.where(laneio == eid[:, 1:2], offb, 0),
                   axis=1, keepdims=True)
    rnk = rnk_ref[...]
    pa_ref[...] = offA + rnk[:, 0:1]
    pb_ref[...] = offB + rnk[:, 1:2]
    jb = jax.lax.broadcasted_iota(jnp.int32, (NB, E), 0) * B
    used = (jb >= jnp.broadcast_to(off, (NB, E))).astype(jnp.int32)
    bexp_ref[...] = jnp.sum(used, axis=1, keepdims=True) - 1


def _route(eid, rnk, cnts8):
    return pl.pallas_call(
        _route_body,
        grid=(N // TB,),
        in_specs=[
            pl.BlockSpec((TB, TOPK), lambda i: (i, 0)),
            pl.BlockSpec((TB, TOPK), lambda i: (i, 0)),
            pl.BlockSpec((E, E), lambda i: (0, 0)),
        ],
        out_specs=[
            pl.BlockSpec((TB, 1), lambda i: (i, 0)),
            pl.BlockSpec((TB, 1), lambda i: (i, 0)),
            pl.BlockSpec((NB, 1), lambda i: (0, 0)),
        ],
        out_shape=[
            jax.ShapeDtypeStruct((N, 1), jnp.int32),
            jax.ShapeDtypeStruct((N, 1), jnp.int32),
            jax.ShapeDtypeStruct((NB, 1), jnp.int32),
        ],
    )(eid, rnk, cnts8)



def _sc_mesh():
    return plsc.VectorSubcoreMesh(core_axis_name="c", subcore_axis_name="s")


def _dispatch(x, posA, posB):

    @functools.partial(
        pl.kernel,
        mesh=_sc_mesh(),
        out_type=jax.ShapeDtypeStruct((P, DW), jnp.int32),
        scratch_types=[
            pltpu.VMEM((TPW, DW), jnp.int32),
            pltpu.VMEM((NCH, CK), jnp.int32),
            pltpu.VMEM((NCH, CK), jnp.int32),
            pltpu.SemaphoreType.DMA,
            pltpu.SemaphoreType.DMA,
        ],
    )
    def body(x_hbm, pa_hbm, pb_hbm, xd_hbm, xv, pva, pvb, semL, semS):
        wid = lax.axis_index("s") * NC + lax.axis_index("c")
        base = wid * TPW
        loads = [
            pltpu.async_copy(x_hbm.at[pl.ds(base, TPW)], xv, semL),
            pltpu.async_copy(pa_hbm.at[wid], pva, semL),
            pltpu.async_copy(pb_hbm.at[wid], pvb, semL),
        ]
        for cp in loads:
            cp.wait()
        stores = []
        for i in range(NCH):
            src = xv.at[pl.ds(i * CK, CK)]
            stores.append(pltpu.async_copy(src, xd_hbm.at[pva.at[i]], semS))
            stores.append(pltpu.async_copy(src, xd_hbm.at[pvb.at[i]], semS))
        for cp in stores:
            cp.wait()

    return body(x, posA, posB)


def _combine_gather(yd, posA, posB):

    @functools.partial(
        pl.kernel,
        mesh=_sc_mesh(),
        out_type=[
            jax.ShapeDtypeStruct((N, DW), jnp.int32),
            jax.ShapeDtypeStruct((N, DW), jnp.int32),
        ],
        scratch_types=[
            pltpu.VMEM((TPW, DW), jnp.int32),
            pltpu.VMEM((NCH, CK), jnp.int32),
            pltpu.VMEM((NCH, CK), jnp.int32),
            pltpu.SemaphoreType.DMA,
            pltpu.SemaphoreType.DMA,
        ],
    )
    def body(yd_hbm, pa_hbm, pb_hbm, ya_hbm, yb_hbm, yv, pva, pvb,
             semL, semS):
        wid = lax.axis_index("s") * NC + lax.axis_index("c")
        base = wid * TPW
        l1 = pltpu.async_copy(pa_hbm.at[wid], pva, semL)
        l2 = pltpu.async_copy(pb_hbm.at[wid], pvb, semL)
        l1.wait()
        l2.wait()
        for pv, out_hbm in ((pva, ya_hbm), (pvb, yb_hbm)):
            gathers = [
                pltpu.async_copy(yd_hbm.at[pv.at[i]],
                                 yv.at[pl.ds(i * CK, CK)], semS)
                for i in range(NCH)
            ]
            for cp in gathers:
                cp.wait()
            pltpu.sync_copy(yv, out_hbm.at[pl.ds(base, TPW)])

    return body(yd, posA, posB)



def _ffn_body(bexp_ref, xd_ref, w1_ref, b1_ref, w2_ref, b2_ref, yd_ref):
    xb = _unpack_rows(xd_ref[...]).astype(jnp.bfloat16)
    h = _gelu(jnp.dot(xb, w1_ref[0].astype(jnp.bfloat16),
                      preferred_element_type=jnp.float32)
              + b1_ref[0])
    y = (jnp.dot(h.astype(jnp.bfloat16), w2_ref[0].astype(jnp.bfloat16),
                 preferred_element_type=jnp.float32)
         + b2_ref[0])
    yd_ref[...] = _pack_rows(y)


def _ffn(xd, W1, b1, W2, b2, bexp):
    grid_spec = pltpu.PrefetchScalarGridSpec(
        num_scalar_prefetch=1,
        grid=(NB,),
        in_specs=[
            pl.BlockSpec((B, DW), lambda i, be: (i, 0)),
            pl.BlockSpec((1, D, H), lambda i, be: (be[i], 0, 0)),
            pl.BlockSpec((1, 1, H), lambda i, be: (be[i], 0, 0)),
            pl.BlockSpec((1, H, D), lambda i, be: (be[i], 0, 0)),
            pl.BlockSpec((1, 1, D), lambda i, be: (be[i], 0, 0)),
        ],
        out_specs=pl.BlockSpec((B, DW), lambda i, be: (i, 0)),
    )
    return pl.pallas_call(
        _ffn_body,
        grid_spec=grid_spec,
        out_shape=jax.ShapeDtypeStruct((P, DW), jnp.int32),
    )(bexp, xd, W1, b1.reshape(E, 1, H), W2, b2.reshape(E, 1, D))



def _finish_body(x_ref, ya_ref, yb_ref, wts_ref, ws_ref, bs_ref, g_ref,
                 be_ref, o_ref):
    shared = _gelu(jnp.dot(x_ref[...].astype(jnp.bfloat16),
                           ws_ref[...].astype(jnp.bfloat16),
                           preferred_element_type=jnp.float32)
                   + bs_ref[...][None, :])
    w = wts_ref[...]
    out = (w[:, 0:1] * _unpack_rows(ya_ref[...])
           + w[:, 1:2] * _unpack_rows(yb_ref[...])
           + 0.5 * shared)
    mu = jnp.mean(out, axis=-1, keepdims=True)
    d = out - mu
    var = jnp.mean(d * d, axis=-1, keepdims=True)
    o_ref[...] = d * jax.lax.rsqrt(var + 1e-5) * g_ref[...][None, :] + be_ref[...][None, :]


def _finish(x, yA, yB, wts, Ws, bs, gamma, beta):
    full = lambda shape: pl.BlockSpec(shape, lambda i: (0,) * len(shape))
    return pl.pallas_call(
        _finish_body,
        grid=(N // TB,),
        in_specs=[
            pl.BlockSpec((TB, D), lambda i: (i, 0)),
            pl.BlockSpec((TB, DW), lambda i: (i, 0)),
            pl.BlockSpec((TB, DW), lambda i: (i, 0)),
            pl.BlockSpec((TB, TOPK), lambda i: (i, 0)),
            full((D, D)),
            full((D,)),
            full((D,)),
            full((D,)),
        ],
        out_specs=pl.BlockSpec((TB, D), lambda i: (i, 0)),
        out_shape=jax.ShapeDtypeStruct((N, D), jnp.float32),
    )(x, yA, yB, wts, Ws, bs, gamma, beta)



@jax.jit
def kernel(x, gate_W, W1, b1, W2, b2, Ws, bs, gamma, beta):
    wts, eid, rnk, cnts8, xh32 = _gate(x, gate_W)
    posA2, posB2, bexp2 = _route(eid, rnk, cnts8)
    posA = posA2.reshape(NW, NCH, CK)
    posB = posB2.reshape(NW, NCH, CK)
    bexp = bexp2.reshape(NB)
    xd32 = _dispatch(xh32, posA, posB)
    yd32 = _ffn(xd32, W1, b1, W2, b2, bexp)
    yA32, yB32 = _combine_gather(yd32, posA, posB)
    return _finish(x, yA32, yB32, wts, Ws, bs, gamma, beta)

# --- scband reference (transcript-rebuilt; emitter-appended) ---
"""Pipeline reference for scband-mo-elayer-65515431133732 (READ-ONLY COPY).

The authoritative reference and input builder live on the scoring server;
editing this copy changes nothing except your own understanding.
"""

import jax, jax.numpy as jnp
import numpy as np

N, D, E, H, TOPK = 8192, 768, 8, 512, 2

def setup_inputs(seed: int = 0) -> dict:
    key = jax.random.key(seed)
    ks = jax.random.split(key, 10)
    x = jax.random.normal(ks[0], (N, D), dtype=jnp.float32)
    s1 = 1.0 / np.sqrt(D)
    s2 = 1.0 / np.sqrt(H)
    gate_W = jax.random.uniform(ks[1], (D, E), minval=-s1, maxval=s1, dtype=jnp.float32)
    W1 = jax.random.uniform(ks[2], (E, D, H), minval=-s1, maxval=s1, dtype=jnp.float32)
    b1 = jax.random.uniform(ks[3], (E, H), minval=-s1, maxval=s1, dtype=jnp.float32)
    W2 = jax.random.uniform(ks[4], (E, H, D), minval=-s2, maxval=s2, dtype=jnp.float32)
    b2 = jax.random.uniform(ks[5], (E, D), minval=-s2, maxval=s2, dtype=jnp.float32)
    Ws = jax.random.uniform(ks[6], (D, D), minval=-s1, maxval=s1, dtype=jnp.float32)
    bs = jax.random.uniform(ks[7], (D,), minval=-s1, maxval=s1, dtype=jnp.float32)
    gamma = jnp.ones((D,), dtype=jnp.float32)
    beta = jnp.zeros((D,), dtype=jnp.float32)
    return {"x": x, "gate_W": gate_W, "W1": W1, "b1": b1, "W2": W2, "b2": b2, "Ws": Ws, "bs": bs, "gamma": gamma, "beta": beta}

def reference(x, gate_W, W1, b1, W2, b2, Ws, bs, gamma, beta):
    n = x.shape[0]
    gate_logits = x @ gate_W
    gate_probs = jax.nn.softmax(gate_logits, axis=-1)
    topk_w, topk_i = jax.lax.top_k(gate_probs, TOPK)
    topk_w = topk_w / jnp.sum(topk_w, axis=-1, keepdims=True)
    # combine[n, e] = routing weight of expert e for token n (0 if not selected)
    combine = jnp.zeros((n, E), dtype=x.dtype).at[jnp.arange(n)[:, None], topk_i].add(topk_w)
    # expert FFNs (computed densely, weighted by sparse combine weights -> same math as masked dispatch)
    h = jax.nn.gelu(jnp.einsum('nd,edh->enh', x, W1) + b1[:, None, :], approximate=False)
    y = jnp.einsum('enh,ehd->end', h, W2) + b2[:, None, :]
    out = jnp.einsum('ne,end->nd', combine, y)
    shared = jax.nn.gelu(x @ Ws + bs, approximate=False)
    out = out + 0.5 * shared
    mu = jnp.mean(out, axis=-1, keepdims=True)
    var = jnp.var(out, axis=-1, keepdims=True)
    out = (out - mu) / jnp.sqrt(var + 1e-5) * gamma + beta
    return out

if __name__ == "__main__":
    import jax
    _d = setup_inputs()
    print(jax.jit(kernel)(*tuple(_d.values())))

</pallas_src>

<mosaic_0001>
#map = affine_map<(d0, d1) -> (0, 0)>
#map1 = affine_map<(d0, d1) -> (0, 0, 0)>
module attributes {stable_mosaic.version = 14 : i64} {
  func.func @body(%arg0: i32, %arg1: i32, %arg2: memref<8192x384xi32, #tpu.memory_space<hbm>>, %arg3: memref<32x2x128xi32, #tpu.memory_space<hbm>>, %arg4: memref<32x2x128xi32, #tpu.memory_space<hbm>>, %arg5: memref<18432x384xi32, #tpu.memory_space<hbm>>, %arg6: memref<256x384xi32, #tpu.memory_space<vmem>>, %arg7: memref<2x128xi32, #tpu.memory_space<vmem>>, %arg8: memref<2x128xi32, #tpu.memory_space<vmem>>, %arg9: memref<!tpu.dma_semaphore, #tpu.memory_space<semaphore_mem>>, %arg10: memref<!tpu.dma_semaphore, #tpu.memory_space<semaphore_mem>>) attributes {dimension_semantics = [#tpu.dimension_semantics<core_parallel>, #tpu.dimension_semantics<subcore_parallel>], iteration_bounds = array<i64: 2, 16>, scalar_prefetch = 0 : i64, scratch_operands = 5 : i64, tpu.core_type = #tpu.core_type<sc_vector_subcore>, window_params = [{transform_indices = #map}, {transform_indices = #map1}, {transform_indices = #map1}, {transform_indices = #map}]} {
    %mul3A = arith.constant 2 : i32
    %mul3A_0 = arith.muli %arg1, %mul3A : i32
    %add3A = arith.addi %mul3A_0, %arg0 : i32
    %mul3A_1 = arith.constant 256 : i32
    %mul3A_2 = arith.muli %add3A, %mul3A_1 : i32
    %dma_start3A = arith.constant 0 : i32
    %dma_start3A_3 = tpu.memref_slice %arg2[%mul3A_2, %dma_start3A] : memref<8192x384xi32, #tpu.memory_space<hbm>> -> memref<256x384xi32, #tpu.memory_space<hbm>>
    %dma_start3A_4 = arith.constant 0 : i32
    %dma_start3A_5 = tpu.memref_slice %arg2[%mul3A_2, %dma_start3A_4] : memref<8192x384xi32, #tpu.memory_space<hbm>> -> memref<256x384xi32, #tpu.memory_space<hbm>>
    tpu.enqueue_dma source(%dma_start3A_5 : memref<256x384xi32, #tpu.memory_space<hbm>>) target(%arg6 : memref<256x384xi32, #tpu.memory_space<vmem>>) target_semaphore(%arg9 : memref<!tpu.dma_semaphore, #tpu.memory_space<semaphore_mem>>)
    %dma_start3A_6 = arith.constant 0 : i32
    %dma_start3A_7 = arith.constant 0 : i32
    %dma_start3A_8 = tpu.memref_slice %arg3[%add3A, %dma_start3A_6, %dma_start3A_7] : memref<32x2x128xi32, #tpu.memory_space<hbm>> -> memref<1x2x128xi32, #tpu.memory_space<hbm>>
    %dma_start3A_9 = tpu.memref_squeeze %dma_start3A_8 : memref<1x2x128xi32, #tpu.memory_space<hbm>> -> memref<2x128xi32, #tpu.memory_space<hbm>>
    %dma_start3A_10 = arith.constant 0 : i32
    %dma_start3A_11 = arith.constant 0 : i32
    %dma_start3A_12 = tpu.memref_slice %arg3[%add3A, %dma_start3A_10, %dma_start3A_11] : memref<32x2x128xi32, #tpu.memory_space<hbm>> -> memref<1x2x128xi32, #tpu.memory_space<hbm>>
    %dma_start3A_13 = tpu.memref_squeeze %dma_start3A_12 : memref<1x2x128xi32, #tpu.memory_space<hbm>> -> memref<2x128xi32, #tpu.memory_space<hbm>>
    tpu.enqueue_dma source(%dma_start3A_13 : memref<2x128xi32, #tpu.memory_space<hbm>>) target(%arg7 : memref<2x128xi32, #tpu.memory_space<vmem>>) target_semaphore(%arg9 : memref<!tpu.dma_semaphore, #tpu.memory_space<semaphore_mem>>)
    %dma_start3A_14 = arith.constant 0 : i32
    %dma_start3A_15 = arith.constant 0 : i32
    %dma_start3A_16 = tpu.memref_slice %arg4[%add3A, %dma_start3A_14, %dma_start3A_15] : memref<32x2x128xi32, #tpu.memory_space<hbm>> -> memref<1x2x128xi32, #tpu.memory_space<hbm>>
    %dma_start3A_17 = tpu.memref_squeeze %dma_start3A_16 : memref<1x2x128xi32, #tpu.memory_space<hbm>> -> memref<2x128xi32, #tpu.memory_space<hbm>>
    %dma_start3A_18 = arith.constant 0 : i32
    %dma_start3A_19 = arith.constant 0 : i32
    %dma_start3A_20 = tpu.memref_slice %arg4[%add3A, %dma_start3A_18, %dma_start3A_19] : memref<32x2x128xi32, #tpu.memory_space<hbm>> -> memref<1x2x128xi32, #tpu.memory_space<hbm>>
    %dma_start3A_21 = tpu.memref_squeeze %dma_start3A_20 : memref<1x2x128xi32, #tpu.memory_space<hbm>> -> memref<2x128xi32, #tpu.memory_space<hbm>>
    tpu.enqueue_dma source(%dma_start3A_21 : memref<2x128xi32, #tpu.memory_space<hbm>>) target(%arg8 : memref<2x128xi32, #tpu.memory_space<vmem>>) target_semaphore(%arg9 : memref<!tpu.dma_semaphore, #tpu.memory_space<semaphore_mem>>)
    %dma_wait3A = arith.constant 0 : i32
    %dma_wait3A_22 = tpu.memref_slice %arg2[%mul3A_2, %dma_wait3A] : memref<8192x384xi32, #tpu.memory_space<hbm>> -> memref<256x384xi32, #tpu.memory_space<hbm>>
    %dma_wait3A_23 = arith.constant 0 : i32
    %dma_wait3A_24 = tpu.memref_slice %arg2[%mul3A_2, %dma_wait3A_23] : memref<8192x384xi32, #tpu.memory_space<hbm>> -> memref<256x384xi32, #tpu.memory_space<hbm>>
    tpu.wait_dma2 semaphore(%arg9 : memref<!tpu.dma_semaphore, #tpu.memory_space<semaphore_mem>>) src(%dma_wait3A_24 : memref<256x384xi32, #tpu.memory_space<hbm>>) dst(%arg6 : memref<256x384xi32, #tpu.memory_space<vmem>>)
    %dma_wait3A_25 = arith.constant 0 : i32
    %dma_wait3A_26 = arith.constant 0 : i32
    %dma_wait3A_27 = tpu.memref_slice %arg3[%add3A, %dma_wait3A_25, %dma_wait3A_26] : memref<32x2x128xi32, #tpu.memory_space<hbm>> -> memref<1x2x128xi32, #tpu.memory_space<hbm>>
    %dma_wait3A_28 = tpu.memref_squeeze %dma_wait3A_27 : memref<1x2x128xi32, #tpu.memory_space<hbm>> -> memref<2x128xi32, #tpu.memory_space<hbm>>
    %dma_wait3A_29 = arith.constant 0 : i32
    %dma_wait3A_30 = arith.constant 0 : i32
    %dma_wait3A_31 = tpu.memref_slice %arg3[%add3A, %dma_wait3A_29, %dma_wait3A_30] : memref<32x2x128xi32, #tpu.memory_space<hbm>> -> memref<1x2x128xi32, #tpu.memory_space<hbm>>
    %dma_wait3A_32 = tpu.memref_squeeze %dma_wait3A_31 : memref<1x2x128xi32, #tpu.memory_space<hbm>> -> memref<2x128xi32, #tpu.memory_space<hbm>>
    tpu.wait_dma2 semaphore(%arg9 : memref<!tpu.dma_semaphore, #tpu.memory_space<semaphore_mem>>) src(%dma_wait3A_32 : memref<2x128xi32, #tpu.memory_space<hbm>>) dst(%arg7 : memref<2x128xi32, #tpu.memory_space<vmem>>)
    %dma_wait3A_33 = arith.constant 0 : i32
    %dma_wait3A_34 = arith.constant 0 : i32
    %dma_wait3A_35 = tpu.memref_slice %arg4[%add3A, %dma_wait3A_33, %dma_wait3A_34] : memref<32x2x128xi32, #tpu.memory_space<hbm>> -> memref<1x2x128xi32, #tpu.memory_space<hbm>>
    %dma_wait3A_36 = tpu.memref_squeeze %dma_wait3A_35 : memref<1x2x128xi32, #tpu.memory_space<hbm>> -> memref<2x128xi32, #tpu.memory_space<hbm>>
    %dma_wait3A_37 = arith.constant 0 : i32
    %dma_wait3A_38 = arith.constant 0 : i32
    %dma_wait3A_39 = tpu.memref_slice %arg4[%add3A, %dma_wait3A_37, %dma_wait3A_38] : memref<32x2x128xi32, #tpu.memory_space<hbm>> -> memref<1x2x128xi32, #tpu.memory_space<hbm>>
    %dma_wait3A_40 = tpu.memref_squeeze %dma_wait3A_39 : memref<1x2x128xi32, #tpu.memory_space<hbm>> -> memref<2x128xi32, #tpu.memory_space<hbm>>
    tpu.wait_dma2 semaphore(%arg9 : memref<!tpu.dma_semaphore, #tpu.memory_space<semaphore_mem>>) src(%dma_wait3A_40 : memref<2x128xi32, #tpu.memory_space<hbm>>) dst(%arg8 : memref<2x128xi32, #tpu.memory_space<vmem>>)
    %dma_start3A_41 = arith.constant 0 : i32
    %dma_start3A_42 = arith.constant 0 : i32
    %dma_start3A_43 = arith.constant 0 : i32
    %dma_start3A_44 = tpu.memref_slice %arg6[%dma_start3A_42, %dma_start3A_43] : memref<256x384xi32, #tpu.memory_space<vmem>> -> memref<128x384xi32, #tpu.memory_space<vmem>>
    %dma_start3A_45 = arith.constant 0 : i32
    %dma_start3A_46 = tpu.memref_slice %arg7[%dma_start3A_41, %dma_start3A_45] : memref<2x128xi32, #tpu.memory_space<vmem>> -> memref<1x128xi32, #tpu.memory_space<vmem>>
    %dma_start3A_47 = tpu.memref_squeeze %dma_start3A_46 : memref<1x128xi32, #tpu.memory_space<vmem>> -> memref<128xi32, #tpu.memory_space<vmem>>
    %dma_start3A_48 = arith.constant 0 : i32
    %dma_start3A_49 = arith.constant 0 : i32
    %dma_start3A_50 = tpu.memref_slice %arg5[%dma_start3A_48, %dma_start3A_49] : memref<18432x384xi32, #tpu.memory_space<hbm>> -> memref<18432x384xi32, #tpu.memory_space<hbm>>
    tpu.enqueue_indirect_dma source(%dma_start3A_44 : memref<128x384xi32, #tpu.memory_space<vmem>>) target(%dma_start3A_50 : memref<18432x384xi32, #tpu.memory_space<hbm>>) offsets(%dma_start3A_47 : memref<128xi32, #tpu.memory_space<vmem>>) semaphore(%arg10 : memref<!tpu.dma_semaphore, #tpu.memory_space<semaphore_mem>>)
    %dma_start3A_51 = arith.constant 0 : i32
    %dma_start3A_52 = arith.constant 0 : i32
    %dma_start3A_53 = arith.constant 0 : i32
    %dma_start3A_54 = tpu.memref_slice %arg6[%dma_start3A_52, %dma_start3A_53] : memref<256x384xi32, #tpu.memory_space<vmem>> -> memref<128x384xi32, #tpu.memory_space<vmem>>
    %dma_start3A_55 = arith.constant 0 : i32
    %dma_start3A_56 = tpu.memref_slice %arg8[%dma_start3A_51, %dma_start3A_55] : memref<2x128xi32, #tpu.memory_space<vmem>> -> memref<1x128xi32, #tpu.memory_space<vmem>>
    %dma_start3A_57 = tpu.memref_squeeze %dma_start3A_56 : memref<1x128xi32, #tpu.memory_space<vmem>> -> memref<128xi32, #tpu.memory_space<vmem>>
    %dma_start3A_58 = arith.constant 0 : i32
    %dma_start3A_59 = arith.constant 0 : i32
    %dma_start3A_60 = tpu.memref_slice %arg5[%dma_start3A_58, %dma_start3A_59] : memref<18432x384xi32, #tpu.memory_space<hbm>> -> memref<18432x384xi32, #tpu.memory_space<hbm>>
    tpu.enqueue_indirect_dma source(%dma_start3A_54 : memref<128x384xi32, #tpu.memory_space<vmem>>) target(%dma_start3A_60 : memref<18432x384xi32, #tpu.memory_space<hbm>>) offsets(%dma_start3A_57 : memref<128xi32, #tpu.memory_space<vmem>>) semaphore(%arg10 : memref<!tpu.dma_semaphore, #tpu.memory_space<semaphore_mem>>)
    %dma_start3A_61 = arith.constant 1 : i32
    %dma_start3A_62 = arith.constant 128 : i32
    %dma_start3A_63 = arith.constant 0 : i32
    %dma_start3A_64 = tpu.memref_slice %arg6[%dma_start3A_62, %dma_start3A_63] : memref<256x384xi32, #tpu.memory_space<vmem>> -> memref<128x384xi32, #tpu.memory_space<vmem>>
    %dma_start3A_65 = arith.constant 0 : i32
    %dma_start3A_66 = tpu.memref_slice %arg7[%dma_start3A_61, %dma_start3A_65] : memref<2x128xi32, #tpu.memory_space<vmem>> -> memref<1x128xi32, #tpu.memory_space<vmem>>
    %dma_start3A_67 = tpu.memref_squeeze %dma_start3A_66 : memref<1x128xi32, #tpu.memory_space<vmem>> -> memref<128xi32, #tpu.memory_space<vmem>>
    %dma_start3A_68 = arith.constant 0 : i32
    %dma_start3A_69 = arith.constant 0 : i32
    %dma_start3A_70 = tpu.memref_slice %arg5[%dma_start3A_68, %dma_start3A_69] : memref<18432x384xi32, #tpu.memory_space<hbm>> -> memref<18432x384xi32, #tpu.memory_space<hbm>>
    tpu.enqueue_indirect_dma source(%dma_start3A_64 : memref<128x384xi32, #tpu.memory_space<vmem>>) target(%dma_start3A_70 : memref<18432x384xi32, #tpu.memory_space<hbm>>) offsets(%dma_start3A_67 : memref<128xi32, #tpu.memory_space<vmem>>) semaphore(%arg10 : memref<!tpu.dma_semaphore, #tpu.memory_space<semaphore_mem>>)
    %dma_start3A_71 = arith.constant 1 : i32
    %dma_start3A_72 = arith.constant 128 : i32
    %dma_start3A_73 = arith.constant 0 : i32
    %dma_start3A_74 = tpu.memref_slice %arg6[%dma_start3A_72, %dma_start3A_73] : memref<256x384xi32, #tpu.memory_space<vmem>> -> memref<128x384xi32, #tpu.memory_space<vmem>>
    %dma_start3A_75 = arith.constant 0 : i32
    %dma_start3A_76 = tpu.memref_slice %arg8[%dma_start3A_71, %dma_start3A_75] : memref<2x128xi32, #tpu.memory_space<vmem>> -> memref<1x128xi32, #tpu.memory_space<vmem>>
    %dma_start3A_77 = tpu.memref_squeeze %dma_start3A_76 : memref<1x128xi32, #tpu.memory_space<vmem>> -> memref<128xi32, #tpu.memory_space<vmem>>
    %dma_start3A_78 = arith.constant 0 : i32
    %dma_start3A_79 = arith.constant 0 : i32
    %dma_start3A_80 = tpu.memref_slice %arg5[%dma_start3A_78, %dma_start3A_79] : memref<18432x384xi32, #tpu.memory_space<hbm>> -> memref<18432x384xi32, #tpu.memory_space<hbm>>
    tpu.enqueue_indirect_dma source(%dma_start3A_74 : memref<128x384xi32, #tpu.memory_space<vmem>>) target(%dma_start3A_80 : memref<18432x384xi32, #tpu.memory_space<hbm>>) offsets(%dma_start3A_77 : memref<128xi32, #tpu.memory_space<vmem>>) semaphore(%arg10 : memref<!tpu.dma_semaphore, #tpu.memory_space<semaphore_mem>>)
    %dma_wait3A_81 = arith.constant 0 : i32
    %dma_wait3A_82 = arith.constant 0 : i32
    %dma_wait3A_83 = arith.constant 0 : i32
    %dma_wait3A_84 = tpu.memref_slice %arg6[%dma_wait3A_82, %dma_wait3A_83] : memref<256x384xi32, #tpu.memory_space<vmem>> -> memref<128x384xi32, #tpu.memory_space<vmem>>
    %dma_wait3A_85 = arith.constant 0 : i32
    %dma_wait3A_86 = tpu.memref_slice %arg7[%dma_wait3A_81, %dma_wait3A_85] : memref<2x128xi32, #tpu.memory_space<vmem>> -> memref<1x128xi32, #tpu.memory_space<vmem>>
    %dma_wait3A_87 = tpu.memref_squeeze %dma_wait3A_86 : memref<1x128xi32, #tpu.memory_space<vmem>> -> memref<128xi32, #tpu.memory_space<vmem>>
    %dma_wait3A_88 = arith.constant 0 : i32
    %dma_wait3A_89 = arith.constant 0 : i32
    %dma_wait3A_90 = tpu.memref_slice %arg5[%dma_wait3A_88, %dma_wait3A_89] : memref<18432x384xi32, #tpu.memory_space<hbm>> -> memref<18432x384xi32, #tpu.memory_space<hbm>>
    tpu.wait_indirect_dma semaphore(%arg10 : memref<!tpu.dma_semaphore, #tpu.memory_space<semaphore_mem>>) src(%dma_wait3A_84 : memref<128x384xi32, #tpu.memory_space<vmem>>) dst(%dma_wait3A_90 : memref<18432x384xi32, #tpu.memory_space<hbm>>)
    %dma_wait3A_91 = arith.constant 0 : i32
    %dma_wait3A_92 = arith.constant 0 : i32
    %dma_wait3A_93 = arith.constant 0 : i32
    %dma_wait3A_94 = tpu.memref_slice %arg6[%dma_wait3A_92, %dma_wait3A_93] : memref<256x384xi32, #tpu.memory_space<vmem>> -> memref<128x384xi32, #tpu.memory_space<vmem>>
    %dma_wait3A_95 = arith.constant 0 : i32
    %dma_wait3A_96 = tpu.memref_slice %arg8[%dma_wait3A_91, %dma_wait3A_95] : memref<2x128xi32, #tpu.memory_space<vmem>> -> memref<1x128xi32, #tpu.memory_space<vmem>>
    %dma_wait3A_97 = tpu.memref_squeeze %dma_wait3A_96 : memref<1x128xi32, #tpu.memory_space<vmem>> -> memref<128xi32, #tpu.memory_space<vmem>>
    %dma_wait3A_98 = arith.constant 0 : i32
    %dma_wait3A_99 = arith.constant 0 : i32
    %dma_wait3A_100 = tpu.memref_slice %arg5[%dma_wait3A_98, %dma_wait3A_99] : memref<18432x384xi32, #tpu.memory_space<hbm>> -> memref<18432x384xi32, #tpu.memory_space<hbm>>
    tpu.wait_indirect_dma semaphore(%arg10 : memref<!tpu.dma_semaphore, #tpu.memory_space<semaphore_mem>>) src(%dma_wait3A_94 : memref<128x384xi32, #tpu.memory_space<vmem>>) dst(%dma_wait3A_100 : memref<18432x384xi32, #tpu.memory_space<hbm>>)
    %dma_wait3A_101 = arith.constant 1 : i32
    %dma_wait3A_102 = arith.constant 128 : i32
    %dma_wait3A_103 = arith.constant 0 : i32
    %dma_wait3A_104 = tpu.memref_slice %arg6[%dma_wait3A_102, %dma_wait3A_103] : memref<256x384xi32, #tpu.memory_space<vmem>> -> memref<128x384xi32, #tpu.memory_space<vmem>>
    %dma_wait3A_105 = arith.constant 0 : i32
    %dma_wait3A_106 = tpu.memref_slice %arg7[%dma_wait3A_101, %dma_wait3A_105] : memref<2x128xi32, #tpu.memory_space<vmem>> -> memref<1x128xi32, #tpu.memory_space<vmem>>
    %dma_wait3A_107 = tpu.memref_squeeze %dma_wait3A_106 : memref<1x128xi32, #tpu.memory_space<vmem>> -> memref<128xi32, #tpu.memory_space<vmem>>
    %dma_wait3A_108 = arith.constant 0 : i32
    %dma_wait3A_109 = arith.constant 0 : i32
    %dma_wait3A_110 = tpu.memref_slice %arg5[%dma_wait3A_108, %dma_wait3A_109] : memref<18432x384xi32, #tpu.memory_space<hbm>> -> memref<18432x384xi32, #tpu.memory_space<hbm>>
    tpu.wait_indirect_dma semaphore(%arg10 : memref<!tpu.dma_semaphore, #tpu.memory_space<semaphore_mem>>) src(%dma_wait3A_104 : memref<128x384xi32, #tpu.memory_space<vmem>>) dst(%dma_wait3A_110 : memref<18432x384xi32, #tpu.memory_space<hbm>>)
    %dma_wait3A_111 = arith.constant 1 : i32
    %dma_wait3A_112 = arith.constant 128 : i32
    %dma_wait3A_113 = arith.constant 0 : i32
    %dma_wait3A_114 = tpu.memref_slice %arg6[%dma_wait3A_112, %dma_wait3A_113] : memref<256x384xi32, #tpu.memory_space<vmem>> -> memref<128x384xi32, #tpu.memory_space<vmem>>
    %dma_wait3A_115 = arith.constant 0 : i32
    %dma_wait3A_116 = tpu.memref_slice %arg8[%dma_wait3A_111, %dma_wait3A_115] : memref<2x128xi32, #tpu.memory_space<vmem>> -> memref<1x128xi32, #tpu.memory_space<vmem>>
    %dma_wait3A_117 = tpu.memref_squeeze %dma_wait3A_116 : memref<1x128xi32, #tpu.memory_space<vmem>> -> memref<128xi32, #tpu.memory_space<vmem>>
    %dma_wait3A_118 = arith.constant 0 : i32
    %dma_wait3A_119 = arith.constant 0 : i32
    %dma_wait3A_120 = tpu.memref_slice %arg5[%dma_wait3A_118, %dma_wait3A_119] : memref<18432x384xi32, #tpu.memory_space<hbm>> -> memref<18432x384xi32, #tpu.memory_space<hbm>>
    tpu.wait_indirect_dma semaphore(%arg10 : memref<!tpu.dma_semaphore, #tpu.memory_space<semaphore_mem>>) src(%dma_wait3A_114 : memref<128x384xi32, #tpu.memory_space<vmem>>) dst(%dma_wait3A_120 : memref<18432x384xi32, #tpu.memory_space<hbm>>)
    return
  }
}

#map = affine_map<(d0, d1) -> (0, 0)>
#map1 = affine_map<(d0, d1) -> (0, 0, 0)>
module attributes {stable_mosaic.version = 14 : i64} {
  func.func @body(%arg0: i32, %arg1: i32, %arg2: memref<18432x384xi32, #tpu.memory_space<hbm>>, %arg3: memref<32x2x128xi32, #tpu.memory_space<hbm>>, %arg4: memref<32x2x128xi32, #tpu.memory_space<hbm>>, %arg5: memref<8192x384xi32, #tpu.memory_space<hbm>>, %arg6: memref<8192x384xi32, #tpu.memory_space<hbm>>, %arg7: memref<256x384xi32, #tpu.memory_space<vmem>>, %arg8: memref<2x128xi32, #tpu.memory_space<vmem>>, %arg9: memref<2x128xi32, #tpu.memory_space<vmem>>, %arg10: memref<!tpu.dma_semaphore, #tpu.memory_space<semaphore_mem>>, %arg11: memref<!tpu.dma_semaphore, #tpu.memory_space<semaphore_mem>>) attributes {dimension_semantics = [#tpu.dimension_semantics<core_parallel>, #tpu.dimension_semantics<subcore_parallel>], iteration_bounds = array<i64: 2, 16>, scalar_prefetch = 0 : i64, scratch_operands = 5 : i64, tpu.core_type = #tpu.core_type<sc_vector_subcore>, window_params = [{transform_indices = #map}, {transform_indices = #map1}, {transform_indices = #map1}, {transform_indices = #map}, {transform_indices = #map}]} {
    %mul3A = arith.constant 2 : i32
    %mul3A_0 = arith.muli %arg1, %mul3A : i32
    %add3A = arith.addi %mul3A_0, %arg0 : i32
    %mul3A_1 = arith.constant 256 : i32
    %mul3A_2 = arith.muli %add3A, %mul3A_1 : i32
    %dma_start3A = arith.constant 0 : i32
    %dma_start3A_3 = arith.constant 0 : i32
    %dma_start3A_4 = tpu.memref_slice %arg3[%add3A, %dma_start3A, %dma_start3A_3] : memref<32x2x128xi32, #tpu.memory_space<hbm>> -> memref<1x2x128xi32, #tpu.memory_space<hbm>>
    %dma_start3A_5 = tpu.memref_squeeze %dma_start3A_4 : memref<1x2x128xi32, #tpu.memory_space<hbm>> -> memref<2x128xi32, #tpu.memory_space<hbm>>
    %dma_start3A_6 = arith.constant 0 : i32
    %dma_start3A_7 = arith.constant 0 : i32
    %dma_start3A_8 = tpu.memref_slice %arg3[%add3A, %dma_start3A_6, %dma_start3A_7] : memref<32x2x128xi32, #tpu.memory_space<hbm>> -> memref<1x2x128xi32, #tpu.memory_space<hbm>>
    %dma_start3A_9 = tpu.memref_squeeze %dma_start3A_8 : memref<1x2x128xi32, #tpu.memory_space<hbm>> -> memref<2x128xi32, #tpu.memory_space<hbm>>
    tpu.enqueue_dma source(%dma_start3A_9 : memref<2x128xi32, #tpu.memory_space<hbm>>) target(%arg8 : memref<2x128xi32, #tpu.memory_space<vmem>>) target_semaphore(%arg10 : memref<!tpu.dma_semaphore, #tpu.memory_space<semaphore_mem>>)
    %dma_start3A_10 = arith.constant 0 : i32
    %dma_start3A_11 = arith.constant 0 : i32
    %dma_start3A_12 = tpu.memref_slice %arg4[%add3A, %dma_start3A_10, %dma_start3A_11] : memref<32x2x128xi32, #tpu.memory_space<hbm>> -> memref<1x2x128xi32, #tpu.memory_space<hbm>>
    %dma_start3A_13 = tpu.memref_squeeze %dma_start3A_12 : memref<1x2x128xi32, #tpu.memory_space<hbm>> -> memref<2x128xi32, #tpu.memory_space<hbm>>
    %dma_start3A_14 = arith.constant 0 : i32
    %dma_start3A_15 = arith.constant 0 : i32
    %dma_start3A_16 = tpu.memref_slice %arg4[%add3A, %dma_start3A_14, %dma_start3A_15] : memref<32x2x128xi32, #tpu.memory_space<hbm>> -> memref<1x2x128xi32, #tpu.memory_space<hbm>>
    %dma_start3A_17 = tpu.memref_squeeze %dma_start3A_16 : memref<1x2x128xi32, #tpu.memory_space<hbm>> -> memref<2x128xi32, #tpu.memory_space<hbm>>
    tpu.enqueue_dma source(%dma_start3A_17 : memref<2x128xi32, #tpu.memory_space<hbm>>) target(%arg9 : memref<2x128xi32, #tpu.memory_space<vmem>>) target_semaphore(%arg10 : memref<!tpu.dma_semaphore, #tpu.memory_space<semaphore_mem>>)
    %dma_wait3A = arith.constant 0 : i32
    %dma_wait3A_18 = arith.constant 0 : i32
    %dma_wait3A_19 = tpu.memref_slice %arg3[%add3A, %dma_wait3A, %dma_wait3A_18] : memref<32x2x128xi32, #tpu.memory_space<hbm>> -> memref<1x2x128xi32, #tpu.memory_space<hbm>>
    %dma_wait3A_20 = tpu.memref_squeeze %dma_wait3A_19 : memref<1x2x128xi32, #tpu.memory_space<hbm>> -> memref<2x128xi32, #tpu.memory_space<hbm>>
    %dma_wait3A_21 = arith.constant 0 : i32
    %dma_wait3A_22 = arith.constant 0 : i32
    %dma_wait3A_23 = tpu.memref_slice %arg3[%add3A, %dma_wait3A_21, %dma_wait3A_22] : memref<32x2x128xi32, #tpu.memory_space<hbm>> -> memref<1x2x128xi32, #tpu.memory_space<hbm>>
    %dma_wait3A_24 = tpu.memref_squeeze %dma_wait3A_23 : memref<1x2x128xi32, #tpu.memory_space<hbm>> -> memref<2x128xi32, #tpu.memory_space<hbm>>
    tpu.wait_dma2 semaphore(%arg10 : memref<!tpu.dma_semaphore, #tpu.memory_space<semaphore_mem>>) src(%dma_wait3A_24 : memref<2x128xi32, #tpu.memory_space<hbm>>) dst(%arg8 : memref<2x128xi32, #tpu.memory_space<vmem>>)
    %dma_wait3A_25 = arith.constant 0 : i32
    %dma_wait3A_26 = arith.constant 0 : i32
    %dma_wait3A_27 = tpu.memref_slice %arg4[%add3A, %dma_wait3A_25, %dma_wait3A_26] : memref<32x2x128xi32, #tpu.memory_space<hbm>> -> memref<1x2x128xi32, #tpu.memory_space<hbm>>
    %dma_wait3A_28 = tpu.memref_squeeze %dma_wait3A_27 : memref<1x2x128xi32, #tpu.memory_space<hbm>> -> memref<2x128xi32, #tpu.memory_space<hbm>>
    %dma_wait3A_29 = arith.constant 0 : i32
    %dma_wait3A_30 = arith.constant 0 : i32
    %dma_wait3A_31 = tpu.memref_slice %arg4[%add3A, %dma_wait3A_29, %dma_wait3A_30] : memref<32x2x128xi32, #tpu.memory_space<hbm>> -> memref<1x2x128xi32, #tpu.memory_space<hbm>>
    %dma_wait3A_32 = tpu.memref_squeeze %dma_wait3A_31 : memref<1x2x128xi32, #tpu.memory_space<hbm>> -> memref<2x128xi32, #tpu.memory_space<hbm>>
    tpu.wait_dma2 semaphore(%arg10 : memref<!tpu.dma_semaphore, #tpu.memory_space<semaphore_mem>>) src(%dma_wait3A_32 : memref<2x128xi32, #tpu.memory_space<hbm>>) dst(%arg9 : memref<2x128xi32, #tpu.memory_space<vmem>>)
    %dma_start3A_33 = arith.constant 0 : i32
    %dma_start3A_34 = arith.constant 0 : i32
    %dma_start3A_35 = arith.constant 0 : i32
    %dma_start3A_36 = tpu.memref_slice %arg7[%dma_start3A_34, %dma_start3A_35] : memref<256x384xi32, #tpu.memory_space<vmem>> -> memref<128x384xi32, #tpu.memory_space<vmem>>
    %dma_start3A_37 = arith.constant 0 : i32
    %dma_start3A_38 = tpu.memref_slice %arg8[%dma_start3A_33, %dma_start3A_37] : memref<2x128xi32, #tpu.memory_space<vmem>> -> memref<1x128xi32, #tpu.memory_space<vmem>>
    %dma_start3A_39 = tpu.memref_squeeze %dma_start3A_38 : memref<1x128xi32, #tpu.memory_space<vmem>> -> memref<128xi32, #tpu.memory_space<vmem>>
    %dma_start3A_40 = arith.constant 0 : i32
    %dma_start3A_41 = arith.constant 0 : i32
    %dma_start3A_42 = tpu.memref_slice %arg2[%dma_start3A_40, %dma_start3A_41] : memref<18432x384xi32, #tpu.memory_space<hbm>> -> memref<18432x384xi32, #tpu.memory_space<hbm>>
    tpu.enqueue_indirect_dma source(%dma_start3A_42 : memref<18432x384xi32, #tpu.memory_space<hbm>>) target(%dma_start3A_36 : memref<128x384xi32, #tpu.memory_space<vmem>>) offsets(%dma_start3A_39 : memref<128xi32, #tpu.memory_space<vmem>>) semaphore(%arg11 : memref<!tpu.dma_semaphore, #tpu.memory_space<semaphore_mem>>)
    %dma_start3A_43 = arith.constant 1 : i32
    %dma_start3A_44 = arith.constant 128 : i32
    %dma_start3A_45 = arith.constant 0 : i32
    %dma_start3A_46 = tpu.memref_slice %arg7[%dma_start3A_44, %dma_start3A_45] : memref<256x384xi32, #tpu.memory_space<vmem>> -> memref<128x384xi32, #tpu.memory_space<vmem>>
    %dma_start3A_47 = arith.constant 0 : i32
    %dma_start3A_48 = tpu.memref_slice %arg8[%dma_start3A_43, %dma_start3A_47] : memref<2x128xi32, #tpu.memory_space<vmem>> -> memref<1x128xi32, #tpu.memory_space<vmem>>
    %dma_start3A_49 = tpu.memref_squeeze %dma_start3A_48 : memref<1x128xi32, #tpu.memory_space<vmem>> -> memref<128xi32, #tpu.memory_space<vmem>>
    %dma_start3A_50 = arith.constant 0 : i32
    %dma_start3A_51 = arith.constant 0 : i32
    %dma_start3A_52 = tpu.memref_slice %arg2[%dma_start3A_50, %dma_start3A_51] : memref<18432x384xi32, #tpu.memory_space<hbm>> -> memref<18432x384xi32, #tpu.memory_space<hbm>>
    tpu.enqueue_indirect_dma source(%dma_start3A_52 : memref<18432x384xi32, #tpu.memory_space<hbm>>) target(%dma_start3A_46 : memref<128x384xi32, #tpu.memory_space<vmem>>) offsets(%dma_start3A_49 : memref<128xi32, #tpu.memory_space<vmem>>) semaphore(%arg11 : memref<!tpu.dma_semaphore, #tpu.memory_space<semaphore_mem>>)
    %dma_wait3A_53 = arith.constant 0 : i32
    %dma_wait3A_54 = arith.constant 0 : i32
    %dma_wait3A_55 = arith.constant 0 : i32
    %dma_wait3A_56 = tpu.memref_slice %arg7[%dma_wait3A_54, %dma_wait3A_55] : memref<256x384xi32, #tpu.memory_space<vmem>> -> memref<128x384xi32, #tpu.memory_space<vmem>>
    %dma_wait3A_57 = arith.constant 0 : i32
    %dma_wait3A_58 = tpu.memref_slice %arg8[%dma_wait3A_53, %dma_wait3A_57] : memref<2x128xi32, #tpu.memory_space<vmem>> -> memref<1x128xi32, #tpu.memory_space<vmem>>
    %dma_wait3A_59 = tpu.memref_squeeze %dma_wait3A_58 : memref<1x128xi32, #tpu.memory_space<vmem>> -> memref<128xi32, #tpu.memory_space<vmem>>
    %dma_wait3A_60 = arith.constant 0 : i32
    %dma_wait3A_61 = arith.constant 0 : i32
    %dma_wait3A_62 = tpu.memref_slice %arg2[%dma_wait3A_60, %dma_wait3A_61] : memref<18432x384xi32, #tpu.memory_space<hbm>> -> memref<18432x384xi32, #tpu.memory_space<hbm>>
    tpu.wait_indirect_dma semaphore(%arg11 : memref<!tpu.dma_semaphore, #tpu.memory_space<semaphore_mem>>) src(%dma_wait3A_62 : memref<18432x384xi32, #tpu.memory_space<hbm>>) dst(%dma_wait3A_56 : memref<128x384xi32, #tpu.memory_space<vmem>>)
    %dma_wait3A_63 = arith.constant 1 : i32
    %dma_wait3A_64 = arith.constant 128 : i32
    %dma_wait3A_65 = arith.constant 0 : i32
    %dma_wait3A_66 = tpu.memref_slice %arg7[%dma_wait3A_64, %dma_wait3A_65] : memref<256x384xi32, #tpu.memory_space<vmem>> -> memref<128x384xi32, #tpu.memory_space<vmem>>
    %dma_wait3A_67 = arith.constant 0 : i32
    %dma_wait3A_68 = tpu.memref_slice %arg8[%dma_wait3A_63, %dma_wait3A_67] : memref<2x128xi32, #tpu.memory_space<vmem>> -> memref<1x128xi32, #tpu.memory_space<vmem>>
    %dma_wait3A_69 = tpu.memref_squeeze %dma_wait3A_68 : memref<1x128xi32, #tpu.memory_space<vmem>> -> memref<128xi32, #tpu.memory_space<vmem>>
    %dma_wait3A_70 = arith.constant 0 : i32
    %dma_wait3A_71 = arith.constant 0 : i32
    %dma_wait3A_72 = tpu.memref_slice %arg2[%dma_wait3A_70, %dma_wait3A_71] : memref<18432x384xi32, #tpu.memory_space<hbm>> -> memref<18432x384xi32, #tpu.memory_space<hbm>>
    tpu.wait_indirect_dma semaphore(%arg11 : memref<!tpu.dma_semaphore, #tpu.memory_space<semaphore_mem>>) src(%dma_wait3A_72 : memref<18432x384xi32, #tpu.memory_space<hbm>>) dst(%dma_wait3A_66 : memref<128x384xi32, #tpu.memory_space<vmem>>)
    "tpu.region"() ({
      %run_scoped3A = tpu.sem_alloc : memref<!tpu.dma_semaphore, #tpu.memory_space<semaphore_mem>>
      %dma_start3A_113 = arith.constant 0 : i32
      %dma_start3A_114 = tpu.memref_slice %arg5[%mul3A_2, %dma_start3A_113] : memref<8192x384xi32, #tpu.memory_space<hbm>> -> memref<256x384xi32, #tpu.memory_space<hbm>>
      %dma_start3A_115 = arith.constant 0 : i32
      %dma_start3A_116 = tpu.memref_slice %arg5[%mul3A_2, %dma_start3A_115] : memref<8192x384xi32, #tpu.memory_space<hbm>> -> memref<256x384xi32, #tpu.memory_space<hbm>>
      tpu.enqueue_dma source(%arg7 : memref<256x384xi32, #tpu.memory_space<vmem>>) target(%dma_start3A_116 : memref<256x384xi32, #tpu.memory_space<hbm>>) target_semaphore(%run_scoped3A : memref<!tpu.dma_semaphore, #tpu.memory_space<semaphore_mem>>)
      %dma_wait3A_117 = arith.constant 0 : i32
      %dma_wait3A_118 = tpu.memref_slice %arg5[%mul3A_2, %dma_wait3A_117] : memref<8192x384xi32, #tpu.memory_space<hbm>> -> memref<256x384xi32, #tpu.memory_space<hbm>>
      %dma_wait3A_119 = arith.constant 0 : i32
      %dma_wait3A_120 = tpu.memref_slice %arg5[%mul3A_2, %dma_wait3A_119] : memref<8192x384xi32, #tpu.memory_space<hbm>> -> memref<256x384xi32, #tpu.memory_space<hbm>>
      tpu.wait_dma2 semaphore(%run_scoped3A : memref<!tpu.dma_semaphore, #tpu.memory_space<semaphore_mem>>) src(%arg7 : memref<256x384xi32, #tpu.memory_space<vmem>>) dst(%dma_wait3A_120 : memref<256x384xi32, #tpu.memory_space<hbm>>)
      tpu.yield
    }) : () -> ()
    %dma_start3A_73 = arith.constant 0 : i32
    %dma_start3A_74 = arith.constant 0 : i32
    %dma_start3A_75 = arith.constant 0 : i32
    %dma_start3A_76 = tpu.memref_slice %arg7[%dma_start3A_74, %dma_start3A_75] : memref<256x384xi32, #tpu.memory_space<vmem>> -> memref<128x384xi32, #tpu.memory_space<vmem>>
    %dma_start3A_77 = arith.constant 0 : i32
    %dma_start3A_78 = tpu.memref_slice %arg9[%dma_start3A_73, %dma_start3A_77] : memref<2x128xi32, #tpu.memory_space<vmem>> -> memref<1x128xi32, #tpu.memory_space<vmem>>
    %dma_start3A_79 = tpu.memref_squeeze %dma_start3A_78 : memref<1x128xi32, #tpu.memory_space<vmem>> -> memref<128xi32, #tpu.memory_space<vmem>>
    %dma_start3A_80 = arith.constant 0 : i32
    %dma_start3A_81 = arith.constant 0 : i32
    %dma_start3A_82 = tpu.memref_slice %arg2[%dma_start3A_80, %dma_start3A_81] : memref<18432x384xi32, #tpu.memory_space<hbm>> -> memref<18432x384xi32, #tpu.memory_space<hbm>>
    tpu.enqueue_indirect_dma source(%dma_start3A_82 : memref<18432x384xi32, #tpu.memory_space<hbm>>) target(%dma_start3A_76 : memref<128x384xi32, #tpu.memory_space<vmem>>) offsets(%dma_start3A_79 : memref<128xi32, #tpu.memory_space<vmem>>) semaphore(%arg11 : memref<!tpu.dma_semaphore, #tpu.memory_space<semaphore_mem>>)
    %dma_start3A_83 = arith.constant 1 : i32
    %dma_start3A_84 = arith.constant 128 : i32
    %dma_start3A_85 = arith.constant 0 : i32
    %dma_start3A_86 = tpu.memref_slice %arg7[%dma_start3A_84, %dma_start3A_85] : memref<256x384xi32, #tpu.memory_space<vmem>> -> memref<128x384xi32, #tpu.memory_space<vmem>>
    %dma_start3A_87 = arith.constant 0 : i32
    %dma_start3A_88 = tpu.memref_slice %arg9[%dma_start3A_83, %dma_start3A_87] : memref<2x128xi32, #tpu.memory_space<vmem>> -> memref<1x128xi32, #tpu.memory_space<vmem>>
    %dma_start3A_89 = tpu.memref_squeeze %dma_start3A_88 : memref<1x128xi32, #tpu.memory_space<vmem>> -> memref<128xi32, #tpu.memory_space<vmem>>
    %dma_start3A_90 = arith.constant 0 : i32
    %dma_start3A_91 = arith.constant 0 : i32
    %dma_start3A_92 = tpu.memref_slice %arg2[%dma_start3A_90, %dma_start3A_91] : memref<18432x384xi32, #tpu.memory_space<hbm>> -> memref<18432x384xi32, #tpu.memory_space<hbm>>
    tpu.enqueue_indirect_dma source(%dma_start3A_92 : memref<18432x384xi32, #tpu.memory_space<hbm>>) target(%dma_start3A_86 : memref<128x384xi32, #tpu.memory_space<vmem>>) offsets(%dma_start3A_89 : memref<128xi32, #tpu.memory_space<vmem>>) semaphore(%arg11 : memref<!tpu.dma_semaphore, #tpu.memory_space<semaphore_mem>>)
    %dma_wait3A_93 = arith.constant 0 : i32
    %dma_wait3A_94 = arith.constant 0 : i32
    %dma_wait3A_95 = arith.constant 0 : i32
    %dma_wait3A_96 = tpu.memref_slice %arg7[%dma_wait3A_94, %dma_wait3A_95] : memref<256x384xi32, #tpu.memory_space<vmem>> -> memref<128x384xi32, #tpu.memory_space<vmem>>
    %dma_wait3A_97 = arith.constant 0 : i32
    %dma_wait3A_98 = tpu.memref_slice %arg9[%dma_wait3A_93, %dma_wait3A_97] : memref<2x128xi32, #tpu.memory_space<vmem>> -> memref<1x128xi32, #tpu.memory_space<vmem>>
    %dma_wait3A_99 = tpu.memref_squeeze %dma_wait3A_98 : memref<1x128xi32, #tpu.memory_space<vmem>> -> memref<128xi32, #tpu.memory_space<vmem>>
    %dma_wait3A_100 = arith.constant 0 : i32
    %dma_wait3A_101 = arith.constant 0 : i32
    %dma_wait3A_102 = tpu.memref_slice %arg2[%dma_wait3A_100, %dma_wait3A_101] : memref<18432x384xi32, #tpu.memory_space<hbm>> -> memref<18432x384xi32, #tpu.memory_space<hbm>>
    tpu.wait_indirect_dma semaphore(%arg11 : memref<!tpu.dma_semaphore, #tpu.memory_space<semaphore_mem>>) src(%dma_wait3A_102 : memref<18432x384xi32, #tpu.memory_space<hbm>>) dst(%dma_wait3A_96 : memref<128x384xi32, #tpu.memory_space<vmem>>)
    %dma_wait3A_103 = arith.constant 1 : i32
    %dma_wait3A_104 = arith.constant 128 : i32
    %dma_wait3A_105 = arith.constant 0 : i32
    %dma_wait3A_106 = tpu.memref_slice %arg7[%dma_wait3A_104, %dma_wait3A_105] : memref<256x384xi32, #tpu.memory_space<vmem>> -> memref<128x384xi32, #tpu.memory_space<vmem>>
    %dma_wait3A_107 = arith.constant 0 : i32
    %dma_wait3A_108 = tpu.memref_slice %arg9[%dma_wait3A_103, %dma_wait3A_107] : memref<2x128xi32, #tpu.memory_space<vmem>> -> memref<1x128xi32, #tpu.memory_space<vmem>>
    %dma_wait3A_109 = tpu.memref_squeeze %dma_wait3A_108 : memref<1x128xi32, #tpu.memory_space<vmem>> -> memref<128xi32, #tpu.memory_space<vmem>>
    %dma_wait3A_110 = arith.constant 0 : i32
    %dma_wait3A_111 = arith.constant 0 : i32
    %dma_wait3A_112 = tpu.memref_slice %arg2[%dma_wait3A_110, %dma_wait3A_111] : memref<18432x384xi32, #tpu.memory_space<hbm>> -> memref<18432x384xi32, #tpu.memory_space<hbm>>
    tpu.wait_indirect_dma semaphore(%arg11 : memref<!tpu.dma_semaphore, #tpu.memory_space<semaphore_mem>>) src(%dma_wait3A_112 : memref<18432x384xi32, #tpu.memory_space<hbm>>) dst(%dma_wait3A_106 : memref<128x384xi32, #tpu.memory_space<vmem>>)
    "tpu.region"() ({
      %run_scoped3A = tpu.sem_alloc : memref<!tpu.dma_semaphore, #tpu.memory_space<semaphore_mem>>
      %dma_start3A_113 = arith.constant 0 : i32
      %dma_start3A_114 = tpu.memref_slice %arg6[%mul3A_2, %dma_start3A_113] : memref<8192x384xi32, #tpu.memory_space<hbm>> -> memref<256x384xi32, #tpu.memory_space<hbm>>
      %dma_start3A_115 = arith.constant 0 : i32
      %dma_start3A_116 = tpu.memref_slice %arg6[%mul3A_2, %dma_start3A_115] : memref<8192x384xi32, #tpu.memory_space<hbm>> -> memref<256x384xi32, #tpu.memory_space<hbm>>
      tpu.enqueue_dma source(%arg7 : memref<256x384xi32, #tpu.memory_space<vmem>>) target(%dma_start3A_116 : memref<256x384xi32, #tpu.memory_space<hbm>>) target_semaphore(%run_scoped3A : memref<!tpu.dma_semaphore, #tpu.memory_space<semaphore_mem>>)
      %dma_wait3A_117 = arith.constant 0 : i32
      %dma_wait3A_118 = tpu.memref_slice %arg6[%mul3A_2, %dma_wait3A_117] : memref<8192x384xi32, #tpu.memory_space<hbm>> -> memref<256x384xi32, #tpu.memory_space<hbm>>
      %dma_wait3A_119 = arith.constant 0 : i32
      %dma_wait3A_120 = tpu.memref_slice %arg6[%mul3A_2, %dma_wait3A_119] : memref<8192x384xi32, #tpu.memory_space<hbm>> -> memref<256x384xi32, #tpu.memory_space<hbm>>
      tpu.wait_dma2 semaphore(%run_scoped3A : memref<!tpu.dma_semaphore, #tpu.memory_space<semaphore_mem>>) src(%arg7 : memref<256x384xi32, #tpu.memory_space<vmem>>) dst(%dma_wait3A_120 : memref<256x384xi32, #tpu.memory_space<hbm>>)
      tpu.yield
    }) : () -> ()
    return
  }
}

module attributes {stable_mosaic.version = 14 : i64} {
  func.func @_gate_body(%arg0: i32, %arg1: memref<256x768xf32, #tpu.memory_space<vmem>>, %arg2: memref<768x8xf32, #tpu.memory_space<vmem>>, %arg3: memref<256x2xf32, #tpu.memory_space<vmem>>, %arg4: memref<256x2xi32, #tpu.memory_space<vmem>>, %arg5: memref<256x2xi32, #tpu.memory_space<vmem>>, %arg6: memref<8x8xi32, #tpu.memory_space<vmem>>, %arg7: memref<256x384xi32, #tpu.memory_space<vmem>>, %arg8: memref<1x8xf32, #tpu.memory_space<vmem>>) attributes {dimension_semantics = [#tpu.dimension_semantics<arbitrary>], iteration_bounds = array<i64: 32>, scalar_prefetch = 0 : i64, scratch_operands = 1 : i64, tpu.core_type = #tpu.core_type<tc>, window_params = [{transform_indices = @transform_0, window_bounds = array<i64: 256, 768>}, {pipeline_mode = #tpu.pipeline_mode<synchronous>, transform_indices = @transform_1, window_bounds = array<i64: 768, 8>}, {transform_indices = @transform_2, window_bounds = array<i64: 256, 2>}, {transform_indices = @transform_3, window_bounds = array<i64: 256, 2>}, {transform_indices = @transform_4, window_bounds = array<i64: 256, 2>}, {pipeline_mode = #tpu.pipeline_mode<synchronous>, transform_indices = @transform_5, window_bounds = array<i64: 8, 8>}, {transform_indices = @transform_6, window_bounds = array<i64: 256, 384>}]} {
    %eq3A = arith.constant 0 : i32
    %eq3A_0 = arith.cmpi eq, %arg0, %eq3A : i32
    %convert_element_type3A = arith.extui %eq3A_0 : i1 to i32
    %cond3A = arith.constant 0 : i32
    %cond3A_1 = arith.cmpi ne, %convert_element_type3A, %cond3A : i32
    scf.if %cond3A_1 {
      %broadcast_in_dim3A_117 = arith.constant 0.000000e+00 : f32
      %broadcast_in_dim3A_118 = vector.broadcast %broadcast_in_dim3A_117 : f32 to vector<1x8xf32>
      %swap3A_119 = arith.constant 0 : index
      %swap3A_120 = arith.constant 0 : index
      %swap3A_121 = vector.load %arg8[%swap3A_119, %swap3A_120] : memref<1x8xf32, #tpu.memory_space<vmem>>, vector<1x8xf32>
      tpu.vector_store %arg8[%swap3A_119, %swap3A_120], %broadcast_in_dim3A_118 {strides = array<i32>} : memref<1x8xf32, #tpu.memory_space<vmem>>, vector<1x8xf32>,
    } else {
    }
    %get3A = arith.constant 0 : index
    %get3A_2 = arith.constant 0 : index
    %get3A_3 = vector.load %arg1[%get3A, %get3A_2] : memref<256x768xf32, #tpu.memory_space<vmem>>, vector<256x768xf32>
    %bitcast_convert_type3A = tpu.bitcast %get3A_3 : vector<256x768xf32> -> vector<256x768xi32>
    %add3A = arith.constant 32767 : i32
    %add3A_4 = vector.broadcast %add3A : i32 to vector<256x768xi32>
    %add3A_5 = arith.addi %bitcast_convert_type3A, %add3A_4 : vector<256x768xi32>
    %shift_right_logical3A = arith.constant 16 : i32
    %shift_right_logical3A_6 = vector.broadcast %shift_right_logical3A : i32 to vector<256x768xi32>
    %shift_right_logical3A_7 = arith.shrui %bitcast_convert_type3A, %shift_right_logical3A_6 : vector<256x768xi32>
    %and3A = arith.constant 1 : i32
    %and3A_8 = vector.broadcast %and3A : i32 to vector<256x768xi32>
    %and3A_9 = arith.andi %shift_right_logical3A_7, %and3A_8 : vector<256x768xi32>
    %add3A_10 = arith.addi %add3A_5, %and3A_9 : vector<256x768xi32>
    %shift_right_logical3A_11 = arith.constant 16 : i32
    %shift_right_logical3A_12 = vector.broadcast %shift_right_logical3A_11 : i32 to vector<256x768xi32>
    %shift_right_logical3A_13 = arith.shrui %add3A_10, %shift_right_logical3A_12 : vector<256x768xi32>
    %slice3A = vector.extract_strided_slice %shift_right_logical3A_13 {offsets = [0, 0], sizes = [256, 384], strides = [1, 1]} : vector<256x768xi32> to vector<256x384xi32>
    %slice3A_14 = vector.extract_strided_slice %shift_right_logical3A_13 {offsets = [0, 384], sizes = [256, 384], strides = [1, 1]} : vector<256x768xi32> to vector<256x384xi32>
    %shift_left3A = arith.constant 16 : i32
    %shift_left3A_15 = vector.broadcast %shift_left3A : i32 to vector<256x384xi32>
    %shift_left3A_16 = arith.shli %slice3A_14, %shift_left3A_15 : vector<256x384xi32>
    %or3A = arith.ori %slice3A, %shift_left3A_16 : vector<256x384xi32>
    %swap3A = arith.constant 0 : index
    %swap3A_17 = arith.constant 0 : index
    %swap3A_18 = vector.load %arg7[%swap3A, %swap3A_17] : memref<256x384xi32, #tpu.memory_space<vmem>>, vector<256x384xi32>
    tpu.vector_store %arg7[%swap3A, %swap3A_17], %or3A {strides = array<i32>} : memref<256x384xi32, #tpu.memory_space<vmem>>, vector<256x384xi32>,
    %get3A_19 = arith.constant 0 : index
    %get3A_20 = arith.constant 0 : index
    %get3A_21 = vector.load %arg1[%get3A_19, %get3A_20] : memref<256x768xf32, #tpu.memory_space<vmem>>, vector<256x768xf32>
    %get3A_22 = arith.constant 0 : index
    %get3A_23 = arith.constant 0 : index
    %get3A_24 = vector.load %arg2[%get3A_22, %get3A_23] : memref<768x8xf32, #tpu.memory_space<vmem>>, vector<768x8xf32>
    %dot_general3A = arith.constant dense<0.000000e+00> : vector<256x8xf32>
    %dot_general3A_25 = tpu.matmul %get3A_21, %get3A_24, %dot_general3A {dimension_numbers = #tpu.dot_dimension_numbers<[1], [0], [0], [1], [0, 0, 1, 1], [], []>, transpose_lhs_hint = false} : vector<256x768xf32>, vector<768x8xf32>, vector<256x8xf32> -> vector<256x8xf32>
    %iota3A = tpu.iota {dimensions = array<i32: 1>} : vector<256x8xi32>
    %reduce_max3A = arith.constant dense<0xFF800000> : vector<256xf32>
    %reduce_max3A_26 = vector.multi_reduction <maximumf>, %dot_general3A_25, %reduce_max3A [1] : vector<256x8xf32> to vector<256xf32>
    %broadcast_in_dim3A = vector.shape_cast %reduce_max3A_26 : vector<256xf32> to vector<256x1xf32>
    %eq3A_27 = vector.broadcast %broadcast_in_dim3A : vector<256x1xf32> to vector<256x8xf32>
    %eq3A_28 = arith.cmpf oeq, %dot_general3A_25, %eq3A_27 : vector<256x8xf32>
    %jit3A = arith.constant 8 : i32
    %broadcast_in_dim3A_29 = vector.broadcast %jit3A : i32 to vector<256x8xi32>
    %select_n3A = arith.select %eq3A_28, %iota3A, %broadcast_in_dim3A_29 : vector<256x8xi1>, vector<256x8xi32>
    %reduce_min3A = arith.constant dense<2147483647> : vector<256xi32>
    %reduce_min3A_30 = vector.multi_reduction <minsi>, %select_n3A, %reduce_min3A [1] : vector<256x8xi32> to vector<256xi32>
    %broadcast_in_dim3A_31 = vector.shape_cast %reduce_min3A_30 : vector<256xi32> to vector<256x1xi32>
    %eq3A_32 = vector.broadcast %broadcast_in_dim3A_31 : vector<256x1xi32> to vector<256x8xi32>
    %eq3A_33 = arith.cmpi eq, %iota3A, %eq3A_32 : vector<256x8xi32>
    %jit3A_34 = arith.constant 0xFF800000 : f32
    %broadcast_in_dim3A_35 = vector.broadcast %jit3A_34 : f32 to vector<256x8xf32>
    %select_n3A_36 = arith.select %eq3A_33, %broadcast_in_dim3A_35, %dot_general3A_25 : vector<256x8xi1>, vector<256x8xf32>
    %reduce_max3A_37 = arith.constant dense<0xFF800000> : vector<256xf32>
    %reduce_max3A_38 = vector.multi_reduction <maximumf>, %select_n3A_36, %reduce_max3A_37 [1] : vector<256x8xf32> to vector<256xf32>
    %broadcast_in_dim3A_39 = vector.shape_cast %reduce_max3A_38 : vector<256xf32> to vector<256x1xf32>
    %eq3A_40 = vector.broadcast %broadcast_in_dim3A_39 : vector<256x1xf32> to vector<256x8xf32>
    %eq3A_41 = arith.cmpf oeq, %select_n3A_36, %eq3A_40 : vector<256x8xf32>
    %jit3A_42 = arith.constant 8 : i32
    %broadcast_in_dim3A_43 = vector.broadcast %jit3A_42 : i32 to vector<256x8xi32>
    %select_n3A_44 = arith.select %eq3A_41, %iota3A, %broadcast_in_dim3A_43 : vector<256x8xi1>, vector<256x8xi32>
    %reduce_min3A_45 = arith.constant dense<2147483647> : vector<256xi32>
    %reduce_min3A_46 = vector.multi_reduction <minsi>, %select_n3A_44, %reduce_min3A_45 [1] : vector<256x8xi32> to vector<256xi32>
    %broadcast_in_dim3A_47 = vector.shape_cast %reduce_min3A_46 : vector<256xi32> to vector<256x1xi32>
    %sub3A = arith.subf %broadcast_in_dim3A_39, %broadcast_in_dim3A : vector<256x1xf32>
    %exp3A = math.exp %sub3A : vector<256x1xf32>
    %add3A_48 = arith.constant 1.000000e+00 : f32
    %add3A_49 = vector.broadcast %add3A_48 : f32 to vector<256x1xf32>
    %add3A_50 = arith.addf %add3A_49, %exp3A : vector<256x1xf32>
    %div3A = arith.constant 1.000000e+00 : f32
    %div3A_51 = vector.broadcast %div3A : f32 to vector<256x1xf32>
    %div3A_52 = arith.divf %div3A_51, %add3A_50 : vector<256x1xf32>
    %sub3A_53 = arith.constant 1.000000e+00 : f32
    %sub3A_54 = vector.broadcast %sub3A_53 : f32 to vector<256x1xf32>
    %sub3A_55 = arith.subf %sub3A_54, %div3A_52 : vector<256x1xf32>
    %concatenate3A = tpu.concatenate %div3A_52, %sub3A_55 in 1 : vector<256x1xf32>, vector<256x1xf32> -> vector<256x2xf32>
    %swap3A_56 = arith.constant 0 : index
    %swap3A_57 = arith.constant 0 : index
    %swap3A_58 = vector.load %arg3[%swap3A_56, %swap3A_57] : memref<256x2xf32, #tpu.memory_space<vmem>>, vector<256x2xf32>
    tpu.vector_store %arg3[%swap3A_56, %swap3A_57], %concatenate3A {strides = array<i32>} : memref<256x2xf32, #tpu.memory_space<vmem>>, vector<256x2xf32>,
    %concatenate3A_59 = tpu.concatenate %broadcast_in_dim3A_31, %broadcast_in_dim3A_47 in 1 : vector<256x1xi32>, vector<256x1xi32> -> vector<256x2xi32>
    %swap3A_60 = arith.constant 0 : index
    %swap3A_61 = arith.constant 0 : index
    %swap3A_62 = vector.load %arg4[%swap3A_60, %swap3A_61] : memref<256x2xi32, #tpu.memory_space<vmem>>, vector<256x2xi32>
    tpu.vector_store %arg4[%swap3A_60, %swap3A_61], %concatenate3A_59 {strides = array<i32>} : memref<256x2xi32, #tpu.memory_space<vmem>>, vector<256x2xi32>,
    %iota3A_63 = tpu.iota {dimensions = array<i32: 1>} : vector<256x8xi32>
    %eq3A_64 = vector.broadcast %broadcast_in_dim3A_31 : vector<256x1xi32> to vector<256x8xi32>
    %eq3A_65 = arith.cmpi eq, %iota3A_63, %eq3A_64 : vector<256x8xi32>
    %convert_element_type3A_66 = arith.extui %eq3A_65 : vector<256x8xi1> to vector<256x8xi32>
    %convert_element_type3A_67 = arith.sitofp %convert_element_type3A_66 : vector<256x8xi32> to vector<256x8xf32>
    %eq3A_68 = vector.broadcast %broadcast_in_dim3A_47 : vector<256x1xi32> to vector<256x8xi32>
    %eq3A_69 = arith.cmpi eq, %iota3A_63, %eq3A_68 : vector<256x8xi32>
    %convert_element_type3A_70 = arith.extui %eq3A_69 : vector<256x8xi1> to vector<256x8xi32>
    %convert_element_type3A_71 = arith.sitofp %convert_element_type3A_70 : vector<256x8xi32> to vector<256x8xf32>
    %add3A_72 = arith.addf %convert_element_type3A_67, %convert_element_type3A_71 : vector<256x8xf32>
    %iota3A_73 = tpu.iota {dimensions = array<i32: 0>} : vector<256x256xi32>
    %iota3A_74 = tpu.iota {dimensions = array<i32: 1>} : vector<256x256xi32>
    %gt3A = arith.cmpi sgt, %iota3A_73, %iota3A_74 : vector<256x256xi32>
    %convert_element_type3A_75 = arith.extui %gt3A : vector<256x256xi1> to vector<256x256xi32>
    %convert_element_type3A_76 = arith.sitofp %convert_element_type3A_75 : vector<256x256xi32> to vector<256x256xf32>
    %dot_general3A_77 = arith.constant dense<0.000000e+00> : vector<256x8xf32>
    %dot_general3A_78 = tpu.matmul %convert_element_type3A_76, %add3A_72, %dot_general3A_77 {dimension_numbers = #tpu.dot_dimension_numbers<[1], [0], [0], [1], [0, 0, 1, 1], [], []>, transpose_lhs_hint = false} : vector<256x256xf32>, vector<256x8xf32>, vector<256x8xf32> -> vector<256x8xf32>
    %get3A_79 = arith.constant 0 : index
    %get3A_80 = arith.constant 0 : index
    %get3A_81 = vector.load %arg8[%get3A_79, %get3A_80] : memref<1x8xf32, #tpu.memory_space<vmem>>, vector<1x8xf32>
    %add3A_82 = vector.broadcast %get3A_81 : vector<1x8xf32> to vector<256x8xf32>
    %add3A_83 = arith.addf %dot_general3A_78, %add3A_82 : vector<256x8xf32>
    %eq3A_84 = vector.broadcast %broadcast_in_dim3A_31 : vector<256x1xi32> to vector<256x8xi32>
    %eq3A_85 = arith.cmpi eq, %iota3A_63, %eq3A_84 : vector<256x8xi32>
    %jit3A_86 = arith.constant 0.000000e+00 : f32
    %broadcast_in_dim3A_87 = vector.broadcast %jit3A_86 : f32 to vector<256x8xf32>
    %select_n3A_88 = arith.select %eq3A_85, %add3A_83, %broadcast_in_dim3A_87 : vector<256x8xi1>, vector<256x8xf32>
    %reduce_sum3A = arith.constant dense<0.000000e+00> : vector<256xf32>
    %reduce_sum3A_89 = vector.multi_reduction <add>, %select_n3A_88, %reduce_sum3A [1] : vector<256x8xf32> to vector<256xf32>
    %broadcast_in_dim3A_90 = vector.shape_cast %reduce_sum3A_89 : vector<256xf32> to vector<256x1xf32>
    %eq3A_91 = vector.broadcast %broadcast_in_dim3A_47 : vector<256x1xi32> to vector<256x8xi32>
    %eq3A_92 = arith.cmpi eq, %iota3A_63, %eq3A_91 : vector<256x8xi32>
    %jit3A_93 = arith.constant 0.000000e+00 : f32
    %broadcast_in_dim3A_94 = vector.broadcast %jit3A_93 : f32 to vector<256x8xf32>
    %select_n3A_95 = arith.select %eq3A_92, %add3A_83, %broadcast_in_dim3A_94 : vector<256x8xi1>, vector<256x8xf32>
    %reduce_sum3A_96 = arith.constant dense<0.000000e+00> : vector<256xf32>
    %reduce_sum3A_97 = vector.multi_reduction <add>, %select_n3A_95, %reduce_sum3A_96 [1] : vector<256x8xf32> to vector<256xf32>
    %broadcast_in_dim3A_98 = vector.shape_cast %reduce_sum3A_97 : vector<256xf32> to vector<256x1xf32>
    %concatenate3A_99 = tpu.concatenate %broadcast_in_dim3A_90, %broadcast_in_dim3A_98 in 1 : vector<256x1xf32>, vector<256x1xf32> -> vector<256x2xf32>
    %convert_element_type3A_100 = arith.fptosi %concatenate3A_99 : vector<256x2xf32> to vector<256x2xi32>
    %swap3A_101 = arith.constant 0 : index
    %swap3A_102 = arith.constant 0 : index
    %swap3A_103 = vector.load %arg5[%swap3A_101, %swap3A_102] : memref<256x2xi32, #tpu.memory_space<vmem>>, vector<256x2xi32>
    tpu.vector_store %arg5[%swap3A_101, %swap3A_102], %convert_element_type3A_100 {strides = array<i32>} : memref<256x2xi32, #tpu.memory_space<vmem>>, vector<256x2xi32>,
    %reduce_sum3A_104 = arith.constant dense<0.000000e+00> : vector<8xf32>
    %reduce_sum3A_105 = vector.multi_reduction <add>, %add3A_72, %reduce_sum3A_104 [0] : vector<256x8xf32> to vector<8xf32>
    %broadcast_in_dim3A_106 = vector.shape_cast %reduce_sum3A_105 : vector<8xf32> to vector<1x8xf32>
    %add3A_107 = arith.addf %get3A_81, %broadcast_in_dim3A_106 : vector<1x8xf32>
    %swap3A_108 = arith.constant 0 : index
    %swap3A_109 = arith.constant 0 : index
    %swap3A_110 = vector.load %arg8[%swap3A_108, %swap3A_109] : memref<1x8xf32, #tpu.memory_space<vmem>>, vector<1x8xf32>
    tpu.vector_store %arg8[%swap3A_108, %swap3A_109], %add3A_107 {strides = array<i32>} : memref<1x8xf32, #tpu.memory_space<vmem>>, vector<1x8xf32>,
    %broadcast_in_dim3A_111 = vector.shape_cast %add3A_107 : vector<1x8xf32> to vector<1x8xf32>
    %broadcast_in_dim3A_112 = vector.broadcast %broadcast_in_dim3A_111 : vector<1x8xf32> to vector<8x8xf32>
    %convert_element_type3A_113 = arith.fptosi %broadcast_in_dim3A_112 : vector<8x8xf32> to vector<8x8xi32>
    %swap3A_114 = arith.constant 0 : index
    %swap3A_115 = arith.constant 0 : index
    %swap3A_116 = vector.load %arg6[%swap3A_114, %swap3A_115] : memref<8x8xi32, #tpu.memory_space<vmem>>, vector<8x8xi32>
    tpu.vector_store %arg6[%swap3A_114, %swap3A_115], %convert_element_type3A_113 {strides = array<i32>} : memref<8x8xi32, #tpu.memory_space<vmem>>, vector<8x8xi32>,
    return
  }
  func.func @transform_0(%arg0: i32) -> (i32, i32) {
    %c0_i32 = arith.constant 0 : i32
    %c0_i32_0 = arith.constant 0 : i32
    return %arg0, %c0_i32 : i32, i32
  }
  func.func @transform_1(%arg0: i32) -> (i32, i32) {
    %c0_i32 = arith.constant 0 : i32
    %c0_i32_0 = arith.constant 0 : i32
    %c0_i32_1 = arith.constant 0 : i32
    return %c0_i32, %c0_i32_0 : i32, i32
  }
  func.func @transform_2(%arg0: i32) -> (i32, i32) {
    %c0_i32 = arith.constant 0 : i32
    %c0_i32_0 = arith.constant 0 : i32
    return %arg0, %c0_i32 : i32, i32
  }
  func.func @transform_3(%arg0: i32) -> (i32, i32) {
    %c0_i32 = arith.constant 0 : i32
    %c0_i32_0 = arith.constant 0 : i32
    return %arg0, %c0_i32 : i32, i32
  }
  func.func @transform_4(%arg0: i32) -> (i32, i32) {
    %c0_i32 = arith.constant 0 : i32
    %c0_i32_0 = arith.constant 0 : i32
    return %arg0, %c0_i32 : i32, i32
  }
  func.func @transform_5(%arg0: i32) -> (i32, i32) {
    %c0_i32 = arith.constant 0 : i32
    %c0_i32_0 = arith.constant 0 : i32
    %c0_i32_1 = arith.constant 0 : i32
    return %c0_i32, %c0_i32_0 : i32, i32
  }
  func.func @transform_6(%arg0: i32) -> (i32, i32) {
    %c0_i32 = arith.constant 0 : i32
    %c0_i32_0 = arith.constant 0 : i32
    return %arg0, %c0_i32 : i32, i32
  }
}

module attributes {stable_mosaic.version = 14 : i64} {
  func.func @_route_body(%arg0: i32, %arg1: memref<256x2xi32, #tpu.memory_space<vmem>>, %arg2: memref<256x2xi32, #tpu.memory_space<vmem>>, %arg3: memref<8x8xi32, #tpu.memory_space<vmem>>, %arg4: memref<256x1xi32, #tpu.memory_space<vmem>>, %arg5: memref<256x1xi32, #tpu.memory_space<vmem>>, %arg6: memref<72x1xi32, #tpu.memory_space<vmem>>) attributes {dimension_semantics = [#tpu.dimension_semantics<arbitrary>], iteration_bounds = array<i64: 32>, scalar_prefetch = 0 : i64, scratch_operands = 0 : i64, tpu.core_type = #tpu.core_type<tc>, window_params = [{transform_indices = @transform_0, window_bounds = array<i64: 256, 2>}, {transform_indices = @transform_1, window_bounds = array<i64: 256, 2>}, {pipeline_mode = #tpu.pipeline_mode<synchronous>, transform_indices = @transform_2, window_bounds = array<i64: 8, 8>}, {transform_indices = @transform_3, window_bounds = array<i64: 256, 1>}, {transform_indices = @transform_4, window_bounds = array<i64: 256, 1>}, {pipeline_mode = #tpu.pipeline_mode<synchronous>, transform_indices = @transform_5, window_bounds = array<i64: 72, 1>}]} {
    %get3A = arith.constant 0 : index
    %get3A_0 = arith.constant 0 : index
    %get3A_1 = vector.load %arg3[%get3A, %get3A_0] : memref<8x8xi32, #tpu.memory_space<vmem>>, vector<1x8xi32>
    %add3A = arith.constant 255 : i32
    %add3A_2 = vector.broadcast %add3A : i32 to vector<1x8xi32>
    %add3A_3 = arith.addi %get3A_1, %add3A_2 : vector<1x8xi32>
    %and3A = arith.constant -256 : i32
    %and3A_4 = vector.broadcast %and3A : i32 to vector<1x8xi32>
    %and3A_5 = arith.andi %add3A_3, %and3A_4 : vector<1x8xi32>
    %iota3A = tpu.iota {dimensions = array<i32: 0>} : vector<8x8xi32>
    %iota3A_6 = tpu.iota {dimensions = array<i32: 1>} : vector<8x8xi32>
    %lt3A = arith.cmpi slt, %iota3A, %iota3A_6 : vector<8x8xi32>
    %convert_element_type3A = arith.extui %lt3A : vector<8x8xi1> to vector<8x8xi32>
    %convert_element_type3A_7 = arith.sitofp %convert_element_type3A : vector<8x8xi32> to vector<8x8xf32>
    %convert_element_type3A_8 = arith.sitofp %and3A_5 : vector<1x8xi32> to vector<1x8xf32>
    %dot_general3A = arith.constant dense<0.000000e+00> : vector<1x8xf32>
    %dot_general3A_9 = tpu.matmul %convert_element_type3A_8, %convert_element_type3A_7, %dot_general3A {dimension_numbers = #tpu.dot_dimension_numbers<[1], [0], [0], [1], [0, 0, 1, 1], [], []>, transpose_lhs_hint = false} : vector<1x8xf32>, vector<8x8xf32>, vector<1x8xf32> -> vector<1x8xf32>
    %convert_element_type3A_10 = arith.fptosi %dot_general3A_9 : vector<1x8xf32> to vector<1x8xi32>
    %get3A_11 = arith.constant 0 : index
    %get3A_12 = arith.constant 0 : index
    %get3A_13 = vector.load %arg1[%get3A_11, %get3A_12] : memref<256x2xi32, #tpu.memory_space<vmem>>, vector<256x2xi32>
    %iota3A_14 = tpu.iota {dimensions = array<i32: 1>} : vector<256x8xi32>
    %broadcast_in_dim3A = vector.shape_cast %convert_element_type3A_10 : vector<1x8xi32> to vector<1x8xi32>
    %broadcast_in_dim3A_15 = vector.broadcast %broadcast_in_dim3A : vector<1x8xi32> to vector<256x8xi32>
    %slice3A = vector.extract_strided_slice %get3A_13 {offsets = [0, 0], sizes = [256, 1], strides = [1, 1]} : vector<256x2xi32> to vector<256x1xi32>
    %eq3A = vector.broadcast %slice3A : vector<256x1xi32> to vector<256x8xi32>
    %eq3A_16 = arith.cmpi eq, %iota3A_14, %eq3A : vector<256x8xi32>
    %jit3A = arith.constant 0 : i32
    %broadcast_in_dim3A_17 = vector.broadcast %jit3A : i32 to vector<256x8xi32>
    %select_n3A = arith.select %eq3A_16, %broadcast_in_dim3A_15, %broadcast_in_dim3A_17 : vector<256x8xi1>, vector<256x8xi32>
    %reduce_sum3A = arith.constant dense<0> : vector<256xi32>
    %reduce_sum3A_18 = vector.multi_reduction <add>, %select_n3A, %reduce_sum3A [1] : vector<256x8xi32> to vector<256xi32>
    %broadcast_in_dim3A_19 = vector.shape_cast %reduce_sum3A_18 : vector<256xi32> to vector<256x1xi32>
    %slice3A_20 = vector.extract_strided_slice %get3A_13 {offsets = [0, 1], sizes = [256, 1], strides = [1, 1]} : vector<256x2xi32> to vector<256x1xi32>
    %eq3A_21 = vector.broadcast %slice3A_20 : vector<256x1xi32> to vector<256x8xi32>
    %eq3A_22 = arith.cmpi eq, %iota3A_14, %eq3A_21 : vector<256x8xi32>
    %jit3A_23 = arith.constant 0 : i32
    %broadcast_in_dim3A_24 = vector.broadcast %jit3A_23 : i32 to vector<256x8xi32>
    %select_n3A_25 = arith.select %eq3A_22, %broadcast_in_dim3A_15, %broadcast_in_dim3A_24 : vector<256x8xi1>, vector<256x8xi32>
    %reduce_sum3A_26 = arith.constant dense<0> : vector<256xi32>
    %reduce_sum3A_27 = vector.multi_reduction <add>, %select_n3A_25, %reduce_sum3A_26 [1] : vector<256x8xi32> to vector<256xi32>
    %broadcast_in_dim3A_28 = vector.shape_cast %reduce_sum3A_27 : vector<256xi32> to vector<256x1xi32>
    %get3A_29 = arith.constant 0 : index
    %get3A_30 = arith.constant 0 : index
    %get3A_31 = vector.load %arg2[%get3A_29, %get3A_30] : memref<256x2xi32, #tpu.memory_space<vmem>>, vector<256x2xi32>
    %slice3A_32 = vector.extract_strided_slice %get3A_31 {offsets = [0, 0], sizes = [256, 1], strides = [1, 1]} : vector<256x2xi32> to vector<256x1xi32>
    %add3A_33 = arith.addi %broadcast_in_dim3A_19, %slice3A_32 : vector<256x1xi32>
    %swap3A = arith.constant 0 : index
    %swap3A_34 = arith.constant 0 : index
    %swap3A_35 = vector.load %arg4[%swap3A, %swap3A_34] : memref<256x1xi32, #tpu.memory_space<vmem>>, vector<256x1xi32>
    tpu.vector_store %arg4[%swap3A, %swap3A_34], %add3A_33 {strides = array<i32>} : memref<256x1xi32, #tpu.memory_space<vmem>>, vector<256x1xi32>,
    %slice3A_36 = vector.extract_strided_slice %get3A_31 {offsets = [0, 1], sizes = [256, 1], strides = [1, 1]} : vector<256x2xi32> to vector<256x1xi32>
    %add3A_37 = arith.addi %broadcast_in_dim3A_28, %slice3A_36 : vector<256x1xi32>
    %swap3A_38 = arith.constant 0 : index
    %swap3A_39 = arith.constant 0 : index
    %swap3A_40 = vector.load %arg5[%swap3A_38, %swap3A_39] : memref<256x1xi32, #tpu.memory_space<vmem>>, vector<256x1xi32>
    tpu.vector_store %arg5[%swap3A_38, %swap3A_39], %add3A_37 {strides = array<i32>} : memref<256x1xi32, #tpu.memory_space<vmem>>, vector<256x1xi32>,
    %iota3A_41 = tpu.iota {dimensions = array<i32: 0>} : vector<72x8xi32>
    %mul3A = arith.constant 256 : i32
    %mul3A_42 = vector.broadcast %mul3A : i32 to vector<72x8xi32>
    %mul3A_43 = arith.muli %iota3A_41, %mul3A_42 : vector<72x8xi32>
    %broadcast_in_dim3A_44 = vector.shape_cast %convert_element_type3A_10 : vector<1x8xi32> to vector<1x8xi32>
    %broadcast_in_dim3A_45 = vector.broadcast %broadcast_in_dim3A_44 : vector<1x8xi32> to vector<72x8xi32>
    %ge3A = arith.cmpi sge, %mul3A_43, %broadcast_in_dim3A_45 : vector<72x8xi32>
    %convert_element_type3A_46 = arith.extui %ge3A : vector<72x8xi1> to vector<72x8xi32>
    %reduce_sum3A_47 = arith.constant dense<0> : vector<72xi32>
    %reduce_sum3A_48 = vector.multi_reduction <add>, %convert_element_type3A_46, %reduce_sum3A_47 [1] : vector<72x8xi32> to vector<72xi32>
    %broadcast_in_dim3A_49 = vector.shape_cast %reduce_sum3A_48 : vector<72xi32> to vector<72x1xi32>
    %sub3A = arith.constant 1 : i32
    %sub3A_50 = vector.broadcast %sub3A : i32 to vector<72x1xi32>
    %sub3A_51 = arith.subi %broadcast_in_dim3A_49, %sub3A_50 : vector<72x1xi32>
    %swap3A_52 = arith.constant 0 : index
    %swap3A_53 = arith.constant 0 : index
    %swap3A_54 = vector.load %arg6[%swap3A_52, %swap3A_53] : memref<72x1xi32, #tpu.memory_space<vmem>>, vector<72x1xi32>
    tpu.vector_store %arg6[%swap3A_52, %swap3A_53], %sub3A_51 {strides = array<i32>} : memref<72x1xi32, #tpu.memory_space<vmem>>, vector<72x1xi32>,
    return
  }
  func.func @transform_0(%arg0: i32) -> (i32, i32) {
    %c0_i32 = arith.constant 0 : i32
    %c0_i32_0 = arith.constant 0 : i32
    return %arg0, %c0_i32 : i32, i32
  }
  func.func @transform_1(%arg0: i32) -> (i32, i32) {
    %c0_i32 = arith.constant 0 : i32
    %c0_i32_0 = arith.constant 0 : i32
    return %arg0, %c0_i32 : i32, i32
  }
  func.func @transform_2(%arg0: i32) -> (i32, i32) {
    %c0_i32 = arith.constant 0 : i32
    %c0_i32_0 = arith.constant 0 : i32
    %c0_i32_1 = arith.constant 0 : i32
    return %c0_i32, %c0_i32_0 : i32, i32
  }
  func.func @transform_3(%arg0: i32) -> (i32, i32) {
    %c0_i32 = arith.constant 0 : i32
    %c0_i32_0 = arith.constant 0 : i32
    return %arg0, %c0_i32 : i32, i32
  }
  func.func @transform_4(%arg0: i32) -> (i32, i32) {
    %c0_i32 = arith.constant 0 : i32
    %c0_i32_0 = arith.constant 0 : i32
    return %arg0, %c0_i32 : i32, i32
  }
  func.func @transform_5(%arg0: i32) -> (i32, i32) {
    %c0_i32 = arith.constant 0 : i32
    %c0_i32_0 = arith.constant 0 : i32
    %c0_i32_1 = arith.constant 0 : i32
    return %c0_i32, %c0_i32_0 : i32, i32
  }
}

module attributes {stable_mosaic.version = 14 : i64} {
  func.func @_ffn_body(%arg0: i32, %arg1: memref<72xi32, #tpu.memory_space<smem>>, %arg2: memref<256x384xi32, #tpu.memory_space<vmem>>, %arg3: memref<1x768x512xf32, #tpu.memory_space<vmem>>, %arg4: memref<1x1x512xf32, #tpu.memory_space<vmem>>, %arg5: memref<1x512x768xf32, #tpu.memory_space<vmem>>, %arg6: memref<1x1x768xf32, #tpu.memory_space<vmem>>, %arg7: memref<256x384xi32, #tpu.memory_space<vmem>>) attributes {dimension_semantics = [#tpu.dimension_semantics<arbitrary>], iteration_bounds = array<i64: 72>, scalar_prefetch = 1 : i64, scratch_operands = 0 : i64, tpu.core_type = #tpu.core_type<tc>, window_params = [{transform_indices = @transform_0, window_bounds = array<i64: 256, 384>}, {transform_indices = @transform_1, window_bounds = array<i64: 1, 768, 512>}, {transform_indices = @transform_2, window_bounds = array<i64: 1, 1, 512>}, {transform_indices = @transform_3, window_bounds = array<i64: 1, 512, 768>}, {transform_indices = @transform_4, window_bounds = array<i64: 1, 1, 768>}, {transform_indices = @transform_5, window_bounds = array<i64: 256, 384>}]} {
    %get3A = arith.constant 0 : index
    %get3A_0 = arith.constant 0 : index
    %get3A_1 = vector.load %arg2[%get3A, %get3A_0] : memref<256x384xi32, #tpu.memory_space<vmem>>, vector<256x384xi32>
    %shift_left3A = arith.constant 16 : i32
    %shift_left3A_2 = vector.broadcast %shift_left3A : i32 to vector<256x384xi32>
    %shift_left3A_3 = arith.shli %get3A_1, %shift_left3A_2 : vector<256x384xi32>
    %bitcast_convert_type3A = tpu.bitcast %shift_left3A_3 : vector<256x384xi32> -> vector<256x384xf32>
    %and3A = arith.constant -65536 : i32
    %and3A_4 = vector.broadcast %and3A : i32 to vector<256x384xi32>
    %and3A_5 = arith.andi %get3A_1, %and3A_4 : vector<256x384xi32>
    %bitcast_convert_type3A_6 = tpu.bitcast %and3A_5 : vector<256x384xi32> -> vector<256x384xf32>
    %concatenate3A = tpu.concatenate %bitcast_convert_type3A, %bitcast_convert_type3A_6 in 1 : vector<256x384xf32>, vector<256x384xf32> -> vector<256x768xf32>
    %convert_element_type3A = arith.truncf %concatenate3A : vector<256x768xf32> to vector<256x768xbf16>
    %get3A_7 = arith.constant 0 : index
    %get3A_8 = arith.constant 0 : index
    %get3A_9 = arith.constant 0 : index
    %get3A_10 = vector.load %arg3[%get3A_7, %get3A_8, %get3A_9] : memref<1x768x512xf32, #tpu.memory_space<vmem>>, vector<1x768x512xf32>
    %get3A_11 = vector.shape_cast %get3A_10 : vector<1x768x512xf32> to vector<768x512xf32>
    %convert_element_type3A_12 = arith.truncf %get3A_11 : vector<768x512xf32> to vector<768x512xbf16>
    %dot_general3A = arith.constant dense<0.000000e+00> : vector<256x512xf32>
    %dot_general3A_13 = tpu.matmul %convert_element_type3A, %convert_element_type3A_12, %dot_general3A {dimension_numbers = #tpu.dot_dimension_numbers<[1], [0], [0], [1], [0, 0, 1, 1], [], []>, transpose_lhs_hint = false} : vector<256x768xbf16>, vector<768x512xbf16>, vector<256x512xf32> -> vector<256x512xf32>
    %get3A_14 = arith.constant 0 : index
    %get3A_15 = arith.constant 0 : index
    %get3A_16 = arith.constant 0 : index
    %get3A_17 = vector.load %arg4[%get3A_14, %get3A_15, %get3A_16] : memref<1x1x512xf32, #tpu.memory_space<vmem>>, vector<1x1x512xf32>
    %get3A_18 = vector.shape_cast %get3A_17 : vector<1x1x512xf32> to vector<1x512xf32>
    %add3A = vector.broadcast %get3A_18 : vector<1x512xf32> to vector<256x512xf32>
    %add3A_19 = arith.addf %dot_general3A_13, %add3A : vector<256x512xf32>
    %mul3A = arith.constant 5.000000e-01 : f32
    %mul3A_20 = vector.broadcast %mul3A : f32 to vector<256x512xf32>
    %mul3A_21 = arith.mulf %mul3A_20, %add3A_19 : vector<256x512xf32>
    %mul3A_22 = arith.constant 0.707106769 : f32
    %mul3A_23 = vector.broadcast %mul3A_22 : f32 to vector<256x512xf32>
    %mul3A_24 = arith.mulf %add3A_19, %mul3A_23 : vector<256x512xf32>
    %erf3A = math.erf %mul3A_24 : vector<256x512xf32>
    %add3A_25 = arith.constant 1.000000e+00 : f32
    %add3A_26 = vector.broadcast %add3A_25 : f32 to vector<256x512xf32>
    %add3A_27 = arith.addf %add3A_26, %erf3A : vector<256x512xf32>
    %mul3A_28 = arith.mulf %mul3A_21, %add3A_27 : vector<256x512xf32>
    %convert_element_type3A_29 = arith.truncf %mul3A_28 : vector<256x512xf32> to vector<256x512xbf16>
    %get3A_30 = arith.constant 0 : index
    %get3A_31 = arith.constant 0 : index
    %get3A_32 = arith.constant 0 : index
    %get3A_33 = vector.load %arg5[%get3A_30, %get3A_31, %get3A_32] : memref<1x512x768xf32, #tpu.memory_space<vmem>>, vector<1x512x768xf32>
    %get3A_34 = vector.shape_cast %get3A_33 : vector<1x512x768xf32> to vector<512x768xf32>
    %convert_element_type3A_35 = arith.truncf %get3A_34 : vector<512x768xf32> to vector<512x768xbf16>
    %dot_general3A_36 = arith.constant dense<0.000000e+00> : vector<256x768xf32>
    %dot_general3A_37 = tpu.matmul %convert_element_type3A_29, %convert_element_type3A_35, %dot_general3A_36 {dimension_numbers = #tpu.dot_dimension_numbers<[1], [0], [0], [1], [0, 0, 1, 1], [], []>, transpose_lhs_hint = false} : vector<256x512xbf16>, vector<512x768xbf16>, vector<256x768xf32> -> vector<256x768xf32>
    %get3A_38 = arith.constant 0 : index
    %get3A_39 = arith.constant 0 : index
    %get3A_40 = arith.constant 0 : index
    %get3A_41 = vector.load %arg6[%get3A_38, %get3A_39, %get3A_40] : memref<1x1x768xf32, #tpu.memory_space<vmem>>, vector<1x1x768xf32>
    %get3A_42 = vector.shape_cast %get3A_41 : vector<1x1x768xf32> to vector<1x768xf32>
    %add3A_43 = vector.broadcast %get3A_42 : vector<1x768xf32> to vector<256x768xf32>
    %add3A_44 = arith.addf %dot_general3A_37, %add3A_43 : vector<256x768xf32>
    %bitcast_convert_type3A_45 = tpu.bitcast %add3A_44 : vector<256x768xf32> -> vector<256x768xi32>
    %add3A_46 = arith.constant 32767 : i32
    %add3A_47 = vector.broadcast %add3A_46 : i32 to vector<256x768xi32>
    %add3A_48 = arith.addi %bitcast_convert_type3A_45, %add3A_47 : vector<256x768xi32>
    %shift_right_logical3A = arith.constant 16 : i32
    %shift_right_logical3A_49 = vector.broadcast %shift_right_logical3A : i32 to vector<256x768xi32>
    %shift_right_logical3A_50 = arith.shrui %bitcast_convert_type3A_45, %shift_right_logical3A_49 : vector<256x768xi32>
    %and3A_51 = arith.constant 1 : i32
    %and3A_52 = vector.broadcast %and3A_51 : i32 to vector<256x768xi32>
    %and3A_53 = arith.andi %shift_right_logical3A_50, %and3A_52 : vector<256x768xi32>
    %add3A_54 = arith.addi %add3A_48, %and3A_53 : vector<256x768xi32>
    %shift_right_logical3A_55 = arith.constant 16 : i32
    %shift_right_logical3A_56 = vector.broadcast %shift_right_logical3A_55 : i32 to vector<256x768xi32>
    %shift_right_logical3A_57 = arith.shrui %add3A_54, %shift_right_logical3A_56 : vector<256x768xi32>
    %slice3A = vector.extract_strided_slice %shift_right_logical3A_57 {offsets = [0, 0], sizes = [256, 384], strides = [1, 1]} : vector<256x768xi32> to vector<256x384xi32>
    %slice3A_58 = vector.extract_strided_slice %shift_right_logical3A_57 {offsets = [0, 384], sizes = [256, 384], strides = [1, 1]} : vector<256x768xi32> to vector<256x384xi32>
    %shift_left3A_59 = arith.constant 16 : i32
    %shift_left3A_60 = vector.broadcast %shift_left3A_59 : i32 to vector<256x384xi32>
    %shift_left3A_61 = arith.shli %slice3A_58, %shift_left3A_60 : vector<256x384xi32>
    %or3A = arith.ori %slice3A, %shift_left3A_61 : vector<256x384xi32>
    %swap3A = arith.constant 0 : index
    %swap3A_62 = arith.constant 0 : index
    %swap3A_63 = vector.load %arg7[%swap3A, %swap3A_62] : memref<256x384xi32, #tpu.memory_space<vmem>>, vector<256x384xi32>
    tpu.vector_store %arg7[%swap3A, %swap3A_62], %or3A {strides = array<i32>} : memref<256x384xi32, #tpu.memory_space<vmem>>, vector<256x384xi32>,
    return
  }
  func.func @transform_0(%arg0: i32, %arg1: memref<72xi32, #tpu.memory_space<smem>>) -> (i32, i32) {
    %c0_i32 = arith.constant 0 : i32
    %c0_i32_0 = arith.constant 0 : i32
    return %arg0, %c0_i32 : i32, i32
  }
  func.func @transform_1(%arg0: i32, %arg1: memref<72xi32, #tpu.memory_space<smem>>) -> (i32, i32, i32) {
    %get3A = arith.index_cast %arg0 : i32 to index
    %get3A_0 = memref.load %arg1[%get3A] : memref<72xi32, #tpu.memory_space<smem>>
    %c0_i32 = arith.constant 0 : i32
    %c0_i32_1 = arith.constant 0 : i32
    %c0_i32_2 = arith.constant 0 : i32
    return %get3A_0, %c0_i32, %c0_i32_1 : i32, i32, i32
  }
  func.func @transform_2(%arg0: i32, %arg1: memref<72xi32, #tpu.memory_space<smem>>) -> (i32, i32, i32) {
    %get3A = arith.index_cast %arg0 : i32 to index
    %get3A_0 = memref.load %arg1[%get3A] : memref<72xi32, #tpu.memory_space<smem>>
    %c0_i32 = arith.constant 0 : i32
    %c0_i32_1 = arith.constant 0 : i32
    %c0_i32_2 = arith.constant 0 : i32
    return %get3A_0, %c0_i32, %c0_i32_1 : i32, i32, i32
  }
  func.func @transform_3(%arg0: i32, %arg1: memref<72xi32, #tpu.memory_space<smem>>) -> (i32, i32, i32) {
    %get3A = arith.index_cast %arg0 : i32 to index
    %get3A_0 = memref.load %arg1[%get3A] : memref<72xi32, #tpu.memory_space<smem>>
    %c0_i32 = arith.constant 0 : i32
    %c0_i32_1 = arith.constant 0 : i32
    %c0_i32_2 = arith.constant 0 : i32
    return %get3A_0, %c0_i32, %c0_i32_1 : i32, i32, i32
  }
  func.func @transform_4(%arg0: i32, %arg1: memref<72xi32, #tpu.memory_space<smem>>) -> (i32, i32, i32) {
    %get3A = arith.index_cast %arg0 : i32 to index
    %get3A_0 = memref.load %arg1[%get3A] : memref<72xi32, #tpu.memory_space<smem>>
    %c0_i32 = arith.constant 0 : i32
    %c0_i32_1 = arith.constant 0 : i32
    %c0_i32_2 = arith.constant 0 : i32
    return %get3A_0, %c0_i32, %c0_i32_1 : i32, i32, i32
  }
  func.func @transform_5(%arg0: i32, %arg1: memref<72xi32, #tpu.memory_space<smem>>) -> (i32, i32) {
    %c0_i32 = arith.constant 0 : i32
    %c0_i32_0 = arith.constant 0 : i32
    return %arg0, %c0_i32 : i32, i32
  }
}

module attributes {stable_mosaic.version = 14 : i64} {
  func.func @_finish_body(%arg0: i32, %arg1: memref<256x768xf32, #tpu.memory_space<vmem>>, %arg2: memref<256x384xi32, #tpu.memory_space<vmem>>, %arg3: memref<256x384xi32, #tpu.memory_space<vmem>>, %arg4: memref<256x2xf32, #tpu.memory_space<vmem>>, %arg5: memref<768x768xf32, #tpu.memory_space<vmem>>, %arg6: memref<768xf32, #tpu.memory_space<vmem>>, %arg7: memref<768xf32, #tpu.memory_space<vmem>>, %arg8: memref<768xf32, #tpu.memory_space<vmem>>, %arg9: memref<256x768xf32, #tpu.memory_space<vmem>>) attributes {dimension_semantics = [#tpu.dimension_semantics<arbitrary>], iteration_bounds = array<i64: 32>, scalar_prefetch = 0 : i64, scratch_operands = 0 : i64, tpu.core_type = #tpu.core_type<tc>, window_params = [{transform_indices = @transform_0, window_bounds = array<i64: 256, 768>}, {transform_indices = @transform_1, window_bounds = array<i64: 256, 384>}, {transform_indices = @transform_2, window_bounds = array<i64: 256, 384>}, {transform_indices = @transform_3, window_bounds = array<i64: 256, 2>}, {pipeline_mode = #tpu.pipeline_mode<synchronous>, transform_indices = @transform_4, window_bounds = array<i64: 768, 768>}, {pipeline_mode = #tpu.pipeline_mode<synchronous>, transform_indices = @transform_5, window_bounds = array<i64: 768>}, {pipeline_mode = #tpu.pipeline_mode<synchronous>, transform_indices = @transform_6, window_bounds = array<i64: 768>}, {pipeline_mode = #tpu.pipeline_mode<synchronous>, transform_indices = @transform_7, window_bounds = array<i64: 768>}, {transform_indices = @transform_8, window_bounds = array<i64: 256, 768>}]} {
    %get3A = arith.constant 0 : index
    %get3A_0 = arith.constant 0 : index
    %get3A_1 = vector.load %arg1[%get3A, %get3A_0] : memref<256x768xf32, #tpu.memory_space<vmem>>, vector<256x768xf32>
    %convert_element_type3A = arith.truncf %get3A_1 : vector<256x768xf32> to vector<256x768xbf16>
    %get3A_2 = arith.constant 0 : index
    %get3A_3 = arith.constant 0 : index
    %get3A_4 = vector.load %arg5[%get3A_2, %get3A_3] : memref<768x768xf32, #tpu.memory_space<vmem>>, vector<768x768xf32>
    %convert_element_type3A_5 = arith.truncf %get3A_4 : vector<768x768xf32> to vector<768x768xbf16>
    %dot_general3A = arith.constant dense<0.000000e+00> : vector<256x768xf32>
    %dot_general3A_6 = tpu.matmul %convert_element_type3A, %convert_element_type3A_5, %dot_general3A {dimension_numbers = #tpu.dot_dimension_numbers<[1], [0], [0], [1], [0, 0, 1, 1], [], []>, transpose_lhs_hint = false} : vector<256x768xbf16>, vector<768x768xbf16>, vector<256x768xf32> -> vector<256x768xf32>
    %get3A_7 = arith.constant 0 : index
    %get3A_8 = vector.load %arg6[%get3A_7] : memref<768xf32, #tpu.memory_space<vmem>>, vector<768xf32>
    %broadcast_in_dim3A = vector.shape_cast %get3A_8 : vector<768xf32> to vector<1x768xf32>
    %add3A = vector.broadcast %broadcast_in_dim3A : vector<1x768xf32> to vector<256x768xf32>
    %add3A_9 = arith.addf %dot_general3A_6, %add3A : vector<256x768xf32>
    %mul3A = arith.constant 5.000000e-01 : f32
    %mul3A_10 = vector.broadcast %mul3A : f32 to vector<256x768xf32>
    %mul3A_11 = arith.mulf %mul3A_10, %add3A_9 : vector<256x768xf32>
    %mul3A_12 = arith.constant 0.707106769 : f32
    %mul3A_13 = vector.broadcast %mul3A_12 : f32 to vector<256x768xf32>
    %mul3A_14 = arith.mulf %add3A_9, %mul3A_13 : vector<256x768xf32>
    %erf3A = math.erf %mul3A_14 : vector<256x768xf32>
    %add3A_15 = arith.constant 1.000000e+00 : f32
    %add3A_16 = vector.broadcast %add3A_15 : f32 to vector<256x768xf32>
    %add3A_17 = arith.addf %add3A_16, %erf3A : vector<256x768xf32>
    %mul3A_18 = arith.mulf %mul3A_11, %add3A_17 : vector<256x768xf32>
    %get3A_19 = arith.constant 0 : index
    %get3A_20 = arith.constant 0 : index
    %get3A_21 = vector.load %arg4[%get3A_19, %get3A_20] : memref<256x2xf32, #tpu.memory_space<vmem>>, vector<256x2xf32>
    %slice3A = vector.extract_strided_slice %get3A_21 {offsets = [0, 0], sizes = [256, 1], strides = [1, 1]} : vector<256x2xf32> to vector<256x1xf32>
    %get3A_22 = arith.constant 0 : index
    %get3A_23 = arith.constant 0 : index
    %get3A_24 = vector.load %arg2[%get3A_22, %get3A_23] : memref<256x384xi32, #tpu.memory_space<vmem>>, vector<256x384xi32>
    %shift_left3A = arith.constant 16 : i32
    %shift_left3A_25 = vector.broadcast %shift_left3A : i32 to vector<256x384xi32>
    %shift_left3A_26 = arith.shli %get3A_24, %shift_left3A_25 : vector<256x384xi32>
    %bitcast_convert_type3A = tpu.bitcast %shift_left3A_26 : vector<256x384xi32> -> vector<256x384xf32>
    %and3A = arith.constant -65536 : i32
    %and3A_27 = vector.broadcast %and3A : i32 to vector<256x384xi32>
    %and3A_28 = arith.andi %get3A_24, %and3A_27 : vector<256x384xi32>
    %bitcast_convert_type3A_29 = tpu.bitcast %and3A_28 : vector<256x384xi32> -> vector<256x384xf32>
    %concatenate3A = tpu.concatenate %bitcast_convert_type3A, %bitcast_convert_type3A_29 in 1 : vector<256x384xf32>, vector<256x384xf32> -> vector<256x768xf32>
    %mul3A_30 = vector.broadcast %slice3A : vector<256x1xf32> to vector<256x768xf32>
    %mul3A_31 = arith.mulf %mul3A_30, %concatenate3A : vector<256x768xf32>
    %slice3A_32 = vector.extract_strided_slice %get3A_21 {offsets = [0, 1], sizes = [256, 1], strides = [1, 1]} : vector<256x2xf32> to vector<256x1xf32>
    %get3A_33 = arith.constant 0 : index
    %get3A_34 = arith.constant 0 : index
    %get3A_35 = vector.load %arg3[%get3A_33, %get3A_34] : memref<256x384xi32, #tpu.memory_space<vmem>>, vector<256x384xi32>
    %shift_left3A_36 = arith.constant 16 : i32
    %shift_left3A_37 = vector.broadcast %shift_left3A_36 : i32 to vector<256x384xi32>
    %shift_left3A_38 = arith.shli %get3A_35, %shift_left3A_37 : vector<256x384xi32>
    %bitcast_convert_type3A_39 = tpu.bitcast %shift_left3A_38 : vector<256x384xi32> -> vector<256x384xf32>
    %and3A_40 = arith.constant -65536 : i32
    %and3A_41 = vector.broadcast %and3A_40 : i32 to vector<256x384xi32>
    %and3A_42 = arith.andi %get3A_35, %and3A_41 : vector<256x384xi32>
    %bitcast_convert_type3A_43 = tpu.bitcast %and3A_42 : vector<256x384xi32> -> vector<256x384xf32>
    %concatenate3A_44 = tpu.concatenate %bitcast_convert_type3A_39, %bitcast_convert_type3A_43 in 1 : vector<256x384xf32>, vector<256x384xf32> -> vector<256x768xf32>
    %mul3A_45 = vector.broadcast %slice3A_32 : vector<256x1xf32> to vector<256x768xf32>
    %mul3A_46 = arith.mulf %mul3A_45, %concatenate3A_44 : vector<256x768xf32>
    %add3A_47 = arith.addf %mul3A_31, %mul3A_46 : vector<256x768xf32>
    %mul3A_48 = arith.constant 5.000000e-01 : f32
    %mul3A_49 = vector.broadcast %mul3A_48 : f32 to vector<256x768xf32>
    %mul3A_50 = arith.mulf %mul3A_49, %mul3A_18 : vector<256x768xf32>
    %add3A_51 = arith.addf %add3A_47, %mul3A_50 : vector<256x768xf32>
    %reduce_sum3A = arith.constant dense<0.000000e+00> : vector<256xf32>
    %reduce_sum3A_52 = vector.multi_reduction <add>, %add3A_51, %reduce_sum3A [1] : vector<256x768xf32> to vector<256xf32>
    %broadcast_in_dim3A_53 = vector.shape_cast %reduce_sum3A_52 : vector<256xf32> to vector<256x1xf32>
    %div3A = arith.constant 7.680000e+02 : f32
    %div3A_54 = vector.broadcast %div3A : f32 to vector<256x1xf32>
    %div3A_55 = arith.divf %broadcast_in_dim3A_53, %div3A_54 : vector<256x1xf32>
    %sub3A = vector.broadcast %div3A_55 : vector<256x1xf32> to vector<256x768xf32>
    %sub3A_56 = arith.subf %add3A_51, %sub3A : vector<256x768xf32>
    %mul3A_57 = arith.mulf %sub3A_56, %sub3A_56 : vector<256x768xf32>
    %reduce_sum3A_58 = arith.constant dense<0.000000e+00> : vector<256xf32>
    %reduce_sum3A_59 = vector.multi_reduction <add>, %mul3A_57, %reduce_sum3A_58 [1] : vector<256x768xf32> to vector<256xf32>
    %broadcast_in_dim3A_60 = vector.shape_cast %reduce_sum3A_59 : vector<256xf32> to vector<256x1xf32>
    %div3A_61 = arith.constant 7.680000e+02 : f32
    %div3A_62 = vector.broadcast %div3A_61 : f32 to vector<256x1xf32>
    %div3A_63 = arith.divf %broadcast_in_dim3A_60, %div3A_62 : vector<256x1xf32>
    %add3A_64 = arith.constant 9.99999974E-6 : f32
    %add3A_65 = vector.broadcast %add3A_64 : f32 to vector<256x1xf32>
    %add3A_66 = arith.addf %div3A_63, %add3A_65 : vector<256x1xf32>
    %rsqrt3A = math.rsqrt %add3A_66 : vector<256x1xf32>
    %mul3A_67 = vector.broadcast %rsqrt3A : vector<256x1xf32> to vector<256x768xf32>
    %mul3A_68 = arith.mulf %sub3A_56, %mul3A_67 : vector<256x768xf32>
    %get3A_69 = arith.constant 0 : index
    %get3A_70 = vector.load %arg7[%get3A_69] : memref<768xf32, #tpu.memory_space<vmem>>, vector<768xf32>
    %broadcast_in_dim3A_71 = vector.shape_cast %get3A_70 : vector<768xf32> to vector<1x768xf32>
    %mul3A_72 = vector.broadcast %broadcast_in_dim3A_71 : vector<1x768xf32> to vector<256x768xf32>
    %mul3A_73 = arith.mulf %mul3A_68, %mul3A_72 : vector<256x768xf32>
    %get3A_74 = arith.constant 0 : index
    %get3A_75 = vector.load %arg8[%get3A_74] : memref<768xf32, #tpu.memory_space<vmem>>, vector<768xf32>
    %broadcast_in_dim3A_76 = vector.shape_cast %get3A_75 : vector<768xf32> to vector<1x768xf32>
    %add3A_77 = vector.broadcast %broadcast_in_dim3A_76 : vector<1x768xf32> to vector<256x768xf32>
    %add3A_78 = arith.addf %mul3A_73, %add3A_77 : vector<256x768xf32>
    %swap3A = arith.constant 0 : index
    %swap3A_79 = arith.constant 0 : index
    %swap3A_80 = vector.load %arg9[%swap3A, %swap3A_79] : memref<256x768xf32, #tpu.memory_space<vmem>>, vector<256x768xf32>
    tpu.vector_store %arg9[%swap3A, %swap3A_79], %add3A_78 {strides = array<i32>} : memref<256x768xf32, #tpu.memory_space<vmem>>, vector<256x768xf32>,
    return
  }
  func.func @transform_0(%arg0: i32) -> (i32, i32) {
    %c0_i32 = arith.constant 0 : i32
    %c0_i32_0 = arith.constant 0 : i32
    return %arg0, %c0_i32 : i32, i32
  }
  func.func @transform_1(%arg0: i32) -> (i32, i32) {
    %c0_i32 = arith.constant 0 : i32
    %c0_i32_0 = arith.constant 0 : i32
    return %arg0, %c0_i32 : i32, i32
  }
  func.func @transform_2(%arg0: i32) -> (i32, i32) {
    %c0_i32 = arith.constant 0 : i32
    %c0_i32_0 = arith.constant 0 : i32
    return %arg0, %c0_i32 : i32, i32
  }
  func.func @transform_3(%arg0: i32) -> (i32, i32) {
    %c0_i32 = arith.constant 0 : i32
    %c0_i32_0 = arith.constant 0 : i32
    return %arg0, %c0_i32 : i32, i32
  }
  func.func @transform_4(%arg0: i32) -> (i32, i32) {
    %c0_i32 = arith.constant 0 : i32
    %c0_i32_0 = arith.constant 0 : i32
    %c0_i32_1 = arith.constant 0 : i32
    return %c0_i32, %c0_i32_0 : i32, i32
  }
  func.func @transform_5(%arg0: i32) -> i32 {
    %c0_i32 = arith.constant 0 : i32
    %c0_i32_0 = arith.constant 0 : i32
    return %c0_i32 : i32
  }
  func.func @transform_6(%arg0: i32) -> i32 {
    %c0_i32 = arith.constant 0 : i32
    %c0_i32_0 = arith.constant 0 : i32
    return %c0_i32 : i32
  }
  func.func @transform_7(%arg0: i32) -> i32 {
    %c0_i32 = arith.constant 0 : i32
    %c0_i32_0 = arith.constant 0 : i32
    return %c0_i32 : i32
  }
  func.func @transform_8(%arg0: i32) -> (i32, i32) {
    %c0_i32 = arith.constant 0 : i32
    %c0_i32_0 = arith.constant 0 : i32
    return %arg0, %c0_i32 : i32, i32
  }
}

</mosaic_0001>

<sc_bundles>
// kernel: kernel.11.cloned.1.call-start
scs
__scs_entry_jumppad:
0x0: {  	(pc) =	sbr.rel $0x88, $3  }
0x1: {  	(tag) =	ssettag $0x0;
	lr =	simm.s32 $0x1  }
0x2: {  	[smem:$0x3F97] =	sst lr;
	_ =	strace $0xD0000000  }
0x3: {  	_ = 	snop  }
0x4: {  	_ = 	snop  }
0x5: {  	_ = 	snop  }
0x6: {  	_ = 	snop  }
0x7: {  	_ = 	snop  }
__scs_overlays_trampoline_lowered:
0x8: {  	[smem:$0x3FA6] =	sst s0  }
0x9: {  	[smem:$0x3FA7] =	sst s1  }
0xa: {  	[smem:$0x3FA8] =	sst s2  }
0xb: {  	[smem:$0x3FA9] =	sst s3  }
0xc: {  	[smem:$0x3FAA] =	sst s4  }
0xd: {  	[smem:$0x3FAB] =	sst s5  }
0xe: {  	[smem:$0x3FAC] =	sst s6  }
0xf: {  	[smem:$0x3FAD] =	sst s7  }
0x10: {  	[smem:$0x3FAE] =	sst s8  }
0x11: {  	[smem:$0x3FAF] =	sst s9;
	s0 =	simm.s32 @!p0 $0x0  }
0x12: {  	s1 =	sld [smem:$0x3F95];
	s0 =	simm.s32 @p0 $0x1  }
0x13: {  	[smem:$0x3FB0] =	sst s0;
	s0 =	simm.s32 @!p1 $0x0  }
0x14: {  	s2 =	sld [smem:$0x3F94];
	s0 =	simm.s32 @p1 $0x1  }
0x15: {  	[smem:$0x3FB1] =	sst s0;
	s0 =	simm.s32 @!p2 $0x0  }
0x16: {  	s3 =	sld [smem:$0x3FDB];
	s0 =	simm.s32 @p2 $0x1  }
0x17: {  	s4 =	simm.s32 $0x1BF5;
	[smem:$0x3FB3] =	sst s0  }
0x18: {  	s0 =	sld [smem:$0x3F96];
	_ =	swait.ge [sflag:s4], $0x0  }
0x19: {  	s7 =	sld [smem:$0x3F97]  }
0x1a: {  	s8 =	sadd.s32 $0xFFFFE003, lr  }
0x1b: {  	s9 =	sadd.s32 $0xFFFFFEF7, lr;
	s5 =	simm.s32 $0xFFFFFFFF;
	p2 =	slt.u32 s8, $0xFFFFF086  }
0x1c: {  	p1 =	slt.u32 s9, $0xF7A;
	s5 =	simm.s32 @!p2 $0x0  }
0x1d: {  	s5 =	simm.s32 @p1 $0x1;
	p0 =	seq.s32 s7, s2  }
0x1e: {  	s7 =	smul.u32 @!p0 $0xF7A, s2;
	p2 =	seq.s32 @!p0 s5, $0x0  }
0x1f: {  	s9 =	smul.u32 $0xF7A, s1;
	s8 =	simm.s32 @!p0 $0x1BF5;
	p2 =	por !p2, p0  }
0x20: {  	[sflag:s8] =	ssyncset.s32 @!p0 $0xFFFFF086;
	s6 =	sadd.s32 @!p0 s3, s7;
	s7 =	simm.s32 @!p0 $0x108  }
0x21: {  	s3 =	sadd.s32 s3, s9;
	s6 =	sadd.s32 @!p0 $0x88, s6;
	s7 =	simm.s32 @p2 $0x1082  }
0x22: {  	[simem:s7], [sflag:s8] =	dma.local @!p0 [hbm:s6], $0xF7A  }
0x23: {  	s9 =	sor.u32 $0xD0000000, s2;
	s6 =	simm.s32 $0x108;
	_ =	swait.ge @!p0 [sflag:s8], $0x0  }
0x24: {  	s3 =	sadd.s32 $0x88, s3;
	s6 =	simm.s32 @!p1 $0x1082;
	[sflag:s4] =	ssyncset.s32 $0xFFFFF086  }
0x25: {  	[simem:s6], [sflag:s4] =	dma.local [hbm:s3], $0xF7A  }
0x26: {  	[smem:$0x3F97] =	sst s1;
	(tag) =	ssettag s2;
	_ =	strace s9  }
0x27: {  	s1 =	sld [smem:$0x3FA7]  }
0x28: {  	s2 =	sld [smem:$0x3FA8]  }
0x29: {  	s4 =	sld [smem:$0x3FAA]  }
0x2a: {  	p0 =	seq.s32 s5, $0x0;
	s5 =	sld [smem:$0x3FAB]  }
0x2b: {  	s6 =	sld [smem:$0x3FAC]  }
0x2c: {  	s7 =	sld [smem:$0x3FAD]  }
0x2d: {  	s3 =	simm.s32 $0x108;
	s8 =	sld [smem:$0x3FAE]  }
0x2e: {  	s3 =	simm.s32 @!p0 $0x1082;
	s9 =	sld [smem:$0x3FAF]  }
0x2f: {  	lr =	sadd.s32 s0, s3;
	s0 =	sld [smem:$0x3FA6]  }
0x30: {  	s3 =	sld [smem:$0x3FA9]  }
0x31: {  	[smem:$0x3FB2] =	sst s10  }
0x32: {  	s10 =	sld [smem:$0x3FB0];
	_ =	sdelay $0x3  }
0x33: {  	p0 =	seq.s32 s10, $0x1;
	s10 =	sld [smem:$0x3FB2];
	_ =	sdelay $0x3  }
0x34: {  	[smem:$0x3FB2] =	sst s10  }
0x35: {  	s10 =	sld [smem:$0x3FB1];
	_ =	sdelay $0x3  }
0x36: {  	p1 =	seq.s32 s10, $0x1;
	s10 =	sld [smem:$0x3FB2];
	_ =	sdelay $0x3  }
0x37: {  	[smem:$0x3FB2] =	sst s10  }
0x38: {  	s10 =	sld [smem:$0x3FB3]  }
0x39: {  	_ = 	snop;
	(pc) =	sbr.ind lr, $3  }
0x3a: {  	_ = 	snop  }
0x3b: {  	_ = 	snop  }
0x3c: {  	p2 =	seq.s32 s10, $0x1;
	s10 =	sld [smem:$0x3FB2]  }
0x3d: {  	_ =	shalt  }
0x3e: {  	_ =	shalt  }
0x3f: {  	_ =	shalt  }
0x40: {  	_ =	shalt  }
0x41: {  	_ =	shalt  }
0x42: {  	_ =	shalt  }
0x43: {  	_ =	shalt  }
0x44: {  	_ =	shalt  }
0x45: {  	_ =	shalt  }
0x46: {  	_ =	shalt  }
0x47: {  	_ =	shalt  }
0x48: {  	_ =	shalt  }
0x49: {  	_ =	shalt  }
0x4a: {  	_ =	shalt  }
0x4b: {  	_ =	shalt  }
0x4c: {  	_ =	shalt  }
0x4d: {  	_ =	shalt  }
0x4e: {  	_ =	shalt  }
0x4f: {  	_ =	shalt  }
0x50: {  	_ =	shalt  }
0x51: {  	_ =	shalt  }
0x52: {  	_ =	shalt  }
0x53: {  	_ =	shalt  }
0x54: {  	_ =	shalt  }
0x55: {  	_ =	shalt  }
0x56: {  	_ =	shalt  }
0x57: {  	_ =	shalt  }
0x58: {  	_ =	shalt  }
0x59: {  	_ =	shalt  }
0x5a: {  	_ =	shalt  }
0x5b: {  	_ =	shalt  }
0x5c: {  	_ =	shalt  }
0x5d: {  	_ =	shalt  }
0x5e: {  	_ =	shalt  }
0x5f: {  	_ =	shalt  }
0x60: {  	_ =	shalt  }
0x61: {  	_ =	shalt  }
0x62: {  	_ =	shalt  }
0x63: {  	_ =	shalt  }
0x64: {  	_ =	shalt  }
0x65: {  	_ =	shalt  }
0x66: {  	_ =	shalt  }
0x67: {  	_ =	shalt  }
0x68: {  	_ =	shalt  }
0x69: {  	_ =	shalt  }
0x6a: {  	_ =	shalt  }
0x6b: {  	_ =	shalt  }
0x6c: {  	_ =	shalt  }
0x6d: {  	_ =	shalt  }
0x6e: {  	_ =	shalt  }
0x6f: {  	_ =	shalt  }
0x70: {  	_ =	shalt  }
0x71: {  	_ =	shalt  }
0x72: {  	_ =	shalt  }
0x73: {  	_ =	shalt  }
0x74: {  	_ =	shalt  }
0x75: {  	_ =	shalt  }
0x76: {  	_ =	shalt  }
0x77: {  	_ =	shalt  }
0x78: {  	_ =	shalt  }
0x79: {  	_ =	shalt  }
0x7a: {  	_ =	shalt  }
0x7b: {  	_ =	shalt  }
0x7c: {  	_ =	shalt  }
0x7d: {  	_ =	shalt  }
0x7e: {  	_ =	shalt  }
0x7f: {  	_ =	shalt  }
0x80: {  	_ =	shalt  }
0x81: {  	_ =	shalt  }
0x82: {  	_ =	shalt  }
0x83: {  	_ =	shalt  }
0x84: {  	_ =	shalt  }
0x85: {  	_ =	shalt  }
0x86: {  	_ =	shalt  }
0x87: {  	_ =	shalt  }
.Lfunc_end0:
.L_simem_size_0:
called_computation.1_lowered:
.L_overlay_start_0:
0x88: {  	s2 =	sld [smem:$0x3FD9]  }
0x89: {  	s3 =	sld [smem:$0x3FFE];
	_ =	sdelay $0x1  }
0x8a: {  	s1 =	srdreg.scid  }
0x8b: {  	s0 =	sand.u32 $0x1, s1  }
0x8c: {  	s17 =	sshll.u32 s0, $0xA;
	s2 =	sadd.s32 s3, s2  }
0x8d: {  	s2 =	sadd.s32 s2, s17  }
0x8e: {  	[smem:$0x3FBE] =	sst s2  }
0x8f: {  	_ = 	snop  }
0x90: {  	s2 =	sld [smem:$0x3FD0];
	(tm) =	ssettm $0x1  }
0x91: {  	s18 =	sld [smem:$0x3FFB];
	_ =	sdelay $0x3  }
0x92: {  	_ =	strace s18  }
0x93: {  	s3 =	sld [smem:$0x3FFC];
	_ =	sdelay $0x3  }
0x94: {  	_ =	strace s3  }
0x95: {  	s3 =	sld [smem:$0x3FFD];
	_ =	sdelay $0x3  }
0x96: {  	_ =	strace s3  }
0x97: {  	_ =	strace $0x8FFFFFFF  }
0x98: {  	s19 =	sld [smem:$0x3FDB];
	_ =	sdelay $0x1  }
0x99: {  	s4 =	simm.s32 $_scs_section_size  }
0x9a: {  	s5 =	simm.s32 $_size__tile_overlayer_lowered;
	s6 =	simm.s32 $_tile_overlayer_lowered  }
0x9b: {  	s22 =	simm.s32 $0x1BFF;
	s21 =	sshll.u32 s6, $0x1;
	s3 =	sadd.s32 s4, s19  }
0x9c: {  	s7 =	simm.s32 $0x0;
	s20 =	sshll.u32 s5, $0x1;
	s5 =	sadd.s32 s21, s3  }
0x9d: {  	[timem:s7], [sflag:s22] =	dma.local [hbm:s5], s20  }
0x9e: {  	_ =	swait.ge [sflag:s22], s20  }
0x9f: {  	s4 =	ssub.s32 $0x0, s20;
	[sflag:s22] =	ssyncset.done $0x0  }
0xa0: {  	[sflag:s22] =	ssyncadd.s32 s4;
	_ =	sdelay $0x1  }
0xa1: {  	s23 =	simm.s32 $0x1B8B  }
0xa2: {  	_ =	swait.ge [sflag:s23], $0x1  }
0xa3: {  	[sflag:s23] =	ssyncset.done $0x0  }
0xa4: {  	s25 =	simm.s32 $0x1B8E;
	s24 =	sld [smem:$0x3FFE];
	[sflag:s23] =	ssyncadd.s32 $0xFFFFFFFF  }
0xa5: {  	s26 =	simm.s32 $execute0_lowered;
	[smem:$0x3FD2] =	sst s25  }
0xa6: {  	s5 =	sshll.u32 s26, $0x1;
	_ =	strace $0x80000049;
	[dreg:$0x1] =	wrdreg $0xFFFFFFFF  }
0xa7: {  	s28 =	simm.s32 $_size_execute0_lowered;
	s3 =	sadd.s32 s3, s5;
	[dreg:$0x0] =	wrdreg $0x0  }
0xa8: {  	s5 =	sshll.u32 s28, $0x1;
	[dreg:$0x2] =	wrdreg s3  }
0xa9: {  	[dreg:$0x3] =	wrdreg s5  }
0xaa: {  	[dreg:$0x4] =	wrdreg $0xC0  }
0xab: {  	_ =	task [dreg:s7], $0x5FFFF  }
0xac: {  	[dreg:$0x1] =	wrdreg $0xFFFFFFFF  }
0xad: {  	[dreg:$0x0] =	wrdreg $0x60  }
0xae: {  	[dreg:$0x2] =	wrdreg s24  }
0xaf: {  	[dreg:$0x3] =	wrdreg s2  }
0xb0: {  	[dreg:$0x4] =	wrdreg $0x9  }
0xb1: {  	_ =	task.clear_ibuf [dreg:s7], $0x5FFFF;
	_ =	strace $0x90000049  }
0xb2: {  	s29 =	simm.s32 $0x9;
	_ =	strace $0x8000004B  }
0xb3: {  	_ =	swait.ge [sflag:s29], $0x1  }
0xb4: {  	[sflag:s29] =	ssyncadd.s32 $0xFFFFFFFF  }
0xb5: {  	_ =	strace $0x9000004B  }
0xb6: {  	_ =	sfence  }
0xb7: {  	s30 =	sld [smem:$0x0];
	_ =	sdelay $0x2  }
0xb8: {  	s31 =	sshll.u32 s1, $0xD;
	s1 =	sshrl.u32 s1, $0x2  }
0xb9: {  	s3 =	sand.u32 $0x4000, s31;
	s1 =	sadd.s32 s1, s30  }
0xba: {  	s0 =	sor.u32 s3, s0;
	s1 =	sshll.u32 s1, $0x11  }
0xbb: {  	s0 =	sor.u32 s1, s0  }
0xbc: {  	s0 =	sadd.s32 $0x8F2B, s0  }
0xbd: {  	[sflag:s0] =	ssyncadd.remote.s32 $0x1  }
0xbe: {  	_ =	sfence.sel $0xFFFF  }
0xbf: {  	[dreg:$0x0] =	wrdreg $0xFFFFFFFF;
	(pc) =	sbr.abs _section_cstart, $3  }
0xc0: {  	[dreg:$0x1] =	wrdreg $0xFFFFFFFF  }
0xc1: {  	_ =	task.clear_ibuf [dreg:s7], $0x2FFFF;
	_ =	strace $0x9FFFFFFF  }
0xc2: {  	(tm) =	ssettm $0x7FFFFFFF  }
0xc3: {  	_ =	shalt  }
tec
execute0_lowered:
.L_overlay_start_1:
0x0: {  	(tag) =	ssettag $0x1  }
0x1: {  	s0 =	srdreg.scid  }
0x2: {  	s1 =	rddreg [dreg:$0x0];
	s2 =	stileid.u32  }
0x3: {  	s4 =	rddreg [dreg:$0x1];
	s25 =	simm.s32 $0x18000;
	s26 =	simm.s32 $0x18100  }
0x4: {  	s18 =	simm.s32 $0x2;
	s19 =	simm.s32 $0x3;
	s28 =	simm.s32 $0x2C00  }
0x5: {  	s29 =	simm.s32 $0x3000;
	s30 =	simm.s32 $0x3800;
	s31 =	simm.s32 $0x3C00  }
0x6: {  	s8 =	simm.s32 $0x5400;
	s9 =	simm.s32 $0x5C00;
	s10 =	simm.s32 $0x6000  }
0x7: {  	s11 =	simm.s32 $0x6800;
	s12 =	simm.s32 $0x6C00;
	s13 =	simm.s32 $0x7400  }
0x8: {  	s14 =	simm.s32 $0x7800;
	s15 =	simm.s32 $0x8000;
	s16 =	simm.s32 $0x8400  }
0x9: {  	s0 =	sand.u32 $0x1, s0;
	s3 =	sshll.u32 s2, $0x6;
	s2 =	simm.s32 $0x0  }
0xa: {  	s17 =	simm.s32 $0x8C00;
	s5 =	sshll.u32 s0, $0x5;
	[smem:$0x7FF] =	sst s2  }
0xb: {  	s0 =	ssub.s32 $0x2, s0;
	_ =	strace $0x8000004A;
	[dreg:$0x7] =	wrdreg s25  }
0xc: {  	s3 =	sor.u32 s5, s3;
	s24 =	sshrl.u32 s0, $0x1;
	[dreg:$0x8] =	wrdreg s26  }
0xd: {  	s25 =	simm.s32 $0x2000;
	s26 =	simm.s32 $0x2400;
	s5 =	sadd.s32 s3, s1  }
0xe: {  	s6 =	smul.u32 $0x180, s3;
	s3 =	sadd.s32 $0xDA200, s1;
	s7 =	sadd.s32 $0x1A00, s5  }
0xf: {  	s0 =	ssub.s32 s0, s24;
	s5 =	sadd.s32 $0x1E00, s5;
	[dreg:$0x3] =	wrdreg s7  }
0x10: {  	s24 =	simm.s32 $0x1800;
	s22 =	sadd.s32 s6, s1;
	[dreg:$0x4] =	wrdreg s5  }
0x11: {  	v2 =	vlaneseq.u32;
	s4 =	sadd.s32 s4, s6;
	s5 =	smax.u32 s0, $0x1;
	s7 =	simm.s32 $0x5000  }
0x12: {  	vm0 =	vmmov $0xffff;
	vm1 =	vmmov $0xff;
	v1 =	vshrl.u32 v2, $0x3;
	s6 =	simm.s32 $0x9000;
	[dreg:$0x5] =	wrdreg s4;
	s23 =	sadd.s32 $0x2200, s22  }
0x13: {  	v0 =	vand.u32 $0x7, v2;
	v2 =	vor.u32 $0x8, v2;
	v1 =	vmul.u32 $0x8, v1;
	s4 =	sadd.s32 $0xDA300, s1;
	s1 =	simm.s32 $0x4400;
	[dreg:$0x6] =	wrdreg s23  }
.LBB2_1:
0x14: {  	s20 =	rddreg [dreg:$0x3]  }
0x15: {  	s21 =	rddreg [dreg:$0x7]  }
0x16: {  	s22 =	rddreg [dreg:$0x4]  }
0x17: {  	[tilespmem:s21], [sflag:$0x1] =	stream.linear.gather [hbm4b:s20+s2], $0x100, $0x38;
	[tilespmem:$0x18200] =	vst v63  }
0x18: {  	s23 =	rddreg [dreg:$0x8];
	s0 =	simm.s32 $0x1  }
0x19: {  	[tilespmem:s23], [sflag:$0x1] =	stream.linear.gather [hbm4b:s22+s2], $0x100, $0x38;
	[tilespmem:$0x18200] =	vst v63  }
0x1a: {  	_ =	swait.ge [sflag:s0], $0x100  }
0x1b: {  	[sflag:s0] =	ssyncset.done $0x0  }
0x1c: {  	[sflag:s0] =	ssyncadd.s32 $0xFFFFFF00  }
0x1d: {  	_ =	swait.ge [sflag:s0], $0x100  }
0x1e: {  	[sflag:s0] =	ssyncset.done $0x0  }
0x1f: {  	[sflag:s0] =	ssyncadd.s32 $0xFFFFFF00  }
0x20: {  	v3 =	vld [tilespmem:$0x18000];
	_ =	sdelay $0x4  }
0x21: {  	v4 =	vshrl.u32 v3, $0x3  }
0x22: {  	v4 =	vmul.u32 $0x18, v4  }
0x23: {  	v3 =	vand.u32 $0x7, v3  }
0x24: {  	v3 =	vor.u32 v3, v4  }
0x25: {  	v4 =	vperm.xlane v3, v0;
	_ =	sdelay $0x1  }
0x26: {  	v4 =	vadd.s32 v1, v4;
	_ =	sdelay $0x1  }
0x27: {  	v3 =	vperm.xlane v3, v2;
	_ =	sdelay $0x1  }
0x28: {  	v3 =	vadd.s32 v1, v3  }
0x29: {  	[tilespmem:s2], [sflag:$0x2] =	stream.indirect_vreg.gather [hbm4b:s3+s2], $0x80, v4, vm0, $0xb8;
	[tilespmem:$0x18200] =	vst v63  }
0x2a: {  	s21 =	simm.s32 $0x800  }
0x2b: {  	[tilespmem:s21], [sflag:$0x2] =	stream.indirect_vreg.gather [hbm4b:s4+s2], $0x80, v4, vm1, $0xb8;
	[tilespmem:$0x18200] =	vst v63  }
0x2c: {  	s22 =	simm.s32 $0xC00  }
0x2d: {  	[tilespmem:s22], [sflag:$0x2] =	stream.indirect_vreg.gather [hbm4b:s3+s2], $0x80, v3, vm0, $0xb8;
	[tilespmem:$0x18200] =	vst v63  }
0x2e: {  	s23 =	simm.s32 $0x1400  }
0x2f: {  	[tilespmem:s23], [sflag:$0x2] =	stream.indirect_vreg.gather [hbm4b:s4+s2], $0x80, v3, vm1, $0xb8;
	[tilespmem:$0x18200] =	vst v63  }
0x30: {  	v3 =	vld [tilespmem:$0x18010];
	_ =	sdelay $0x4  }
0x31: {  	v33 =	vshrl.u32 v3, $0x3  }
0x32: {  	v4 =	vmul.u32 $0x18, v33  }
0x33: {  	v3 =	vand.u32 $0x7, v3  }
0x34: {  	v3 =	vor.u32 v3, v4  }
0x35: {  	v4 =	vperm.xlane v3, v0;
	_ =	sdelay $0x1  }
0x36: {  	v4 =	vadd.s32 v1, v4;
	_ =	sdelay $0x1  }
0x37: {  	v3 =	vperm.xlane v3, v2;
	_ =	sdelay $0x1  }
0x38: {  	v3 =	vadd.s32 v1, v3  }
0x39: {  	[tilespmem:s24], [sflag:$0x2] =	stream.indirect_vreg.gather [hbm4b:s3+s2], $0x80, v4, vm0, $0xb8;
	[tilespmem:$0x18200] =	vst v63  }
0x3a: {  	_ = 	snop  }
0x3b: {  	[tilespmem:s25], [sflag:$0x2] =	stream.indirect_vreg.gather [hbm4b:s4+s2], $0x80, v4, vm1, $0xb8;
	[tilespmem:$0x18200] =	vst v63  }
0x3c: {  	_ = 	snop  }
0x3d: {  	[tilespmem:s26], [sflag:$0x2] =	stream.indirect_vreg.gather [hbm4b:s3+s2], $0x80, v3, vm0, $0xb8;
	[tilespmem:$0x18200] =	vst v63  }
0x3e: {  	_ = 	snop  }
0x3f: {  	[tilespmem:s28], [sflag:$0x2] =	stream.indirect_vreg.gather [hbm4b:s4+s2], $0x80, v3, vm1, $0xb8;
	[tilespmem:$0x18200] =	vst v63  }
0x40: {  	v3 =	vld [tilespmem:$0x18020];
	_ =	sdelay $0x4  }
0x41: {  	v34 =	vshrl.u32 v3, $0x3  }
0x42: {  	v4 =	vmul.u32 $0x18, v34  }
0x43: {  	v3 =	vand.u32 $0x7, v3  }
0x44: {  	v3 =	vor.u32 v3, v4  }
0x45: {  	v4 =	vperm.xlane v3, v0;
	_ =	sdelay $0x1  }
0x46: {  	v4 =	vadd.s32 v1, v4;
	_ =	sdelay $0x1  }
0x47: {  	v3 =	vperm.xlane v3, v2;
	_ =	sdelay $0x1  }
0x48: {  	v3 =	vadd.s32 v1, v3  }
0x49: {  	[tilespmem:s29], [sflag:$0x2] =	stream.indirect_vreg.gather [hbm4b:s3+s2], $0x80, v4, vm0, $0xb8;
	[tilespmem:$0x18200] =	vst v63  }
0x4a: {  	_ = 	snop  }
0x4b: {  	[tilespmem:s30], [sflag:$0x2] =	stream.indirect_vreg.gather [hbm4b:s4+s2], $0x80, v4, vm1, $0xb8;
	[tilespmem:$0x18200] =	vst v63  }
0x4c: {  	_ = 	snop  }
0x4d: {  	[tilespmem:s31], [sflag:$0x2] =	stream.indirect_vreg.gather [hbm4b:s3+s2], $0x80, v3, vm0, $0xb8;
	[tilespmem:$0x18200] =	vst v63  }
0x4e: {  	_ = 	snop  }
0x4f: {  	[tilespmem:s1], [sflag:$0x2] =	stream.indirect_vreg.gather [hbm4b:s4+s2], $0x80, v3, vm1, $0xb8;
	[tilespmem:$0x18200] =	vst v63  }
0x50: {  	v3 =	vld [tilespmem:$0x18030];
	_ =	sdelay $0x4  }
0x51: {  	v35 =	vshrl.u32 v3, $0x3  }
0x52: {  	v4 =	vmul.u32 $0x18, v35  }
0x53: {  	v3 =	vand.u32 $0x7, v3  }
0x54: {  	v3 =	vor.u32 v3, v4  }
0x55: {  	v4 =	vperm.xlane v3, v0;
	_ =	sdelay $0x1  }
0x56: {  	v4 =	vadd.s32 v1, v4;
	_ =	sdelay $0x1  }
0x57: {  	v3 =	vperm.xlane v3, v2;
	_ =	sdelay $0x1  }
0x58: {  	s0 =	simm.s32 $0x4800;
	v3 =	vadd.s32 v1, v3  }
0x59: {  	[tilespmem:s0], [sflag:$0x2] =	stream.indirect_vreg.gather [hbm4b:s3+s2], $0x80, v4, vm0, $0xb8;
	[tilespmem:$0x18200] =	vst v63  }
0x5a: {  	_ = 	snop  }
0x5b: {  	[tilespmem:s7], [sflag:$0x2] =	stream.indirect_vreg.gather [hbm4b:s4+s2], $0x80, v4, vm1, $0xb8;
	[tilespmem:$0x18200] =	vst v63  }
0x5c: {  	_ = 	snop  }
0x5d: {  	[tilespmem:s8], [sflag:$0x2] =	stream.indirect_vreg.gather [hbm4b:s3+s2], $0x80, v3, vm0, $0xb8;
	[tilespmem:$0x18200] =	vst v63  }
0x5e: {  	_ = 	snop  }
0x5f: {  	[tilespmem:s9], [sflag:$0x2] =	stream.indirect_vreg.gather [hbm4b:s4+s2], $0x80, v3, vm1, $0xb8;
	[tilespmem:$0x18200] =	vst v63  }
0x60: {  	v3 =	vld [tilespmem:$0x18040];
	_ =	sdelay $0x4  }
0x61: {  	v36 =	vshrl.u32 v3, $0x3  }
0x62: {  	v4 =	vmul.u32 $0x18, v36  }
0x63: {  	v3 =	vand.u32 $0x7, v3  }
0x64: {  	v3 =	vor.u32 v3, v4  }
0x65: {  	v4 =	vperm.xlane v3, v0;
	_ =	sdelay $0x1  }
0x66: {  	v4 =	vadd.s32 v1, v4;
	_ =	sdelay $0x1  }
0x67: {  	v3 =	vperm.xlane v3, v2;
	_ =	sdelay $0x1  }
0x68: {  	v3 =	vadd.s32 v1, v3  }
0x69: {  	[tilespmem:s10], [sflag:$0x2] =	stream.indirect_vreg.gather [hbm4b:s3+s2], $0x80, v4, vm0, $0xb8;
	[tilespmem:$0x18200] =	vst v63  }
0x6a: {  	_ = 	snop  }
0x6b: {  	[tilespmem:s11], [sflag:$0x2] =	stream.indirect_vreg.gather [hbm4b:s4+s2], $0x80, v4, vm1, $0xb8;
	[tilespmem:$0x18200] =	vst v63  }
0x6c: {  	_ = 	snop  }
0x6d: {  	[tilespmem:s12], [sflag:$0x2] =	stream.indirect_vreg.gather [hbm4b:s3+s2], $0x80, v3, vm0, $0xb8;
	[tilespmem:$0x18200] =	vst v63  }
0x6e: {  	_ = 	snop  }
0x6f: {  	[tilespmem:s13], [sflag:$0x2] =	stream.indirect_vreg.gather [hbm4b:s4+s2], $0x80, v3, vm1, $0xb8;
	[tilespmem:$0x18200] =	vst v63  }
0x70: {  	v3 =	vld [tilespmem:$0x18050];
	_ =	sdelay $0x4  }
0x71: {  	v37 =	vshrl.u32 v3, $0x3  }
0x72: {  	v4 =	vmul.u32 $0x18, v37  }
0x73: {  	v3 =	vand.u32 $0x7, v3  }
0x74: {  	v3 =	vor.u32 v3, v4  }
0x75: {  	v4 =	vperm.xlane v3, v0;
	_ =	sdelay $0x1  }
0x76: {  	v4 =	vadd.s32 v1, v4;
	_ =	sdelay $0x1  }
0x77: {  	v3 =	vperm.xlane v3, v2;
	_ =	sdelay $0x1  }
0x78: {  	v3 =	vadd.s32 v1, v3  }
0x79: {  	[tilespmem:s14], [sflag:$0x2] =	stream.indirect_vreg.gather [hbm4b:s3+s2], $0x80, v4, vm0, $0xb8;
	[tilespmem:$0x18200] =	vst v63  }
0x7a: {  	_ = 	snop  }
0x7b: {  	[tilespmem:s15], [sflag:$0x2] =	stream.indirect_vreg.gather [hbm4b:s4+s2], $0x80, v4, vm1, $0xb8;
	[tilespmem:$0x18200] =	vst v63  }
0x7c: {  	_ = 	snop  }
0x7d: {  	[tilespmem:s16], [sflag:$0x2] =	stream.indirect_vreg.gather [hbm4b:s3+s2], $0x80, v3, vm0, $0xb8;
	[tilespmem:$0x18200] =	vst v63  }
0x7e: {  	_ = 	snop  }
0x7f: {  	[tilespmem:s17], [sflag:$0x2] =	stream.indirect_vreg.gather [hbm4b:s4+s2], $0x80, v3, vm1, $0xb8;
	[tilespmem:$0x18200] =	vst v63  }
0x80: {  	v3 =	vld [tilespmem:$0x18060];
	_ =	sdelay $0x4  }
0x81: {  	v38 =	vshrl.u32 v3, $0x3  }
0x82: {  	v4 =	vmul.u32 $0x18, v38  }
0x83: {  	v3 =	vand.u32 $0x7, v3  }
0x84: {  	v3 =	vor.u32 v3, v4  }
0x85: {  	v4 =	vperm.xlane v3, v0;
	_ =	sdelay $0x1  }
0x86: {  	v4 =	vadd.s32 v1, v4;
	_ =	sdelay $0x1  }
0x87: {  	v3 =	vperm.xlane v3, v2;
	_ =	sdelay $0x1  }
0x88: {  	v3 =	vadd.s32 v1, v3  }
0x89: {  	[tilespmem:s6], [sflag:$0x2] =	stream.indirect_vreg.gather [hbm4b:s3+s2], $0x80, v4, vm0, $0xb8;
	[tilespmem:$0x18200] =	vst v63  }
0x8a: {  	s20 =	simm.s32 $0x9800  }
0x8b: {  	[tilespmem:s20], [sflag:$0x2] =	stream.indirect_vreg.gather [hbm4b:s4+s2], $0x80, v4, vm1, $0xb8;
	[tilespmem:$0x18200] =	vst v63  }
0x8c: {  	s20 =	simm.s32 $0x9C00  }
0x8d: {  	[tilespmem:s20], [sflag:$0x2] =	stream.indirect_vreg.gather [hbm4b:s3+s2], $0x80, v3, vm0, $0xb8;
	[tilespmem:$0x18200] =	vst v63  }
0x8e: {  	s20 =	simm.s32 $0xA400  }
0x8f: {  	[tilespmem:s20], [sflag:$0x2] =	stream.indirect_vreg.gather [hbm4b:s4+s2], $0x80, v3, vm1, $0xb8;
	[tilespmem:$0x18200] =	vst v63  }
0x90: {  	v3 =	vld [tilespmem:$0x18070];
	_ =	sdelay $0x4  }
0x91: {  	v39 =	vshrl.u32 v3, $0x3  }
0x92: {  	v4 =	vmul.u32 $0x18, v39  }
0x93: {  	v3 =	vand.u32 $0x7, v3  }
0x94: {  	v3 =	vor.u32 v3, v4  }
0x95: {  	v4 =	vperm.xlane v3, v0;
	_ =	sdelay $0x1  }
0x96: {  	v4 =	vadd.s32 v1, v4;
	_ =	sdelay $0x1  }
0x97: {  	v3 =	vperm.xlane v3, v2;
	_ =	sdelay $0x1  }
0x98: {  	s20 =	simm.s32 $0xA800;
	v3 =	vadd.s32 v1, v3  }
0x99: {  	[tilespmem:s20], [sflag:$0x2] =	stream.indirect_vreg.gather [hbm4b:s3+s2], $0x80, v4, vm0, $0xb8;
	[tilespmem:$0x18200] =	vst v63  }
0x9a: {  	s20 =	simm.s32 $0xB000  }
0x9b: {  	[tilespmem:s20], [sflag:$0x2] =	stream.indirect_vreg.gather [hbm4b:s4+s2], $0x80, v4, vm1, $0xb8;
	[tilespmem:$0x18200] =	vst v63  }
0x9c: {  	s20 =	simm.s32 $0xB400  }
0x9d: {  	[tilespmem:s20], [sflag:$0x2] =	stream.indirect_vreg.gather [hbm4b:s3+s2], $0x80, v3, vm0, $0xb8;
	[tilespmem:$0x18200] =	vst v63  }
0x9e: {  	s20 =	simm.s32 $0xBC00  }
0x9f: {  	[tilespmem:s20], [sflag:$0x2] =	stream.indirect_vreg.gather [hbm4b:s4+s2], $0x80, v3, vm1, $0xb8;
	[tilespmem:$0x18200] =	vst v63  }
0xa0: {  	v3 =	vld [tilespmem:$0x18080];
	_ =	sdelay $0x4  }
0xa1: {  	v40 =	vshrl.u32 v3, $0x3  }
0xa2: {  	v4 =	vmul.u32 $0x18, v40  }
0xa3: {  	v3 =	vand.u32 $0x7, v3  }
0xa4: {  	v3 =	vor.u32 v3, v4  }
0xa5: {  	v4 =	vperm.xlane v3, v0;
	_ =	sdelay $0x1  }
0xa6: {  	v4 =	vadd.s32 v1, v4;
	_ =	sdelay $0x1  }
0xa7: {  	v3 =	vperm.xlane v3, v2;
	_ =	sdelay $0x1  }
0xa8: {  	s20 =	simm.s32 $0xC000;
	v3 =	vadd.s32 v1, v3  }
0xa9: {  	[tilespmem:s20], [sflag:$0x2] =	stream.indirect_vreg.gather [hbm4b:s3+s2], $0x80, v4, vm0, $0xb8;
	[tilespmem:$0x18200] =	vst v63  }
0xaa: {  	s20 =	simm.s32 $0xC800  }
0xab: {  	[tilespmem:s20], [sflag:$0x2] =	stream.indirect_vreg.gather [hbm4b:s4+s2], $0x80, v4, vm1, $0xb8;
	[tilespmem:$0x18200] =	vst v63  }
0xac: {  	s20 =	simm.s32 $0xCC00  }
0xad: {  	[tilespmem:s20], [sflag:$0x2] =	stream.indirect_vreg.gather [hbm4b:s3+s2], $0x80, v3, vm0, $0xb8;
	[tilespmem:$0x18200] =	vst v63  }
0xae: {  	s20 =	simm.s32 $0xD400  }
0xaf: {  	[tilespmem:s20], [sflag:$0x2] =	stream.indirect_vreg.gather [hbm4b:s4+s2], $0x80, v3, vm1, $0xb8;
	[tilespmem:$0x18200] =	vst v63  }
0xb0: {  	v3 =	vld [tilespmem:$0x18090];
	_ =	sdelay $0x4  }
0xb1: {  	v41 =	vshrl.u32 v3, $0x3  }
0xb2: {  	v4 =	vmul.u32 $0x18, v41  }
0xb3: {  	v3 =	vand.u32 $0x7, v3  }
0xb4: {  	v3 =	vor.u32 v3, v4  }
0xb5: {  	v4 =	vperm.xlane v3, v0;
	_ =	sdelay $0x1  }
0xb6: {  	v4 =	vadd.s32 v1, v4;
	_ =	sdelay $0x1  }
0xb7: {  	v3 =	vperm.xlane v3, v2;
	_ =	sdelay $0x1  }
0xb8: {  	s20 =	simm.s32 $0xD800;
	v3 =	vadd.s32 v1, v3  }
0xb9: {  	[tilespmem:s20], [sflag:$0x2] =	stream.indirect_vreg.gather [hbm4b:s3+s2], $0x80, v4, vm0, $0xb8;
	[tilespmem:$0x18200] =	vst v63  }
0xba: {  	s20 =	simm.s32 $0xE000  }
0xbb: {  	[tilespmem:s20], [sflag:$0x2] =	stream.indirect_vreg.gather [hbm4b:s4+s2], $0x80, v4, vm1, $0xb8;
	[tilespmem:$0x18200] =	vst v63  }
0xbc: {  	s20 =	simm.s32 $0xE400  }
0xbd: {  	[tilespmem:s20], [sflag:$0x2] =	stream.indirect_vreg.gather [hbm4b:s3+s2], $0x80, v3, vm0, $0xb8;
	[tilespmem:$0x18200] =	vst v63  }
0xbe: {  	s20 =	simm.s32 $0xEC00  }
0xbf: {  	[tilespmem:s20], [sflag:$0x2] =	stream.indirect_vreg.gather [hbm4b:s4+s2], $0x80, v3, vm1, $0xb8;
	[tilespmem:$0x18200] =	vst v63  }
0xc0: {  	v3 =	vld [tilespmem:$0x180A0];
	_ =	sdelay $0x4  }
0xc1: {  	v42 =	vshrl.u32 v3, $0x3  }
0xc2: {  	v4 =	vmul.u32 $0x18, v42  }
0xc3: {  	v3 =	vand.u32 $0x7, v3  }
0xc4: {  	v3 =	vor.u32 v3, v4  }
0xc5: {  	v4 =	vperm.xlane v3, v0;
	_ =	sdelay $0x1  }
0xc6: {  	v4 =	vadd.s32 v1, v4;
	_ =	sdelay $0x1  }
0xc7: {  	v3 =	vperm.xlane v3, v2;
	_ =	sdelay $0x1  }
0xc8: {  	s20 =	simm.s32 $0xF000;
	v3 =	vadd.s32 v1, v3  }
0xc9: {  	[tilespmem:s20], [sflag:$0x2] =	stream.indirect_vreg.gather [hbm4b:s3+s2], $0x80, v4, vm0, $0xb8;
	[tilespmem:$0x18200] =	vst v63  }
0xca: {  	s20 =	simm.s32 $0xF800  }
0xcb: {  	[tilespmem:s20], [sflag:$0x2] =	stream.indirect_vreg.gather [hbm4b:s4+s2], $0x80, v4, vm1, $0xb8;
	[tilespmem:$0x18200] =	vst v63  }
0xcc: {  	s20 =	simm.s32 $0xFC00  }
0xcd: {  	[tilespmem:s20], [sflag:$0x2] =	stream.indirect_vreg.gather [hbm4b:s3+s2], $0x80, v3, vm0, $0xb8;
	[tilespmem:$0x18200] =	vst v63  }
0xce: {  	s20 =	simm.s32 $0x10400  }
0xcf: {  	[tilespmem:s20], [sflag:$0x2] =	stream.indirect_vreg.gather [hbm4b:s4+s2], $0x80, v3, vm1, $0xb8;
	[tilespmem:$0x18200] =	vst v63  }
0xd0: {  	v3 =	vld [tilespmem:$0x180B0];
	_ =	sdelay $0x4  }
0xd1: {  	v43 =	vshrl.u32 v3, $0x3  }
0xd2: {  	v4 =	vmul.u32 $0x18, v43  }
0xd3: {  	v3 =	vand.u32 $0x7, v3  }
0xd4: {  	v3 =	vor.u32 v3, v4  }
0xd5: {  	v4 =	vperm.xlane v3, v0;
	_ =	sdelay $0x1  }
0xd6: {  	v4 =	vadd.s32 v1, v4;
	_ =	sdelay $0x1  }
0xd7: {  	v3 =	vperm.xlane v3, v2;
	_ =	sdelay $0x1  }
0xd8: {  	s20 =	simm.s32 $0x10800;
	v3 =	vadd.s32 v1, v3  }
0xd9: {  	[tilespmem:s20], [sflag:$0x2] =	stream.indirect_vreg.gather [hbm4b:s3+s2], $0x80, v4, vm0, $0xb8;
	[tilespmem:$0x18200] =	vst v63  }
0xda: {  	s20 =	simm.s32 $0x11000  }
0xdb: {  	[tilespmem:s20], [sflag:$0x2] =	stream.indirect_vreg.gather [hbm4b:s4+s2], $0x80, v4, vm1, $0xb8;
	[tilespmem:$0x18200] =	vst v63  }
0xdc: {  	s20 =	simm.s32 $0x11400  }
0xdd: {  	[tilespmem:s20], [sflag:$0x2] =	stream.indirect_vreg.gather [hbm4b:s3+s2], $0x80, v3, vm0, $0xb8;
	[tilespmem:$0x18200] =	vst v63  }
0xde: {  	s20 =	simm.s32 $0x11C00  }
0xdf: {  	[tilespmem:s20], [sflag:$0x2] =	stream.indirect_vreg.gather [hbm4b:s4+s2], $0x80, v3, vm1, $0xb8;
	[tilespmem:$0x18200] =	vst v63  }
0xe0: {  	v3 =	vld [tilespmem:$0x180C0];
	_ =	sdelay $0x4  }
0xe1: {  	v44 =	vshrl.u32 v3, $0x3  }
0xe2: {  	v4 =	vmul.u32 $0x18, v44  }
0xe3: {  	v3 =	vand.u32 $0x7, v3  }
0xe4: {  	v3 =	vor.u32 v3, v4  }
0xe5: {  	v4 =	vperm.xlane v3, v0;
	_ =	sdelay $0x1  }
0xe6: {  	v4 =	vadd.s32 v1, v4;
	_ =	sdelay $0x1  }
0xe7: {  	v3 =	vperm.xlane v3, v2;
	_ =	sdelay $0x1  }
0xe8: {  	s20 =	simm.s32 $0x12000;
	v3 =	vadd.s32 v1, v3  }
0xe9: {  	[tilespmem:s20], [sflag:$0x2] =	stream.indirect_vreg.gather [hbm4b:s3+s2], $0x80, v4, vm0, $0xb8;
	[tilespmem:$0x18200] =	vst v63  }
0xea: {  	s20 =	simm.s32 $0x12800  }
0xeb: {  	[tilespmem:s20], [sflag:$0x2] =	stream.indirect_vreg.gather [hbm4b:s4+s2], $0x80, v4, vm1, $0xb8;
	[tilespmem:$0x18200] =	vst v63  }
0xec: {  	s20 =	simm.s32 $0x12C00  }
0xed: {  	[tilespmem:s20], [sflag:$0x2] =	stream.indirect_vreg.gather [hbm4b:s3+s2], $0x80, v3, vm0, $0xb8;
	[tilespmem:$0x18200] =	vst v63  }
0xee: {  	s20 =	simm.s32 $0x13400  }
0xef: {  	[tilespmem:s20], [sflag:$0x2] =	stream.indirect_vreg.gather [hbm4b:s4+s2], $0x80, v3, vm1, $0xb8;
	[tilespmem:$0x18200] =	vst v63  }
0xf0: {  	v3 =	vld [tilespmem:$0x180D0];
	_ =	sdelay $0x4  }
0xf1: {  	v45 =	vshrl.u32 v3, $0x3  }
0xf2: {  	v4 =	vmul.u32 $0x18, v45  }
0xf3: {  	v3 =	vand.u32 $0x7, v3  }
0xf4: {  	v3 =	vor.u32 v3, v4  }
0xf5: {  	v4 =	vperm.xlane v3, v0;
	_ =	sdelay $0x1  }
0xf6: {  	v4 =	vadd.s32 v1, v4;
	_ =	sdelay $0x1  }
0xf7: {  	v3 =	vperm.xlane v3, v2;
	_ =	sdelay $0x1  }
0xf8: {  	s20 =	simm.s32 $0x13800;
	v3 =	vadd.s32 v1, v3  }
0xf9: {  	[tilespmem:s20], [sflag:$0x2] =	stream.indirect_vreg.gather [hbm4b:s3+s2], $0x80, v4, vm0, $0xb8;
	[tilespmem:$0x18200] =	vst v63  }
0xfa: {  	s20 =	simm.s32 $0x14000  }
0xfb: {  	[tilespmem:s20], [sflag:$0x2] =	stream.indirect_vreg.gather [hbm4b:s4+s2], $0x80, v4, vm1, $0xb8;
	[tilespmem:$0x18200] =	vst v63  }
0xfc: {  	s20 =	simm.s32 $0x14400  }
0xfd: {  	[tilespmem:s20], [sflag:$0x2] =	stream.indirect_vreg.gather [hbm4b:s3+s2], $0x80, v3, vm0, $0xb8;
	[tilespmem:$0x18200] =	vst v63  }
0xfe: {  	s20 =	simm.s32 $0x14C00  }
0xff: {  	[tilespmem:s20], [sflag:$0x2] =	stream.indirect_vreg.gather [hbm4b:s4+s2], $0x80, v3, vm1, $0xb8;
	[tilespmem:$0x18200] =	vst v63  }
0x100: {  	v3 =	vld [tilespmem:$0x180E0];
	_ =	sdelay $0x4  }
0x101: {  	v46 =	vshrl.u32 v3, $0x3  }
0x102: {  	v4 =	vmul.u32 $0x18, v46  }
0x103: {  	v3 =	vand.u32 $0x7, v3  }
0x104: {  	v3 =	vor.u32 v3, v4  }
0x105: {  	v4 =	vperm.xlane v3, v0;
	_ =	sdelay $0x1  }
0x106: {  	v4 =	vadd.s32 v1, v4;
	_ =	sdelay $0x1  }
0x107: {  	v3 =	vperm.xlane v3, v2;
	_ =	sdelay $0x1  }
0x108: {  	s20 =	simm.s32 $0x15000;
	v3 =	vadd.s32 v1, v3  }
0x109: {  	[tilespmem:s20], [sflag:$0x2] =	stream.indirect_vreg.gather [hbm4b:s3+s2], $0x80, v4, vm0, $0xb8;
	[tilespmem:$0x18200] =	vst v63  }
0x10a: {  	s20 =	simm.s32 $0x15800  }
0x10b: {  	[tilespmem:s20], [sflag:$0x2] =	stream.indirect_vreg.gather [hbm4b:s4+s2], $0x80, v4, vm1, $0xb8;
	[tilespmem:$0x18200] =	vst v63  }
0x10c: {  	s20 =	simm.s32 $0x15C00  }
0x10d: {  	[tilespmem:s20], [sflag:$0x2] =	stream.indirect_vreg.gather [hbm4b:s3+s2], $0x80, v3, vm0, $0xb8;
	[tilespmem:$0x18200] =	vst v63  }
0x10e: {  	s20 =	simm.s32 $0x16400  }
0x10f: {  	[tilespmem:s20], [sflag:$0x2] =	stream.indirect_vreg.gather [hbm4b:s4+s2], $0x80, v3, vm1, $0xb8;
	[tilespmem:$0x18200] =	vst v63  }
0x110: {  	v3 =	vld [tilespmem:$0x180F0];
	_ =	sdelay $0x4  }
0x111: {  	v47 =	vshrl.u32 v3, $0x3  }
0x112: {  	v4 =	vmul.u32 $0x18, v47  }
0x113: {  	v3 =	vand.u32 $0x7, v3  }
0x114: {  	v3 =	vor.u32 v3, v4  }
0x115: {  	v4 =	vperm.xlane v3, v0;
	_ =	sdelay $0x1  }
0x116: {  	v4 =	vadd.s32 v1, v4;
	_ =	sdelay $0x1  }
0x117: {  	v3 =	vperm.xlane v3, v2;
	_ =	sdelay $0x1  }
0x118: {  	s20 =	simm.s32 $0x16800;
	v3 =	vadd.s32 v1, v3  }
0x119: {  	[tilespmem:s20], [sflag:$0x2] =	stream.indirect_vreg.gather [hbm4b:s3+s2], $0x80, v4, vm0, $0xb8;
	[tilespmem:$0x18200] =	vst v63  }
0x11a: {  	s20 =	simm.s32 $0x17000  }
0x11b: {  	[tilespmem:s20], [sflag:$0x2] =	stream.indirect_vreg.gather [hbm4b:s4+s2], $0x80, v4, vm1, $0xb8;
	[tilespmem:$0x18200] =	vst v63  }
0x11c: {  	s20 =	simm.s32 $0x17400  }
0x11d: {  	[tilespmem:s20], [sflag:$0x2] =	stream.indirect_vreg.gather [hbm4b:s3+s2], $0x80, v3, vm0, $0xb8;
	[tilespmem:$0x18200] =	vst v63  }
0x11e: {  	s20 =	simm.s32 $0x17C00  }
0x11f: {  	[tilespmem:s20], [sflag:$0x2] =	stream.indirect_vreg.gather [hbm4b:s4+s2], $0x80, v3, vm1, $0xb8;
	[tilespmem:$0x18200] =	vst v63  }
0x120: {  	_ =	swait.ge [sflag:s18], $0xC000  }
0x121: {  	[sflag:s18] =	ssyncset.done $0x0  }
0x122: {  	[sflag:s18] =	ssyncadd.s32 $0xFFFF4000  }
0x123: {  	_ =	swait.ge [sflag:s18], $0xC000  }
0x124: {  	[sflag:s18] =	ssyncset.done $0x0  }
0x125: {  	s20 =	rddreg [dreg:$0x5];
	[sflag:s18] =	ssyncadd.s32 $0xFFFF4000  }
0x126: {  	[hbm4b:s20+s2] =	stream.linear.scatter [tilespmem:s2], [sflag:$0x3], $0x18000, $0x38;
	[tilespmem:$0x18200] =	vst v63  }
0x127: {  	_ =	swait.ge [sflag:s19], $0x18000  }
0x128: {  	[sflag:s19] =	ssyncset.done $0x0  }
0x129: {  	[sflag:s19] =	ssyncadd.s32 $0xFFFE8000  }
0x12a: {  	v3 =	vld [tilespmem:$0x18100];
	_ =	sdelay $0x4  }
0x12b: {  	v48 =	vshrl.u32 v3, $0x3  }
0x12c: {  	v4 =	vmul.u32 $0x18, v48  }
0x12d: {  	v3 =	vand.u32 $0x7, v3  }
0x12e: {  	v3 =	vor.u32 v3, v4  }
0x12f: {  	v4 =	vperm.xlane v3, v0;
	_ =	sdelay $0x1  }
0x130: {  	v4 =	vadd.s32 v1, v4;
	_ =	sdelay $0x1  }
0x131: {  	v3 =	vperm.xlane v3, v2;
	_ =	sdelay $0x1  }
0x132: {  	v3 =	vadd.s32 v1, v3  }
0x133: {  	[tilespmem:s2], [sflag:$0x2] =	stream.indirect_vreg.gather [hbm4b:s3+s2], $0x80, v4, vm0, $0xb8;
	[tilespmem:$0x18200] =	vst v63  }
0x134: {  	_ = 	snop  }
0x135: {  	[tilespmem:s21], [sflag:$0x2] =	stream.indirect_vreg.gather [hbm4b:s4+s2], $0x80, v4, vm1, $0xb8;
	[tilespmem:$0x18200] =	vst v63  }
0x136: {  	_ = 	snop  }
0x137: {  	[tilespmem:s22], [sflag:$0x2] =	stream.indirect_vreg.gather [hbm4b:s3+s2], $0x80, v3, vm0, $0xb8;
	[tilespmem:$0x18200] =	vst v63  }
0x138: {  	_ = 	snop  }
0x139: {  	[tilespmem:s23], [sflag:$0x2] =	stream.indirect_vreg.gather [hbm4b:s4+s2], $0x80, v3, vm1, $0xb8;
	[tilespmem:$0x18200] =	vst v63  }
0x13a: {  	v3 =	vld [tilespmem:$0x18110];
	_ =	sdelay $0x4  }
0x13b: {  	v49 =	vshrl.u32 v3, $0x3  }
0x13c: {  	v4 =	vmul.u32 $0x18, v49  }
0x13d: {  	v3 =	vand.u32 $0x7, v3  }
0x13e: {  	v3 =	vor.u32 v3, v4  }
0x13f: {  	v4 =	vperm.xlane v3, v0;
	_ =	sdelay $0x1  }
0x140: {  	v4 =	vadd.s32 v1, v4;
	_ =	sdelay $0x1  }
0x141: {  	v3 =	vperm.xlane v3, v2;
	_ =	sdelay $0x1  }
0x142: {  	v3 =	vadd.s32 v1, v3  }
0x143: {  	[tilespmem:s24], [sflag:$0x2] =	stream.indirect_vreg.gather [hbm4b:s3+s2], $0x80, v4, vm0, $0xb8;
	[tilespmem:$0x18200] =	vst v63  }
0x144: {  	_ = 	snop  }
0x145: {  	[tilespmem:s25], [sflag:$0x2] =	stream.indirect_vreg.gather [hbm4b:s4+s2], $0x80, v4, vm1, $0xb8;
	[tilespmem:$0x18200] =	vst v63  }
0x146: {  	_ = 	snop  }
0x147: {  	[tilespmem:s26], [sflag:$0x2] =	stream.indirect_vreg.gather [hbm4b:s3+s2], $0x80, v3, vm0, $0xb8;
	[tilespmem:$0x18200] =	vst v63  }
0x148: {  	_ = 	snop  }
0x149: {  	[tilespmem:s28], [sflag:$0x2] =	stream.indirect_vreg.gather [hbm4b:s4+s2], $0x80, v3, vm1, $0xb8;
	[tilespmem:$0x18200] =	vst v63  }
0x14a: {  	v3 =	vld [tilespmem:$0x18120];
	_ =	sdelay $0x4  }
0x14b: {  	v50 =	vshrl.u32 v3, $0x3  }
0x14c: {  	v4 =	vmul.u32 $0x18, v50  }
0x14d: {  	v3 =	vand.u32 $0x7, v3  }
0x14e: {  	v3 =	vor.u32 v3, v4  }
0x14f: {  	v4 =	vperm.xlane v3, v0;
	_ =	sdelay $0x1  }
0x150: {  	v4 =	vadd.s32 v1, v4;
	_ =	sdelay $0x1  }
0x151: {  	v3 =	vperm.xlane v3, v2;
	_ =	sdelay $0x1  }
0x152: {  	v3 =	vadd.s32 v1, v3  }
0x153: {  	[tilespmem:s29], [sflag:$0x2] =	stream.indirect_vreg.gather [hbm4b:s3+s2], $0x80, v4, vm0, $0xb8;
	[tilespmem:$0x18200] =	vst v63  }
0x154: {  	_ = 	snop  }
0x155: {  	[tilespmem:s30], [sflag:$0x2] =	stream.indirect_vreg.gather [hbm4b:s4+s2], $0x80, v4, vm1, $0xb8;
	[tilespmem:$0x18200] =	vst v63  }
0x156: {  	_ = 	snop  }
0x157: {  	[tilespmem:s31], [sflag:$0x2] =	stream.indirect_vreg.gather [hbm4b:s3+s2], $0x80, v3, vm0, $0xb8;
	[tilespmem:$0x18200] =	vst v63  }
0x158: {  	_ = 	snop  }
0x159: {  	[tilespmem:s1], [sflag:$0x2] =	stream.indirect_vreg.gather [hbm4b:s4+s2], $0x80, v3, vm1, $0xb8;
	[tilespmem:$0x18200] =	vst v63  }
0x15a: {  	v3 =	vld [tilespmem:$0x18130];
	_ =	sdelay $0x4  }
0x15b: {  	v51 =	vshrl.u32 v3, $0x3  }
0x15c: {  	v4 =	vmul.u32 $0x18, v51  }
0x15d: {  	v3 =	vand.u32 $0x7, v3  }
0x15e: {  	v3 =	vor.u32 v3, v4  }
0x15f: {  	v4 =	vperm.xlane v3, v0;
	_ =	sdelay $0x1  }
0x160: {  	v4 =	vadd.s32 v1, v4;
	_ =	sdelay $0x1  }
0x161: {  	v3 =	vperm.xlane v3, v2;
	_ =	sdelay $0x1  }
0x162: {  	v3 =	vadd.s32 v1, v3  }
0x163: {  	[tilespmem:s0], [sflag:$0x2] =	stream.indirect_vreg.gather [hbm4b:s3+s2], $0x80, v4, vm0, $0xb8;
	[tilespmem:$0x18200] =	vst v63  }
0x164: {  	_ = 	snop  }
0x165: {  	[tilespmem:s7], [sflag:$0x2] =	stream.indirect_vreg.gather [hbm4b:s4+s2], $0x80, v4, vm1, $0xb8;
	[tilespmem:$0x18200] =	vst v63  }
0x166: {  	_ = 	snop  }
0x167: {  	[tilespmem:s8], [sflag:$0x2] =	stream.indirect_vreg.gather [hbm4b:s3+s2], $0x80, v3, vm0, $0xb8;
	[tilespmem:$0x18200] =	vst v63  }
0x168: {  	_ = 	snop  }
0x169: {  	[tilespmem:s9], [sflag:$0x2] =	stream.indirect_vreg.gather [hbm4b:s4+s2], $0x80, v3, vm1, $0xb8;
	[tilespmem:$0x18200] =	vst v63  }
0x16a: {  	v3 =	vld [tilespmem:$0x18140];
	_ =	sdelay $0x4  }
0x16b: {  	v52 =	vshrl.u32 v3, $0x3  }
0x16c: {  	v4 =	vmul.u32 $0x18, v52  }
0x16d: {  	v3 =	vand.u32 $0x7, v3  }
0x16e: {  	v3 =	vor.u32 v3, v4  }
0x16f: {  	v4 =	vperm.xlane v3, v0;
	_ =	sdelay $0x1  }
0x170: {  	v4 =	vadd.s32 v1, v4;
	_ =	sdelay $0x1  }
0x171: {  	v3 =	vperm.xlane v3, v2;
	_ =	sdelay $0x1  }
0x172: {  	v3 =	vadd.s32 v1, v3  }
0x173: {  	[tilespmem:s10], [sflag:$0x2] =	stream.indirect_vreg.gather [hbm4b:s3+s2], $0x80, v4, vm0, $0xb8;
	[tilespmem:$0x18200] =	vst v63  }
0x174: {  	_ = 	snop  }
0x175: {  	[tilespmem:s11], [sflag:$0x2] =	stream.indirect_vreg.gather [hbm4b:s4+s2], $0x80, v4, vm1, $0xb8;
	[tilespmem:$0x18200] =	vst v63  }
0x176: {  	_ = 	snop  }
0x177: {  	[tilespmem:s12], [sflag:$0x2] =	stream.indirect_vreg.gather [hbm4b:s3+s2], $0x80, v3, vm0, $0xb8;
	[tilespmem:$0x18200] =	vst v63  }
0x178: {  	_ = 	snop  }
0x179: {  	[tilespmem:s13], [sflag:$0x2] =	stream.indirect_vreg.gather [hbm4b:s4+s2], $0x80, v3, vm1, $0xb8;
	[tilespmem:$0x18200] =	vst v63  }
0x17a: {  	v3 =	vld [tilespmem:$0x18150];
	_ =	sdelay $0x4  }
0x17b: {  	v53 =	vshrl.u32 v3, $0x3  }
0x17c: {  	v4 =	vmul.u32 $0x18, v53  }
0x17d: {  	v3 =	vand.u32 $0x7, v3  }
0x17e: {  	v3 =	vor.u32 v3, v4  }
0x17f: {  	v4 =	vperm.xlane v3, v0;
	_ =	sdelay $0x1  }
0x180: {  	v4 =	vadd.s32 v1, v4;
	_ =	sdelay $0x1  }
0x181: {  	v3 =	vperm.xlane v3, v2;
	_ =	sdelay $0x1  }
0x182: {  	v3 =	vadd.s32 v1, v3  }
0x183: {  	[tilespmem:s14], [sflag:$0x2] =	stream.indirect_vreg.gather [hbm4b:s3+s2], $0x80, v4, vm0, $0xb8;
	[tilespmem:$0x18200] =	vst v63  }
0x184: {  	_ = 	snop  }
0x185: {  	[tilespmem:s15], [sflag:$0x2] =	stream.indirect_vreg.gather [hbm4b:s4+s2], $0x80, v4, vm1, $0xb8;
	[tilespmem:$0x18200] =	vst v63  }
0x186: {  	_ = 	snop  }
0x187: {  	[tilespmem:s16], [sflag:$0x2] =	stream.indirect_vreg.gather [hbm4b:s3+s2], $0x80, v3, vm0, $0xb8;
	[tilespmem:$0x18200] =	vst v63  }
0x188: {  	_ = 	snop  }
0x189: {  	[tilespmem:s17], [sflag:$0x2] =	stream.indirect_vreg.gather [hbm4b:s4+s2], $0x80, v3, vm1, $0xb8;
	[tilespmem:$0x18200] =	vst v63  }
0x18a: {  	v3 =	vld [tilespmem:$0x18160];
	_ =	sdelay $0x4  }
0x18b: {  	v54 =	vshrl.u32 v3, $0x3  }
0x18c: {  	v4 =	vmul.u32 $0x18, v54  }
0x18d: {  	v3 =	vand.u32 $0x7, v3  }
0x18e: {  	v3 =	vor.u32 v3, v4  }
0x18f: {  	v4 =	vperm.xlane v3, v0;
	_ =	sdelay $0x1  }
0x190: {  	v4 =	vadd.s32 v1, v4;
	_ =	sdelay $0x1  }
0x191: {  	v3 =	vperm.xlane v3, v2;
	_ =	sdelay $0x1  }
0x192: {  	v3 =	vadd.s32 v1, v3  }
0x193: {  	[tilespmem:s6], [sflag:$0x2] =	stream.indirect_vreg.gather [hbm4b:s3+s2], $0x80, v4, vm0, $0xb8;
	[tilespmem:$0x18200] =	vst v63  }
0x194: {  	s20 =	simm.s32 $0x9800  }
0x195: {  	[tilespmem:s20], [sflag:$0x2] =	stream.indirect_vreg.gather [hbm4b:s4+s2], $0x80, v4, vm1, $0xb8;
	[tilespmem:$0x18200] =	vst v63  }
0x196: {  	s21 =	simm.s32 $0x9C00  }
0x197: {  	[tilespmem:s21], [sflag:$0x2] =	stream.indirect_vreg.gather [hbm4b:s3+s2], $0x80, v3, vm0, $0xb8;
	[tilespmem:$0x18200] =	vst v63  }
0x198: {  	s22 =	simm.s32 $0xA400  }
0x199: {  	[tilespmem:s22], [sflag:$0x2] =	stream.indirect_vreg.gather [hbm4b:s4+s2], $0x80, v3, vm1, $0xb8;
	[tilespmem:$0x18200] =	vst v63  }
0x19a: {  	v3 =	vld [tilespmem:$0x18170];
	_ =	sdelay $0x4  }
0x19b: {  	v55 =	vshrl.u32 v3, $0x3  }
0x19c: {  	v4 =	vmul.u32 $0x18, v55  }
0x19d: {  	v3 =	vand.u32 $0x7, v3  }
0x19e: {  	v3 =	vor.u32 v3, v4  }
0x19f: {  	v4 =	vperm.xlane v3, v0;
	_ =	sdelay $0x1  }
0x1a0: {  	v4 =	vadd.s32 v1, v4;
	_ =	sdelay $0x1  }
0x1a1: {  	v3 =	vperm.xlane v3, v2;
	_ =	sdelay $0x1  }
0x1a2: {  	s23 =	simm.s32 $0xA800;
	v3 =	vadd.s32 v1, v3  }
0x1a3: {  	[tilespmem:s23], [sflag:$0x2] =	stream.indirect_vreg.gather [hbm4b:s3+s2], $0x80, v4, vm0, $0xb8;
	[tilespmem:$0x18200] =	vst v63  }
0x1a4: {  	s20 =	simm.s32 $0xB000  }
0x1a5: {  	[tilespmem:s20], [sflag:$0x2] =	stream.indirect_vreg.gather [hbm4b:s4+s2], $0x80, v4, vm1, $0xb8;
	[tilespmem:$0x18200] =	vst v63  }
0x1a6: {  	s21 =	simm.s32 $0xB400  }
0x1a7: {  	[tilespmem:s21], [sflag:$0x2] =	stream.indirect_vreg.gather [hbm4b:s3+s2], $0x80, v3, vm0, $0xb8;
	[tilespmem:$0x18200] =	vst v63  }
0x1a8: {  	s22 =	simm.s32 $0xBC00  }
0x1a9: {  	[tilespmem:s22], [sflag:$0x2] =	stream.indirect_vreg.gather [hbm4b:s4+s2], $0x80, v3, vm1, $0xb8;
	[tilespmem:$0x18200] =	vst v63  }
0x1aa: {  	v3 =	vld [tilespmem:$0x18180];
	_ =	sdelay $0x4  }
0x1ab: {  	v56 =	vshrl.u32 v3, $0x3  }
0x1ac: {  	v4 =	vmul.u32 $0x18, v56  }
0x1ad: {  	v3 =	vand.u32 $0x7, v3  }
0x1ae: {  	v3 =	vor.u32 v3, v4  }
0x1af: {  	v4 =	vperm.xlane v3, v0;
	_ =	sdelay $0x1  }
0x1b0: {  	v4 =	vadd.s32 v1, v4;
	_ =	sdelay $0x1  }
0x1b1: {  	v3 =	vperm.xlane v3, v2;
	_ =	sdelay $0x1  }
0x1b2: {  	s23 =	simm.s32 $0xC000;
	v3 =	vadd.s32 v1, v3  }
0x1b3: {  	[tilespmem:s23], [sflag:$0x2] =	stream.indirect_vreg.gather [hbm4b:s3+s2], $0x80, v4, vm0, $0xb8;
	[tilespmem:$0x18200] =	vst v63  }
0x1b4: {  	s20 =	simm.s32 $0xC800  }
0x1b5: {  	[tilespmem:s20], [sflag:$0x2] =	stream.indirect_vreg.gather [hbm4b:s4+s2], $0x80, v4, vm1, $0xb8;
	[tilespmem:$0x18200] =	vst v63  }
0x1b6: {  	s21 =	simm.s32 $0xCC00  }
0x1b7: {  	[tilespmem:s21], [sflag:$0x2] =	stream.indirect_vreg.gather [hbm4b:s3+s2], $0x80, v3, vm0, $0xb8;
	[tilespmem:$0x18200] =	vst v63  }
0x1b8: {  	s22 =	simm.s32 $0xD400  }
0x1b9: {  	[tilespmem:s22], [sflag:$0x2] =	stream.indirect_vreg.gather [hbm4b:s4+s2], $0x80, v3, vm1, $0xb8;
	[tilespmem:$0x18200] =	vst v63  }
0x1ba: {  	v3 =	vld [tilespmem:$0x18190];
	_ =	sdelay $0x4  }
0x1bb: {  	v57 =	vshrl.u32 v3, $0x3  }
0x1bc: {  	v4 =	vmul.u32 $0x18, v57  }
0x1bd: {  	v3 =	vand.u32 $0x7, v3  }
0x1be: {  	v3 =	vor.u32 v3, v4  }
0x1bf: {  	v4 =	vperm.xlane v3, v0;
	_ =	sdelay $0x1  }
0x1c0: {  	v4 =	vadd.s32 v1, v4;
	_ =	sdelay $0x1  }
0x1c1: {  	v3 =	vperm.xlane v3, v2;
	_ =	sdelay $0x1  }
0x1c2: {  	s23 =	simm.s32 $0xD800;
	v3 =	vadd.s32 v1, v3  }
0x1c3: {  	[tilespmem:s23], [sflag:$0x2] =	stream.indirect_vreg.gather [hbm4b:s3+s2], $0x80, v4, vm0, $0xb8;
	[tilespmem:$0x18200] =	vst v63  }
0x1c4: {  	s20 =	simm.s32 $0xE000  }
0x1c5: {  	[tilespmem:s20], [sflag:$0x2] =	stream.indirect_vreg.gather [hbm4b:s4+s2], $0x80, v4, vm1, $0xb8;
	[tilespmem:$0x18200] =	vst v63  }
0x1c6: {  	s21 =	simm.s32 $0xE400  }
0x1c7: {  	[tilespmem:s21], [sflag:$0x2] =	stream.indirect_vreg.gather [hbm4b:s3+s2], $0x80, v3, vm0, $0xb8;
	[tilespmem:$0x18200] =	vst v63  }
0x1c8: {  	s22 =	simm.s32 $0xEC00  }
0x1c9: {  	[tilespmem:s22], [sflag:$0x2] =	stream.indirect_vreg.gather [hbm4b:s4+s2], $0x80, v3, vm1, $0xb8;
	[tilespmem:$0x18200] =	vst v63  }
0x1ca: {  	v3 =	vld [tilespmem:$0x181A0];
	_ =	sdelay $0x4  }
0x1cb: {  	v58 =	vshrl.u32 v3, $0x3  }
0x1cc: {  	v4 =	vmul.u32 $0x18, v58  }
0x1cd: {  	v3 =	vand.u32 $0x7, v3  }
0x1ce: {  	v3 =	vor.u32 v3, v4  }
0x1cf: {  	v4 =	vperm.xlane v3, v0;
	_ =	sdelay $0x1  }
0x1d0: {  	v4 =	vadd.s32 v1, v4;
	_ =	sdelay $0x1  }
0x1d1: {  	v3 =	vperm.xlane v3, v2;
	_ =	sdelay $0x1  }
0x1d2: {  	s23 =	simm.s32 $0xF000;
	v3 =	vadd.s32 v1, v3  }
0x1d3: {  	[tilespmem:s23], [sflag:$0x2] =	stream.indirect_vreg.gather [hbm4b:s3+s2], $0x80, v4, vm0, $0xb8;
	[tilespmem:$0x18200] =	vst v63  }
0x1d4: {  	s20 =	simm.s32 $0xF800  }
0x1d5: {  	[tilespmem:s20], [sflag:$0x2] =	stream.indirect_vreg.gather [hbm4b:s4+s2], $0x80, v4, vm1, $0xb8;
	[tilespmem:$0x18200] =	vst v63  }
0x1d6: {  	s21 =	simm.s32 $0xFC00  }
0x1d7: {  	[tilespmem:s21], [sflag:$0x2] =	stream.indirect_vreg.gather [hbm4b:s3+s2], $0x80, v3, vm0, $0xb8;
	[tilespmem:$0x18200] =	vst v63  }
0x1d8: {  	s22 =	simm.s32 $0x10400  }
0x1d9: {  	[tilespmem:s22], [sflag:$0x2] =	stream.indirect_vreg.gather [hbm4b:s4+s2], $0x80, v3, vm1, $0xb8;
	[tilespmem:$0x18200] =	vst v63  }
0x1da: {  	v3 =	vld [tilespmem:$0x181B0];
	_ =	sdelay $0x4  }
0x1db: {  	v59 =	vshrl.u32 v3, $0x3  }
0x1dc: {  	v4 =	vmul.u32 $0x18, v59  }
0x1dd: {  	v3 =	vand.u32 $0x7, v3  }
0x1de: {  	v3 =	vor.u32 v3, v4  }
0x1df: {  	v4 =	vperm.xlane v3, v0;
	_ =	sdelay $0x1  }
0x1e0: {  	v4 =	vadd.s32 v1, v4;
	_ =	sdelay $0x1  }
0x1e1: {  	v3 =	vperm.xlane v3, v2;
	_ =	sdelay $0x1  }
0x1e2: {  	s23 =	simm.s32 $0x10800;
	v3 =	vadd.s32 v1, v3  }
0x1e3: {  	[tilespmem:s23], [sflag:$0x2] =	stream.indirect_vreg.gather [hbm4b:s3+s2], $0x80, v4, vm0, $0xb8;
	[tilespmem:$0x18200] =	vst v63  }
0x1e4: {  	s20 =	simm.s32 $0x11000  }
0x1e5: {  	[tilespmem:s20], [sflag:$0x2] =	stream.indirect_vreg.gather [hbm4b:s4+s2], $0x80, v4, vm1, $0xb8;
	[tilespmem:$0x18200] =	vst v63  }
0x1e6: {  	s21 =	simm.s32 $0x11400  }
0x1e7: {  	[tilespmem:s21], [sflag:$0x2] =	stream.indirect_vreg.gather [hbm4b:s3+s2], $0x80, v3, vm0, $0xb8;
	[tilespmem:$0x18200] =	vst v63  }
0x1e8: {  	s22 =	simm.s32 $0x11C00  }
0x1e9: {  	[tilespmem:s22], [sflag:$0x2] =	stream.indirect_vreg.gather [hbm4b:s4+s2], $0x80, v3, vm1, $0xb8;
	[tilespmem:$0x18200] =	vst v63  }
0x1ea: {  	v3 =	vld [tilespmem:$0x181C0];
	_ =	sdelay $0x4  }
0x1eb: {  	v60 =	vshrl.u32 v3, $0x3  }
0x1ec: {  	v4 =	vmul.u32 $0x18, v60  }
0x1ed: {  	v3 =	vand.u32 $0x7, v3  }
0x1ee: {  	v3 =	vor.u32 v3, v4  }
0x1ef: {  	v4 =	vperm.xlane v3, v0;
	_ =	sdelay $0x1  }
0x1f0: {  	v4 =	vadd.s32 v1, v4;
	_ =	sdelay $0x1  }
0x1f1: {  	v3 =	vperm.xlane v3, v2;
	_ =	sdelay $0x1  }
0x1f2: {  	s23 =	simm.s32 $0x12000;
	v3 =	vadd.s32 v1, v3  }
0x1f3: {  	[tilespmem:s23], [sflag:$0x2] =	stream.indirect_vreg.gather [hbm4b:s3+s2], $0x80, v4, vm0, $0xb8;
	[tilespmem:$0x18200] =	vst v63  }
0x1f4: {  	s20 =	simm.s32 $0x12800  }
0x1f5: {  	[tilespmem:s20], [sflag:$0x2] =	stream.indirect_vreg.gather [hbm4b:s4+s2], $0x80, v4, vm1, $0xb8;
	[tilespmem:$0x18200] =	vst v63  }
0x1f6: {  	s21 =	simm.s32 $0x12C00  }
0x1f7: {  	[tilespmem:s21], [sflag:$0x2] =	stream.indirect_vreg.gather [hbm4b:s3+s2], $0x80, v3, vm0, $0xb8;
	[tilespmem:$0x18200] =	vst v63  }
0x1f8: {  	s22 =	simm.s32 $0x13400  }
0x1f9: {  	[tilespmem:s22], [sflag:$0x2] =	stream.indirect_vreg.gather [hbm4b:s4+s2], $0x80, v3, vm1, $0xb8;
	[tilespmem:$0x18200] =	vst v63  }
0x1fa: {  	v3 =	vld [tilespmem:$0x181D0];
	_ =	sdelay $0x4  }
0x1fb: {  	v61 =	vshrl.u32 v3, $0x3  }
0x1fc: {  	v4 =	vmul.u32 $0x18, v61  }
0x1fd: {  	v3 =	vand.u32 $0x7, v3  }
0x1fe: {  	v3 =	vor.u32 v3, v4  }
0x1ff: {  	v4 =	vperm.xlane v3, v0;
	_ =	sdelay $0x1  }
0x200: {  	v4 =	vadd.s32 v1, v4;
	_ =	sdelay $0x1  }
0x201: {  	v3 =	vperm.xlane v3, v2;
	_ =	sdelay $0x1  }
0x202: {  	s23 =	simm.s32 $0x13800;
	v3 =	vadd.s32 v1, v3  }
0x203: {  	[tilespmem:s23], [sflag:$0x2] =	stream.indirect_vreg.gather [hbm4b:s3+s2], $0x80, v4, vm0, $0xb8;
	[tilespmem:$0x18200] =	vst v63  }
0x204: {  	s20 =	simm.s32 $0x14000  }
0x205: {  	[tilespmem:s20], [sflag:$0x2] =	stream.indirect_vreg.gather [hbm4b:s4+s2], $0x80, v4, vm1, $0xb8;
	[tilespmem:$0x18200] =	vst v63  }
0x206: {  	s21 =	simm.s32 $0x14400  }
0x207: {  	[tilespmem:s21], [sflag:$0x2] =	stream.indirect_vreg.gather [hbm4b:s3+s2], $0x80, v3, vm0, $0xb8;
	[tilespmem:$0x18200] =	vst v63  }
0x208: {  	s22 =	simm.s32 $0x14C00  }
0x209: {  	[tilespmem:s22], [sflag:$0x2] =	stream.indirect_vreg.gather [hbm4b:s4+s2], $0x80, v3, vm1, $0xb8;
	[tilespmem:$0x18200] =	vst v63  }
0x20a: {  	v3 =	vld [tilespmem:$0x181E0];
	_ =	sdelay $0x4  }
0x20b: {  	v62 =	vshrl.u32 v3, $0x3  }
0x20c: {  	v4 =	vmul.u32 $0x18, v62  }
0x20d: {  	v3 =	vand.u32 $0x7, v3  }
0x20e: {  	v3 =	vor.u32 v3, v4  }
0x20f: {  	v4 =	vperm.xlane v3, v0;
	_ =	sdelay $0x1  }
0x210: {  	v4 =	vadd.s32 v1, v4;
	_ =	sdelay $0x1  }
0x211: {  	v3 =	vperm.xlane v3, v2;
	_ =	sdelay $0x1  }
0x212: {  	s23 =	simm.s32 $0x15000;
	v3 =	vadd.s32 v1, v3  }
0x213: {  	[tilespmem:s23], [sflag:$0x2] =	stream.indirect_vreg.gather [hbm4b:s3+s2], $0x80, v4, vm0, $0xb8;
	[tilespmem:$0x18200] =	vst v63  }
0x214: {  	s20 =	simm.s32 $0x15800  }
0x215: {  	[tilespmem:s20], [sflag:$0x2] =	stream.indirect_vreg.gather [hbm4b:s4+s2], $0x80, v4, vm1, $0xb8;
	[tilespmem:$0x18200] =	vst v63  }
0x216: {  	s21 =	simm.s32 $0x15C00  }
0x217: {  	[tilespmem:s21], [sflag:$0x2] =	stream.indirect_vreg.gather [hbm4b:s3+s2], $0x80, v3, vm0, $0xb8;
	[tilespmem:$0x18200] =	vst v63  }
0x218: {  	s22 =	simm.s32 $0x16400  }
0x219: {  	[tilespmem:s22], [sflag:$0x2] =	stream.indirect_vreg.gather [hbm4b:s4+s2], $0x80, v3, vm1, $0xb8;
	[tilespmem:$0x18200] =	vst v63  }
0x21a: {  	v3 =	vld [tilespmem:$0x181F0];
	_ =	sdelay $0x4  }
0x21b: {  	v63 =	vshrl.u32 v3, $0x3  }
0x21c: {  	v4 =	vmul.u32 $0x18, v63  }
0x21d: {  	v3 =	vand.u32 $0x7, v3  }
0x21e: {  	v3 =	vor.u32 v3, v4  }
0x21f: {  	v4 =	vperm.xlane v3, v0;
	_ =	sdelay $0x1  }
0x220: {  	v4 =	vadd.s32 v1, v4;
	_ =	sdelay $0x1  }
0x221: {  	v3 =	vperm.xlane v3, v2;
	_ =	sdelay $0x1  }
0x222: {  	s23 =	simm.s32 $0x16800;
	v3 =	vadd.s32 v1, v3  }
0x223: {  	[tilespmem:s23], [sflag:$0x2] =	stream.indirect_vreg.gather [hbm4b:s3+s2], $0x80, v4, vm0, $0xb8;
	[tilespmem:$0x18200] =	vst v63  }
0x224: {  	s20 =	simm.s32 $0x17000  }
0x225: {  	[tilespmem:s20], [sflag:$0x2] =	stream.indirect_vreg.gather [hbm4b:s4+s2], $0x80, v4, vm1, $0xb8;
	[tilespmem:$0x18200] =	vst v63  }
0x226: {  	s21 =	simm.s32 $0x17400  }
0x227: {  	[tilespmem:s21], [sflag:$0x2] =	stream.indirect_vreg.gather [hbm4b:s3+s2], $0x80, v3, vm0, $0xb8;
	[tilespmem:$0x18200] =	vst v63  }
0x228: {  	s22 =	simm.s32 $0x17C00  }
0x229: {  	[tilespmem:s22], [sflag:$0x2] =	stream.indirect_vreg.gather [hbm4b:s4+s2], $0x80, v3, vm1, $0xb8;
	[tilespmem:$0x18200] =	vst v63  }
0x22a: {  	_ =	swait.ge [sflag:s18], $0xC000  }
0x22b: {  	[sflag:s18] =	ssyncset.done $0x0  }
0x22c: {  	[sflag:s18] =	ssyncadd.s32 $0xFFFF4000  }
0x22d: {  	_ =	swait.ge [sflag:s18], $0xC000  }
0x22e: {  	p0 =	sne.s32 s5, $0x1;
	[sflag:s18] =	ssyncset.done $0x0  }
.Ltmp0:
0x22f: {  	s23 =	rddreg [dreg:$0x6];
	[sflag:s18] =	ssyncadd.s32 $0xFFFF4000;
	(pc) =	sbr.rel @p0 .LBB2_1-.Ltmp0, $4  }
0x230: {  	[hbm4b:s23+s2] =	stream.linear.scatter [tilespmem:s2], [sflag:$0x3], $0x18000, $0x38;
	[tilespmem:$0x18200] =	vst v63  }
0x231: {  	_ =	swait.ge [sflag:s19], $0x18000  }
0x232: {  	[sflag:s19] =	ssyncset.done $0x0  }
0x233: {  	s5 =	sadd.s32 $0xFFFFFFFF, s5;
	[sflag:s19] =	ssyncadd.s32 $0xFFFE8000  }
0x234: {  	_ =	sfence.sel $0x180000  }
0x235: {  	[bflag:$0x0] =	sbarrier.arrive $0xFFFF  }
0x236: {  	_ =	strace $0x9000004A  }
0x237: {  	s0 =	stileid.u32;
	[bflag:$0x2] =	sbarrier.arrive $0xFFFF  }
0x238: {  	p0 =	sne.s32 s0, $0x0;
	s0 =	rddreg [dreg:$0x2]  }
0x239: {  	s0 =	sadd.s32 @!p0 $0x100000, s0  }
0x23a: {  	[sflag:s0] =	ssyncadd.tile.s32 @!p0 $0x1;
	_ =	shalt  }
.Lfunc_end2:
_tile_overlayer_lowered:
.L_overlay_start_2:
0x23b: {  	(tag) =	ssettag $0x2  }
0x23c: {  	s0 =	rddreg [dreg:$0x0];
	s2 =	stileid.u32  }
0x23d: {  	s1 =	rddreg [dreg:$0x1];
	p0 =	sne.s32 s2, $0x0  }
0x23e: {  	s3 =	rddreg [dreg:$0x2];
	[bflag:$0x3] =	sbarrier.arrive $0xFFFF;
	s2 =	simm.s32 @!p0 $0x1C03  }
0x23f: {  	[timem:s3], [sflag:s2] =	dma.local @!p0 [hbm:s0], s1  }
0x240: {  	s0 =	simm.s32 @!p0 $0x3  }
0x241: {  	_ =	swait.ge @!p0 [sflag:s0], s1  }
0x242: {  	s1 =	ssub.s32 @!p0 $0x0, s1;
	[sflag:s0] =	ssyncset.done @!p0 $0x0  }
0x243: {  	[sflag:s0] =	ssyncadd.s32 @!p0 s1  }
0x244: {  	[bflag:$0x3] =	sbarrier.arrive $0xFFFF  }
0x245: {  	_ =	shalt  }

// kernel: kernel.8.cloned.1.call-start
scs
__scs_entry_jumppad:
0x0: {  	(pc) =	sbr.rel $0x88, $3  }
0x1: {  	(tag) =	ssettag $0x0;
	lr =	simm.s32 $0x1  }
0x2: {  	[smem:$0x3F97] =	sst lr;
	_ =	strace $0xD0000000  }
0x3: {  	_ = 	snop  }
0x4: {  	_ = 	snop  }
0x5: {  	_ = 	snop  }
0x6: {  	_ = 	snop  }
0x7: {  	_ = 	snop  }
__scs_overlays_trampoline_lowered:
0x8: {  	[smem:$0x3FA6] =	sst s0  }
0x9: {  	[smem:$0x3FA7] =	sst s1  }
0xa: {  	[smem:$0x3FA8] =	sst s2  }
0xb: {  	[smem:$0x3FA9] =	sst s3  }
0xc: {  	[smem:$0x3FAA] =	sst s4  }
0xd: {  	[smem:$0x3FAB] =	sst s5  }
0xe: {  	[smem:$0x3FAC] =	sst s6  }
0xf: {  	[smem:$0x3FAD] =	sst s7  }
0x10: {  	[smem:$0x3FAE] =	sst s8  }
0x11: {  	[smem:$0x3FAF] =	sst s9;
	s0 =	simm.s32 @!p0 $0x0  }
0x12: {  	s1 =	sld [smem:$0x3F95];
	s0 =	simm.s32 @p0 $0x1  }
0x13: {  	[smem:$0x3FB0] =	sst s0;
	s0 =	simm.s32 @!p1 $0x0  }
0x14: {  	s2 =	sld [smem:$0x3F94];
	s0 =	simm.s32 @p1 $0x1  }
0x15: {  	[smem:$0x3FB1] =	sst s0;
	s0 =	simm.s32 @!p2 $0x0  }
0x16: {  	s3 =	sld [smem:$0x3FDB];
	s0 =	simm.s32 @p2 $0x1  }
0x17: {  	s4 =	simm.s32 $0x1BF5;
	[smem:$0x3FB3] =	sst s0  }
0x18: {  	s0 =	sld [smem:$0x3F96];
	_ =	swait.ge [sflag:s4], $0x0  }
0x19: {  	s7 =	sld [smem:$0x3F97]  }
0x1a: {  	s8 =	sadd.s32 $0xFFFFE003, lr  }
0x1b: {  	s9 =	sadd.s32 $0xFFFFFEF7, lr;
	s5 =	simm.s32 $0xFFFFFFFF;
	p2 =	slt.u32 s8, $0xFFFFF086  }
0x1c: {  	p1 =	slt.u32 s9, $0xF7A;
	s5 =	simm.s32 @!p2 $0x0  }
0x1d: {  	s5 =	simm.s32 @p1 $0x1;
	p0 =	seq.s32 s7, s2  }
0x1e: {  	s7 =	smul.u32 @!p0 $0xF7A, s2;
	p2 =	seq.s32 @!p0 s5, $0x0  }
0x1f: {  	s9 =	smul.u32 $0xF7A, s1;
	s8 =	simm.s32 @!p0 $0x1BF5;
	p2 =	por !p2, p0  }
0x20: {  	[sflag:s8] =	ssyncset.s32 @!p0 $0xFFFFF086;
	s6 =	sadd.s32 @!p0 s3, s7;
	s7 =	simm.s32 @!p0 $0x108  }
0x21: {  	s3 =	sadd.s32 s3, s9;
	s6 =	sadd.s32 @!p0 $0x88, s6;
	s7 =	simm.s32 @p2 $0x1082  }
0x22: {  	[simem:s7], [sflag:s8] =	dma.local @!p0 [hbm:s6], $0xF7A  }
0x23: {  	s9 =	sor.u32 $0xD0000000, s2;
	s6 =	simm.s32 $0x108;
	_ =	swait.ge @!p0 [sflag:s8], $0x0  }
0x24: {  	s3 =	sadd.s32 $0x88, s3;
	s6 =	simm.s32 @!p1 $0x1082;
	[sflag:s4] =	ssyncset.s32 $0xFFFFF086  }
0x25: {  	[simem:s6], [sflag:s4] =	dma.local [hbm:s3], $0xF7A  }
0x26: {  	[smem:$0x3F97] =	sst s1;
	(tag) =	ssettag s2;
	_ =	strace s9  }
0x27: {  	s1 =	sld [smem:$0x3FA7]  }
0x28: {  	s2 =	sld [smem:$0x3FA8]  }
0x29: {  	s4 =	sld [smem:$0x3FAA]  }
0x2a: {  	p0 =	seq.s32 s5, $0x0;
	s5 =	sld [smem:$0x3FAB]  }
0x2b: {  	s6 =	sld [smem:$0x3FAC]  }
0x2c: {  	s7 =	sld [smem:$0x3FAD]  }
0x2d: {  	s3 =	simm.s32 $0x108;
	s8 =	sld [smem:$0x3FAE]  }
0x2e: {  	s3 =	simm.s32 @!p0 $0x1082;
	s9 =	sld [smem:$0x3FAF]  }
0x2f: {  	lr =	sadd.s32 s0, s3;
	s0 =	sld [smem:$0x3FA6]  }
0x30: {  	s3 =	sld [smem:$0x3FA9]  }
0x31: {  	[smem:$0x3FB2] =	sst s10  }
0x32: {  	s10 =	sld [smem:$0x3FB0];
	_ =	sdelay $0x3  }
0x33: {  	p0 =	seq.s32 s10, $0x1;
	s10 =	sld [smem:$0x3FB2];
	_ =	sdelay $0x3  }
0x34: {  	[smem:$0x3FB2] =	sst s10  }
0x35: {  	s10 =	sld [smem:$0x3FB1];
	_ =	sdelay $0x3  }
0x36: {  	p1 =	seq.s32 s10, $0x1;
	s10 =	sld [smem:$0x3FB2];
	_ =	sdelay $0x3  }
0x37: {  	[smem:$0x3FB2] =	sst s10  }
0x38: {  	s10 =	sld [smem:$0x3FB3]  }
0x39: {  	_ = 	snop;
	(pc) =	sbr.ind lr, $3  }
0x3a: {  	_ = 	snop  }
0x3b: {  	_ = 	snop  }
0x3c: {  	p2 =	seq.s32 s10, $0x1;
	s10 =	sld [smem:$0x3FB2]  }
0x3d: {  	_ =	shalt  }
0x3e: {  	_ =	shalt  }
0x3f: {  	_ =	shalt  }
0x40: {  	_ =	shalt  }
0x41: {  	_ =	shalt  }
0x42: {  	_ =	shalt  }
0x43: {  	_ =	shalt  }
0x44: {  	_ =	shalt  }
0x45: {  	_ =	shalt  }
0x46: {  	_ =	shalt  }
0x47: {  	_ =	shalt  }
0x48: {  	_ =	shalt  }
0x49: {  	_ =	shalt  }
0x4a: {  	_ =	shalt  }
0x4b: {  	_ =	shalt  }
0x4c: {  	_ =	shalt  }
0x4d: {  	_ =	shalt  }
0x4e: {  	_ =	shalt  }
0x4f: {  	_ =	shalt  }
0x50: {  	_ =	shalt  }
0x51: {  	_ =	shalt  }
0x52: {  	_ =	shalt  }
0x53: {  	_ =	shalt  }
0x54: {  	_ =	shalt  }
0x55: {  	_ =	shalt  }
0x56: {  	_ =	shalt  }
0x57: {  	_ =	shalt  }
0x58: {  	_ =	shalt  }
0x59: {  	_ =	shalt  }
0x5a: {  	_ =	shalt  }
0x5b: {  	_ =	shalt  }
0x5c: {  	_ =	shalt  }
0x5d: {  	_ =	shalt  }
0x5e: {  	_ =	shalt  }
0x5f: {  	_ =	shalt  }
0x60: {  	_ =	shalt  }
0x61: {  	_ =	shalt  }
0x62: {  	_ =	shalt  }
0x63: {  	_ =	shalt  }
0x64: {  	_ =	shalt  }
0x65: {  	_ =	shalt  }
0x66: {  	_ =	shalt  }
0x67: {  	_ =	shalt  }
0x68: {  	_ =	shalt  }
0x69: {  	_ =	shalt  }
0x6a: {  	_ =	shalt  }
0x6b: {  	_ =	shalt  }
0x6c: {  	_ =	shalt  }
0x6d: {  	_ =	shalt  }
0x6e: {  	_ =	shalt  }
0x6f: {  	_ =	shalt  }
0x70: {  	_ =	shalt  }
0x71: {  	_ =	shalt  }
0x72: {  	_ =	shalt  }
0x73: {  	_ =	shalt  }
0x74: {  	_ =	shalt  }
0x75: {  	_ =	shalt  }
0x76: {  	_ =	shalt  }
0x77: {  	_ =	shalt  }
0x78: {  	_ =	shalt  }
0x79: {  	_ =	shalt  }
0x7a: {  	_ =	shalt  }
0x7b: {  	_ =	shalt  }
0x7c: {  	_ =	shalt  }
0x7d: {  	_ =	shalt  }
0x7e: {  	_ =	shalt  }
0x7f: {  	_ =	shalt  }
0x80: {  	_ =	shalt  }
0x81: {  	_ =	shalt  }
0x82: {  	_ =	shalt  }
0x83: {  	_ =	shalt  }
0x84: {  	_ =	shalt  }
0x85: {  	_ =	shalt  }
0x86: {  	_ =	shalt  }
0x87: {  	_ =	shalt  }
.Lfunc_end0:
.L_simem_size_0:
called_computation_lowered:
.L_overlay_start_0:
0x88: {  	s2 =	sld [smem:$0x3FD9]  }
0x89: {  	s3 =	sld [smem:$0x3FFE];
	_ =	sdelay $0x1  }
0x8a: {  	s1 =	srdreg.scid  }
0x8b: {  	s0 =	sand.u32 $0x1, s1  }
0x8c: {  	s17 =	sshll.u32 s0, $0xA;
	s2 =	sadd.s32 s3, s2  }
0x8d: {  	s2 =	sadd.s32 s2, s17  }
0x8e: {  	[smem:$0x3FBE] =	sst s2  }
0x8f: {  	_ = 	snop  }
0x90: {  	s2 =	sld [smem:$0x3FD0];
	(tm) =	ssettm $0x1  }
0x91: {  	s18 =	sld [smem:$0x3FFB];
	_ =	sdelay $0x3  }
0x92: {  	_ =	strace s18  }
0x93: {  	s3 =	sld [smem:$0x3FFC];
	_ =	sdelay $0x3  }
0x94: {  	_ =	strace s3  }
0x95: {  	s3 =	sld [smem:$0x3FFD];
	_ =	sdelay $0x3  }
0x96: {  	_ =	strace s3  }
0x97: {  	_ =	strace $0x8FFFFFFF  }
0x98: {  	s19 =	sld [smem:$0x3FDB];
	_ =	sdelay $0x1  }
0x99: {  	s4 =	simm.s32 $_scs_section_size  }
0x9a: {  	s5 =	simm.s32 $_size__tile_overlayer_lowered;
	s6 =	simm.s32 $_tile_overlayer_lowered  }
0x9b: {  	s22 =	simm.s32 $0x1BFF;
	s21 =	sshll.u32 s6, $0x1;
	s3 =	sadd.s32 s4, s19  }
0x9c: {  	s7 =	simm.s32 $0x0;
	s20 =	sshll.u32 s5, $0x1;
	s5 =	sadd.s32 s21, s3  }
0x9d: {  	[timem:s7], [sflag:s22] =	dma.local [hbm:s5], s20  }
0x9e: {  	_ =	swait.ge [sflag:s22], s20  }
0x9f: {  	s4 =	ssub.s32 $0x0, s20;
	[sflag:s22] =	ssyncset.done $0x0  }
0xa0: {  	[sflag:s22] =	ssyncadd.s32 s4;
	_ =	sdelay $0x1  }
0xa1: {  	s23 =	simm.s32 $0x1B8B  }
0xa2: {  	_ =	swait.ge [sflag:s23], $0x1  }
0xa3: {  	[sflag:s23] =	ssyncset.done $0x0  }
0xa4: {  	s25 =	simm.s32 $0x1B8E;
	s24 =	sld [smem:$0x3FFE];
	[sflag:s23] =	ssyncadd.s32 $0xFFFFFFFF  }
0xa5: {  	s26 =	simm.s32 $execute0_lowered;
	[smem:$0x3FD2] =	sst s25  }
0xa6: {  	s5 =	sshll.u32 s26, $0x1;
	_ =	strace $0x80000046;
	[dreg:$0x1] =	wrdreg $0xFFFFFFFF  }
0xa7: {  	s28 =	simm.s32 $_size_execute0_lowered;
	s3 =	sadd.s32 s3, s5;
	[dreg:$0x0] =	wrdreg $0x0  }
0xa8: {  	s5 =	sshll.u32 s28, $0x1;
	[dreg:$0x2] =	wrdreg s3  }
0xa9: {  	[dreg:$0x3] =	wrdreg s5  }
0xaa: {  	[dreg:$0x4] =	wrdreg $0xC0  }
0xab: {  	_ =	task [dreg:s7], $0x5FFFF  }
0xac: {  	[dreg:$0x1] =	wrdreg $0xFFFFFFFF  }
0xad: {  	[dreg:$0x0] =	wrdreg $0x60  }
0xae: {  	[dreg:$0x2] =	wrdreg s2  }
0xaf: {  	[dreg:$0x3] =	wrdreg s24  }
0xb0: {  	[dreg:$0x4] =	wrdreg $0x9  }
0xb1: {  	_ =	task.clear_ibuf [dreg:s7], $0x5FFFF;
	_ =	strace $0x90000046  }
0xb2: {  	s29 =	simm.s32 $0x9;
	_ =	strace $0x80000048  }
0xb3: {  	_ =	swait.ge [sflag:s29], $0x1  }
0xb4: {  	[sflag:s29] =	ssyncadd.s32 $0xFFFFFFFF  }
0xb5: {  	_ =	strace $0x90000048  }
0xb6: {  	_ =	sfence  }
0xb7: {  	s30 =	sld [smem:$0x0];
	_ =	sdelay $0x2  }
0xb8: {  	s31 =	sshll.u32 s1, $0xD;
	s1 =	sshrl.u32 s1, $0x2  }
0xb9: {  	s3 =	sand.u32 $0x4000, s31;
	s1 =	sadd.s32 s1, s30  }
0xba: {  	s0 =	sor.u32 s3, s0;
	s1 =	sshll.u32 s1, $0x11  }
0xbb: {  	s0 =	sor.u32 s1, s0  }
0xbc: {  	s0 =	sadd.s32 $0x8F2B, s0  }
0xbd: {  	[sflag:s0] =	ssyncadd.remote.s32 $0x1  }
0xbe: {  	_ =	sfence.sel $0xFFFF  }
0xbf: {  	[dreg:$0x0] =	wrdreg $0xFFFFFFFF;
	(pc) =	sbr.abs _section_cstart, $3  }
0xc0: {  	[dreg:$0x1] =	wrdreg $0xFFFFFFFF  }
0xc1: {  	_ =	task.clear_ibuf [dreg:s7], $0x2FFFF;
	_ =	strace $0x9FFFFFFF  }
0xc2: {  	(tm) =	ssettm $0x7FFFFFFF  }
0xc3: {  	_ =	shalt  }
tec
execute0_lowered:
.L_overlay_start_1:
0x0: {  	(tag) =	ssettag $0x1  }
0x1: {  	s0 =	srdreg.scid  }
0x2: {  	s1 =	rddreg [dreg:$0x0];
	s2 =	stileid.u32  }
0x3: {  	s4 =	rddreg [dreg:$0x1];
	s30 =	simm.s32 $0x18000;
	s31 =	simm.s32 $0x18100  }
0x4: {  	s0 =	sand.u32 $0x1, s0;
	s3 =	sshll.u32 s2, $0x6;
	s2 =	simm.s32 $0x0  }
0x5: {  	s18 =	simm.s32 $0x2;
	s5 =	sshll.u32 s0, $0x5;
	[smem:$0x7FF] =	sst s2  }
0x6: {  	s0 =	ssub.s32 $0x2, s0;
	s3 =	sor.u32 s5, s3;
	_ =	strace $0x80000047  }
0x7: {  	s26 =	sshrl.u32 s0, $0x1;
	[dreg:$0x6] =	wrdreg s30;
	s6 =	sadd.s32 s3, s4  }
0x8: {  	[dreg:$0x7] =	wrdreg s31;
	s5 =	smul.u32 $0x180, s3;
	s28 =	sadd.s32 $0x1A00, s6  }
0x9: {  	v2 =	vlaneseq.u32;
	s3 =	sadd.s32 $0x2200, s4;
	s29 =	sadd.s32 $0x1E00, s6;
	[dreg:$0x4] =	wrdreg s28  }
0xa: {  	vm0 =	vmmov $0xffff;
	vm1 =	vmmov $0xff;
	v1 =	vshrl.u32 v2, $0x3;
	s0 =	ssub.s32 s0, s26;
	s1 =	sadd.s32 s1, s5;
	[dreg:$0x5] =	wrdreg s29  }
0xb: {  	v0 =	vand.u32 $0x7, v2;
	v2 =	vor.u32 $0x8, v2;
	v1 =	vmul.u32 $0x8, v1;
	s4 =	sadd.s32 $0x2300, s4;
	s5 =	smax.u32 s0, $0x1;
	[dreg:$0x3] =	wrdreg s1  }
.LBB2_1:
0xc: {  	s19 =	rddreg [dreg:$0x3]  }
0xd: {  	s16 =	rddreg [dreg:$0x4]  }
0xe: {  	s20 =	rddreg [dreg:$0x6]  }
0xf: {  	[tilespmem:s2], [sflag:$0x1] =	stream.linear.gather [hbm4b:s19+s2], $0x18000, $0x38;
	[tilespmem:$0x18200] =	vst v63  }
0x10: {  	s21 =	rddreg [dreg:$0x5]  }
0x11: {  	[tilespmem:s20], [sflag:$0x1] =	stream.linear.gather [hbm4b:s16+s2], $0x100, $0x38;
	[tilespmem:$0x18200] =	vst v63  }
0x12: {  	s22 =	rddreg [dreg:$0x7];
	s0 =	simm.s32 $0x1  }
0x13: {  	[tilespmem:s22], [sflag:$0x1] =	stream.linear.gather [hbm4b:s21+s2], $0x100, $0x38;
	[tilespmem:$0x18200] =	vst v63  }
0x14: {  	_ =	swait.ge [sflag:s0], $0x18000  }
0x15: {  	[sflag:s0] =	ssyncset.done $0x0  }
0x16: {  	[sflag:s0] =	ssyncadd.s32 $0xFFFE8000  }
0x17: {  	_ =	swait.ge [sflag:s0], $0x100  }
0x18: {  	[sflag:s0] =	ssyncset.done $0x0  }
0x19: {  	[sflag:s0] =	ssyncadd.s32 $0xFFFFFF00  }
0x1a: {  	_ =	swait.ge [sflag:s0], $0x100  }
0x1b: {  	[sflag:s0] =	ssyncset.done $0x0  }
0x1c: {  	[sflag:s0] =	ssyncadd.s32 $0xFFFFFF00  }
0x1d: {  	v3 =	vld [tilespmem:$0x18000];
	_ =	sdelay $0x4  }
0x1e: {  	v4 =	vshrl.u32 v3, $0x3  }
0x1f: {  	v4 =	vmul.u32 $0x18, v4  }
0x20: {  	v3 =	vand.u32 $0x7, v3  }
0x21: {  	v3 =	vor.u32 v3, v4  }
0x22: {  	v4 =	vperm.xlane v3, v0;
	_ =	sdelay $0x1  }
0x23: {  	v4 =	vadd.s32 v1, v4;
	_ =	sdelay $0x1  }
0x24: {  	v3 =	vperm.xlane v3, v2;
	_ =	sdelay $0x1  }
0x25: {  	v3 =	vadd.s32 v1, v3  }
0x26: {  	[hbm4b:s3+s2] =	stream.indirect_vreg.scatter [tilespmem:s2], [sflag:$0x2], $0x80, v4, vm0, $0xb8;
	[tilespmem:$0x18200] =	vst v63  }
0x27: {  	s19 =	simm.s32 $0x800  }
0x28: {  	[hbm4b:s4+s2] =	stream.indirect_vreg.scatter [tilespmem:s19], [sflag:$0x2], $0x80, v4, vm1, $0xb8;
	[tilespmem:$0x18200] =	vst v63  }
0x29: {  	s20 =	simm.s32 $0xC00  }
0x2a: {  	[hbm4b:s3+s2] =	stream.indirect_vreg.scatter [tilespmem:s20], [sflag:$0x2], $0x80, v3, vm0, $0xb8;
	[tilespmem:$0x18200] =	vst v63  }
0x2b: {  	s21 =	simm.s32 $0x1400  }
0x2c: {  	[hbm4b:s4+s2] =	stream.indirect_vreg.scatter [tilespmem:s21], [sflag:$0x2], $0x80, v3, vm1, $0xb8;
	[tilespmem:$0x18200] =	vst v63  }
0x2d: {  	v3 =	vld [tilespmem:$0x18010];
	_ =	sdelay $0x4  }
0x2e: {  	v33 =	vshrl.u32 v3, $0x3  }
0x2f: {  	v4 =	vmul.u32 $0x18, v33  }
0x30: {  	v3 =	vand.u32 $0x7, v3  }
0x31: {  	v3 =	vor.u32 v3, v4  }
0x32: {  	v4 =	vperm.xlane v3, v0;
	_ =	sdelay $0x1  }
0x33: {  	v4 =	vadd.s32 v1, v4;
	_ =	sdelay $0x1  }
0x34: {  	v3 =	vperm.xlane v3, v2;
	_ =	sdelay $0x1  }
0x35: {  	s22 =	simm.s32 $0x1800;
	v3 =	vadd.s32 v1, v3  }
0x36: {  	[hbm4b:s3+s2] =	stream.indirect_vreg.scatter [tilespmem:s22], [sflag:$0x2], $0x80, v4, vm0, $0xb8;
	[tilespmem:$0x18200] =	vst v63  }
0x37: {  	s23 =	simm.s32 $0x2000  }
0x38: {  	[hbm4b:s4+s2] =	stream.indirect_vreg.scatter [tilespmem:s23], [sflag:$0x2], $0x80, v4, vm1, $0xb8;
	[tilespmem:$0x18200] =	vst v63  }
0x39: {  	s24 =	simm.s32 $0x2400  }
0x3a: {  	[hbm4b:s3+s2] =	stream.indirect_vreg.scatter [tilespmem:s24], [sflag:$0x2], $0x80, v3, vm0, $0xb8;
	[tilespmem:$0x18200] =	vst v63  }
0x3b: {  	s25 =	simm.s32 $0x2C00  }
0x3c: {  	[hbm4b:s4+s2] =	stream.indirect_vreg.scatter [tilespmem:s25], [sflag:$0x2], $0x80, v3, vm1, $0xb8;
	[tilespmem:$0x18200] =	vst v63  }
0x3d: {  	v3 =	vld [tilespmem:$0x18020];
	_ =	sdelay $0x4  }
0x3e: {  	v34 =	vshrl.u32 v3, $0x3  }
0x3f: {  	v4 =	vmul.u32 $0x18, v34  }
0x40: {  	v3 =	vand.u32 $0x7, v3  }
0x41: {  	v3 =	vor.u32 v3, v4  }
0x42: {  	v4 =	vperm.xlane v3, v0;
	_ =	sdelay $0x1  }
0x43: {  	v4 =	vadd.s32 v1, v4;
	_ =	sdelay $0x1  }
0x44: {  	v3 =	vperm.xlane v3, v2;
	_ =	sdelay $0x1  }
0x45: {  	s26 =	simm.s32 $0x3000;
	v3 =	vadd.s32 v1, v3  }
0x46: {  	[hbm4b:s3+s2] =	stream.indirect_vreg.scatter [tilespmem:s26], [sflag:$0x2], $0x80, v4, vm0, $0xb8;
	[tilespmem:$0x18200] =	vst v63  }
0x47: {  	s28 =	simm.s32 $0x3800  }
0x48: {  	[hbm4b:s4+s2] =	stream.indirect_vreg.scatter [tilespmem:s28], [sflag:$0x2], $0x80, v4, vm1, $0xb8;
	[tilespmem:$0x18200] =	vst v63  }
0x49: {  	s29 =	simm.s32 $0x3C00  }
0x4a: {  	[hbm4b:s3+s2] =	stream.indirect_vreg.scatter [tilespmem:s29], [sflag:$0x2], $0x80, v3, vm0, $0xb8;
	[tilespmem:$0x18200] =	vst v63  }
0x4b: {  	s30 =	simm.s32 $0x4400  }
0x4c: {  	[hbm4b:s4+s2] =	stream.indirect_vreg.scatter [tilespmem:s30], [sflag:$0x2], $0x80, v3, vm1, $0xb8;
	[tilespmem:$0x18200] =	vst v63  }
0x4d: {  	v3 =	vld [tilespmem:$0x18030];
	_ =	sdelay $0x4  }
0x4e: {  	v35 =	vshrl.u32 v3, $0x3  }
0x4f: {  	v4 =	vmul.u32 $0x18, v35  }
0x50: {  	v3 =	vand.u32 $0x7, v3  }
0x51: {  	v3 =	vor.u32 v3, v4  }
0x52: {  	v4 =	vperm.xlane v3, v0;
	_ =	sdelay $0x1  }
0x53: {  	v4 =	vadd.s32 v1, v4;
	_ =	sdelay $0x1  }
0x54: {  	v3 =	vperm.xlane v3, v2;
	_ =	sdelay $0x1  }
0x55: {  	s31 =	simm.s32 $0x4800;
	v3 =	vadd.s32 v1, v3  }
0x56: {  	[hbm4b:s3+s2] =	stream.indirect_vreg.scatter [tilespmem:s31], [sflag:$0x2], $0x80, v4, vm0, $0xb8;
	[tilespmem:$0x18200] =	vst v63  }
0x57: {  	s1 =	simm.s32 $0x5000  }
0x58: {  	[hbm4b:s4+s2] =	stream.indirect_vreg.scatter [tilespmem:s1], [sflag:$0x2], $0x80, v4, vm1, $0xb8;
	[tilespmem:$0x18200] =	vst v63  }
0x59: {  	s17 =	simm.s32 $0x5400  }
0x5a: {  	[hbm4b:s3+s2] =	stream.indirect_vreg.scatter [tilespmem:s17], [sflag:$0x2], $0x80, v3, vm0, $0xb8;
	[tilespmem:$0x18200] =	vst v63  }
0x5b: {  	s7 =	simm.s32 $0x5C00  }
0x5c: {  	[hbm4b:s4+s2] =	stream.indirect_vreg.scatter [tilespmem:s7], [sflag:$0x2], $0x80, v3, vm1, $0xb8;
	[tilespmem:$0x18200] =	vst v63  }
0x5d: {  	v3 =	vld [tilespmem:$0x18040];
	_ =	sdelay $0x4  }
0x5e: {  	v36 =	vshrl.u32 v3, $0x3  }
0x5f: {  	v4 =	vmul.u32 $0x18, v36  }
0x60: {  	v3 =	vand.u32 $0x7, v3  }
0x61: {  	v3 =	vor.u32 v3, v4  }
0x62: {  	v4 =	vperm.xlane v3, v0;
	_ =	sdelay $0x1  }
0x63: {  	v4 =	vadd.s32 v1, v4;
	_ =	sdelay $0x1  }
0x64: {  	v3 =	vperm.xlane v3, v2;
	_ =	sdelay $0x1  }
0x65: {  	s8 =	simm.s32 $0x6000;
	v3 =	vadd.s32 v1, v3  }
0x66: {  	[hbm4b:s3+s2] =	stream.indirect_vreg.scatter [tilespmem:s8], [sflag:$0x2], $0x80, v4, vm0, $0xb8;
	[tilespmem:$0x18200] =	vst v63  }
0x67: {  	s9 =	simm.s32 $0x6800  }
0x68: {  	[hbm4b:s4+s2] =	stream.indirect_vreg.scatter [tilespmem:s9], [sflag:$0x2], $0x80, v4, vm1, $0xb8;
	[tilespmem:$0x18200] =	vst v63  }
0x69: {  	s10 =	simm.s32 $0x6C00  }
0x6a: {  	[hbm4b:s3+s2] =	stream.indirect_vreg.scatter [tilespmem:s10], [sflag:$0x2], $0x80, v3, vm0, $0xb8;
	[tilespmem:$0x18200] =	vst v63  }
0x6b: {  	s11 =	simm.s32 $0x7400  }
0x6c: {  	[hbm4b:s4+s2] =	stream.indirect_vreg.scatter [tilespmem:s11], [sflag:$0x2], $0x80, v3, vm1, $0xb8;
	[tilespmem:$0x18200] =	vst v63  }
0x6d: {  	v3 =	vld [tilespmem:$0x18050];
	_ =	sdelay $0x4  }
0x6e: {  	v37 =	vshrl.u32 v3, $0x3  }
0x6f: {  	v4 =	vmul.u32 $0x18, v37  }
0x70: {  	v3 =	vand.u32 $0x7, v3  }
0x71: {  	v3 =	vor.u32 v3, v4  }
0x72: {  	v4 =	vperm.xlane v3, v0;
	_ =	sdelay $0x1  }
0x73: {  	v4 =	vadd.s32 v1, v4;
	_ =	sdelay $0x1  }
0x74: {  	v3 =	vperm.xlane v3, v2;
	_ =	sdelay $0x1  }
0x75: {  	s12 =	simm.s32 $0x7800;
	v3 =	vadd.s32 v1, v3  }
0x76: {  	[hbm4b:s3+s2] =	stream.indirect_vreg.scatter [tilespmem:s12], [sflag:$0x2], $0x80, v4, vm0, $0xb8;
	[tilespmem:$0x18200] =	vst v63  }
0x77: {  	s13 =	simm.s32 $0x8000  }
0x78: {  	[hbm4b:s4+s2] =	stream.indirect_vreg.scatter [tilespmem:s13], [sflag:$0x2], $0x80, v4, vm1, $0xb8;
	[tilespmem:$0x18200] =	vst v63  }
0x79: {  	s14 =	simm.s32 $0x8400  }
0x7a: {  	[hbm4b:s3+s2] =	stream.indirect_vreg.scatter [tilespmem:s14], [sflag:$0x2], $0x80, v3, vm0, $0xb8;
	[tilespmem:$0x18200] =	vst v63  }
0x7b: {  	s15 =	simm.s32 $0x8C00  }
0x7c: {  	[hbm4b:s4+s2] =	stream.indirect_vreg.scatter [tilespmem:s15], [sflag:$0x2], $0x80, v3, vm1, $0xb8;
	[tilespmem:$0x18200] =	vst v63  }
0x7d: {  	v3 =	vld [tilespmem:$0x18060];
	_ =	sdelay $0x4  }
0x7e: {  	v38 =	vshrl.u32 v3, $0x3  }
0x7f: {  	v4 =	vmul.u32 $0x18, v38  }
0x80: {  	v3 =	vand.u32 $0x7, v3  }
0x81: {  	v3 =	vor.u32 v3, v4  }
0x82: {  	v4 =	vperm.xlane v3, v0;
	_ =	sdelay $0x1  }
0x83: {  	v4 =	vadd.s32 v1, v4;
	_ =	sdelay $0x1  }
0x84: {  	v3 =	vperm.xlane v3, v2;
	_ =	sdelay $0x1  }
0x85: {  	s16 =	simm.s32 $0x9000;
	v3 =	vadd.s32 v1, v3  }
0x86: {  	[hbm4b:s3+s2] =	stream.indirect_vreg.scatter [tilespmem:s16], [sflag:$0x2], $0x80, v4, vm0, $0xb8;
	[tilespmem:$0x18200] =	vst v63  }
0x87: {  	s17 =	simm.s32 $0x9800  }
0x88: {  	[hbm4b:s4+s2] =	stream.indirect_vreg.scatter [tilespmem:s17], [sflag:$0x2], $0x80, v4, vm1, $0xb8;
	[tilespmem:$0x18200] =	vst v63  }
0x89: {  	s6 =	simm.s32 $0x9C00  }
0x8a: {  	[hbm4b:s3+s2] =	stream.indirect_vreg.scatter [tilespmem:s6], [sflag:$0x2], $0x80, v3, vm0, $0xb8;
	[tilespmem:$0x18200] =	vst v63  }
0x8b: {  	s0 =	simm.s32 $0xA400  }
0x8c: {  	[hbm4b:s4+s2] =	stream.indirect_vreg.scatter [tilespmem:s0], [sflag:$0x2], $0x80, v3, vm1, $0xb8;
	[tilespmem:$0x18200] =	vst v63  }
0x8d: {  	v3 =	vld [tilespmem:$0x18070];
	_ =	sdelay $0x4  }
0x8e: {  	v39 =	vshrl.u32 v3, $0x3  }
0x8f: {  	v4 =	vmul.u32 $0x18, v39  }
0x90: {  	v3 =	vand.u32 $0x7, v3  }
0x91: {  	v3 =	vor.u32 v3, v4  }
0x92: {  	v4 =	vperm.xlane v3, v0;
	_ =	sdelay $0x1  }
0x93: {  	v4 =	vadd.s32 v1, v4;
	_ =	sdelay $0x1  }
0x94: {  	v3 =	vperm.xlane v3, v2;
	_ =	sdelay $0x1  }
0x95: {  	s0 =	simm.s32 $0xA800;
	v3 =	vadd.s32 v1, v3  }
0x96: {  	[hbm4b:s3+s2] =	stream.indirect_vreg.scatter [tilespmem:s0], [sflag:$0x2], $0x80, v4, vm0, $0xb8;
	[tilespmem:$0x18200] =	vst v63  }
0x97: {  	s0 =	simm.s32 $0xB000  }
0x98: {  	[hbm4b:s4+s2] =	stream.indirect_vreg.scatter [tilespmem:s0], [sflag:$0x2], $0x80, v4, vm1, $0xb8;
	[tilespmem:$0x18200] =	vst v63  }
0x99: {  	s0 =	simm.s32 $0xB400  }
0x9a: {  	[hbm4b:s3+s2] =	stream.indirect_vreg.scatter [tilespmem:s0], [sflag:$0x2], $0x80, v3, vm0, $0xb8;
	[tilespmem:$0x18200] =	vst v63  }
0x9b: {  	s0 =	simm.s32 $0xBC00  }
0x9c: {  	[hbm4b:s4+s2] =	stream.indirect_vreg.scatter [tilespmem:s0], [sflag:$0x2], $0x80, v3, vm1, $0xb8;
	[tilespmem:$0x18200] =	vst v63  }
0x9d: {  	v3 =	vld [tilespmem:$0x18100];
	_ =	sdelay $0x4  }
0x9e: {  	v40 =	vshrl.u32 v3, $0x3  }
0x9f: {  	v4 =	vmul.u32 $0x18, v40  }
0xa0: {  	v3 =	vand.u32 $0x7, v3  }
0xa1: {  	v3 =	vor.u32 v3, v4  }
0xa2: {  	v4 =	vperm.xlane v3, v0;
	_ =	sdelay $0x1  }
0xa3: {  	v4 =	vadd.s32 v1, v4;
	_ =	sdelay $0x1  }
0xa4: {  	v3 =	vperm.xlane v3, v2;
	_ =	sdelay $0x1  }
0xa5: {  	v3 =	vadd.s32 v1, v3  }
0xa6: {  	[hbm4b:s3+s2] =	stream.indirect_vreg.scatter [tilespmem:s2], [sflag:$0x2], $0x80, v4, vm0, $0xb8;
	[tilespmem:$0x18200] =	vst v63  }
0xa7: {  	_ = 	snop  }
0xa8: {  	[hbm4b:s4+s2] =	stream.indirect_vreg.scatter [tilespmem:s19], [sflag:$0x2], $0x80, v4, vm1, $0xb8;
	[tilespmem:$0x18200] =	vst v63  }
0xa9: {  	_ = 	snop  }
0xaa: {  	[hbm4b:s3+s2] =	stream.indirect_vreg.scatter [tilespmem:s20], [sflag:$0x2], $0x80, v3, vm0, $0xb8;
	[tilespmem:$0x18200] =	vst v63  }
0xab: {  	_ = 	snop  }
0xac: {  	[hbm4b:s4+s2] =	stream.indirect_vreg.scatter [tilespmem:s21], [sflag:$0x2], $0x80, v3, vm1, $0xb8;
	[tilespmem:$0x18200] =	vst v63  }
0xad: {  	v3 =	vld [tilespmem:$0x18110];
	_ =	sdelay $0x4  }
0xae: {  	v41 =	vshrl.u32 v3, $0x3  }
0xaf: {  	v4 =	vmul.u32 $0x18, v41  }
0xb0: {  	v3 =	vand.u32 $0x7, v3  }
0xb1: {  	v3 =	vor.u32 v3, v4  }
0xb2: {  	v4 =	vperm.xlane v3, v0;
	_ =	sdelay $0x1  }
0xb3: {  	v4 =	vadd.s32 v1, v4;
	_ =	sdelay $0x1  }
0xb4: {  	v3 =	vperm.xlane v3, v2;
	_ =	sdelay $0x1  }
0xb5: {  	v3 =	vadd.s32 v1, v3  }
0xb6: {  	[hbm4b:s3+s2] =	stream.indirect_vreg.scatter [tilespmem:s22], [sflag:$0x2], $0x80, v4, vm0, $0xb8;
	[tilespmem:$0x18200] =	vst v63  }
0xb7: {  	_ = 	snop  }
0xb8: {  	[hbm4b:s4+s2] =	stream.indirect_vreg.scatter [tilespmem:s23], [sflag:$0x2], $0x80, v4, vm1, $0xb8;
	[tilespmem:$0x18200] =	vst v63  }
0xb9: {  	_ = 	snop  }
0xba: {  	[hbm4b:s3+s2] =	stream.indirect_vreg.scatter [tilespmem:s24], [sflag:$0x2], $0x80, v3, vm0, $0xb8;
	[tilespmem:$0x18200] =	vst v63  }
0xbb: {  	_ = 	snop  }
0xbc: {  	[hbm4b:s4+s2] =	stream.indirect_vreg.scatter [tilespmem:s25], [sflag:$0x2], $0x80, v3, vm1, $0xb8;
	[tilespmem:$0x18200] =	vst v63  }
0xbd: {  	v3 =	vld [tilespmem:$0x18120];
	_ =	sdelay $0x4  }
0xbe: {  	v42 =	vshrl.u32 v3, $0x3  }
0xbf: {  	v4 =	vmul.u32 $0x18, v42  }
0xc0: {  	v3 =	vand.u32 $0x7, v3  }
0xc1: {  	v3 =	vor.u32 v3, v4  }
0xc2: {  	v4 =	vperm.xlane v3, v0;
	_ =	sdelay $0x1  }
0xc3: {  	v4 =	vadd.s32 v1, v4;
	_ =	sdelay $0x1  }
0xc4: {  	v3 =	vperm.xlane v3, v2;
	_ =	sdelay $0x1  }
0xc5: {  	v3 =	vadd.s32 v1, v3  }
0xc6: {  	[hbm4b:s3+s2] =	stream.indirect_vreg.scatter [tilespmem:s26], [sflag:$0x2], $0x80, v4, vm0, $0xb8;
	[tilespmem:$0x18200] =	vst v63  }
0xc7: {  	_ = 	snop  }
0xc8: {  	[hbm4b:s4+s2] =	stream.indirect_vreg.scatter [tilespmem:s28], [sflag:$0x2], $0x80, v4, vm1, $0xb8;
	[tilespmem:$0x18200] =	vst v63  }
0xc9: {  	_ = 	snop  }
0xca: {  	[hbm4b:s3+s2] =	stream.indirect_vreg.scatter [tilespmem:s29], [sflag:$0x2], $0x80, v3, vm0, $0xb8;
	[tilespmem:$0x18200] =	vst v63  }
0xcb: {  	_ = 	snop  }
0xcc: {  	[hbm4b:s4+s2] =	stream.indirect_vreg.scatter [tilespmem:s30], [sflag:$0x2], $0x80, v3, vm1, $0xb8;
	[tilespmem:$0x18200] =	vst v63  }
0xcd: {  	v3 =	vld [tilespmem:$0x18130];
	_ =	sdelay $0x4  }
0xce: {  	v43 =	vshrl.u32 v3, $0x3  }
0xcf: {  	v4 =	vmul.u32 $0x18, v43  }
0xd0: {  	v3 =	vand.u32 $0x7, v3  }
0xd1: {  	v3 =	vor.u32 v3, v4  }
0xd2: {  	v4 =	vperm.xlane v3, v0;
	_ =	sdelay $0x1  }
0xd3: {  	v4 =	vadd.s32 v1, v4;
	_ =	sdelay $0x1  }
0xd4: {  	v3 =	vperm.xlane v3, v2;
	_ =	sdelay $0x1  }
0xd5: {  	v3 =	vadd.s32 v1, v3  }
0xd6: {  	[hbm4b:s3+s2] =	stream.indirect_vreg.scatter [tilespmem:s31], [sflag:$0x2], $0x80, v4, vm0, $0xb8;
	[tilespmem:$0x18200] =	vst v63  }
0xd7: {  	_ = 	snop  }
0xd8: {  	[hbm4b:s4+s2] =	stream.indirect_vreg.scatter [tilespmem:s1], [sflag:$0x2], $0x80, v4, vm1, $0xb8;
	[tilespmem:$0x18200] =	vst v63  }
0xd9: {  	s1 =	simm.s32 $0x5400  }
0xda: {  	[hbm4b:s3+s2] =	stream.indirect_vreg.scatter [tilespmem:s1], [sflag:$0x2], $0x80, v3, vm0, $0xb8;
	[tilespmem:$0x18200] =	vst v63  }
0xdb: {  	_ = 	snop  }
0xdc: {  	[hbm4b:s4+s2] =	stream.indirect_vreg.scatter [tilespmem:s7], [sflag:$0x2], $0x80, v3, vm1, $0xb8;
	[tilespmem:$0x18200] =	vst v63  }
0xdd: {  	v3 =	vld [tilespmem:$0x18140];
	_ =	sdelay $0x4  }
0xde: {  	v44 =	vshrl.u32 v3, $0x3  }
0xdf: {  	v4 =	vmul.u32 $0x18, v44  }
0xe0: {  	v3 =	vand.u32 $0x7, v3  }
0xe1: {  	v3 =	vor.u32 v3, v4  }
0xe2: {  	v4 =	vperm.xlane v3, v0;
	_ =	sdelay $0x1  }
0xe3: {  	v4 =	vadd.s32 v1, v4;
	_ =	sdelay $0x1  }
0xe4: {  	v3 =	vperm.xlane v3, v2;
	_ =	sdelay $0x1  }
0xe5: {  	v3 =	vadd.s32 v1, v3  }
0xe6: {  	[hbm4b:s3+s2] =	stream.indirect_vreg.scatter [tilespmem:s8], [sflag:$0x2], $0x80, v4, vm0, $0xb8;
	[tilespmem:$0x18200] =	vst v63  }
0xe7: {  	_ = 	snop  }
0xe8: {  	[hbm4b:s4+s2] =	stream.indirect_vreg.scatter [tilespmem:s9], [sflag:$0x2], $0x80, v4, vm1, $0xb8;
	[tilespmem:$0x18200] =	vst v63  }
0xe9: {  	_ = 	snop  }
0xea: {  	[hbm4b:s3+s2] =	stream.indirect_vreg.scatter [tilespmem:s10], [sflag:$0x2], $0x80, v3, vm0, $0xb8;
	[tilespmem:$0x18200] =	vst v63  }
0xeb: {  	_ = 	snop  }
0xec: {  	[hbm4b:s4+s2] =	stream.indirect_vreg.scatter [tilespmem:s11], [sflag:$0x2], $0x80, v3, vm1, $0xb8;
	[tilespmem:$0x18200] =	vst v63  }
0xed: {  	v3 =	vld [tilespmem:$0x18150];
	_ =	sdelay $0x4  }
0xee: {  	v45 =	vshrl.u32 v3, $0x3  }
0xef: {  	v4 =	vmul.u32 $0x18, v45  }
0xf0: {  	v3 =	vand.u32 $0x7, v3  }
0xf1: {  	v3 =	vor.u32 v3, v4  }
0xf2: {  	v4 =	vperm.xlane v3, v0;
	_ =	sdelay $0x1  }
0xf3: {  	v4 =	vadd.s32 v1, v4;
	_ =	sdelay $0x1  }
0xf4: {  	v3 =	vperm.xlane v3, v2;
	_ =	sdelay $0x1  }
0xf5: {  	v3 =	vadd.s32 v1, v3  }
0xf6: {  	[hbm4b:s3+s2] =	stream.indirect_vreg.scatter [tilespmem:s12], [sflag:$0x2], $0x80, v4, vm0, $0xb8;
	[tilespmem:$0x18200] =	vst v63  }
0xf7: {  	_ = 	snop  }
0xf8: {  	[hbm4b:s4+s2] =	stream.indirect_vreg.scatter [tilespmem:s13], [sflag:$0x2], $0x80, v4, vm1, $0xb8;
	[tilespmem:$0x18200] =	vst v63  }
0xf9: {  	_ = 	snop  }
0xfa: {  	[hbm4b:s3+s2] =	stream.indirect_vreg.scatter [tilespmem:s14], [sflag:$0x2], $0x80, v3, vm0, $0xb8;
	[tilespmem:$0x18200] =	vst v63  }
0xfb: {  	_ = 	snop  }
0xfc: {  	[hbm4b:s4+s2] =	stream.indirect_vreg.scatter [tilespmem:s15], [sflag:$0x2], $0x80, v3, vm1, $0xb8;
	[tilespmem:$0x18200] =	vst v63  }
0xfd: {  	v3 =	vld [tilespmem:$0x18160];
	_ =	sdelay $0x4  }
0xfe: {  	v46 =	vshrl.u32 v3, $0x3  }
0xff: {  	v4 =	vmul.u32 $0x18, v46  }
0x100: {  	v3 =	vand.u32 $0x7, v3  }
0x101: {  	v3 =	vor.u32 v3, v4  }
0x102: {  	v4 =	vperm.xlane v3, v0;
	_ =	sdelay $0x1  }
0x103: {  	v4 =	vadd.s32 v1, v4;
	_ =	sdelay $0x1  }
0x104: {  	v3 =	vperm.xlane v3, v2;
	_ =	sdelay $0x1  }
0x105: {  	v3 =	vadd.s32 v1, v3  }
0x106: {  	[hbm4b:s3+s2] =	stream.indirect_vreg.scatter [tilespmem:s16], [sflag:$0x2], $0x80, v4, vm0, $0xb8;
	[tilespmem:$0x18200] =	vst v63  }
0x107: {  	_ = 	snop  }
0x108: {  	[hbm4b:s4+s2] =	stream.indirect_vreg.scatter [tilespmem:s17], [sflag:$0x2], $0x80, v4, vm1, $0xb8;
	[tilespmem:$0x18200] =	vst v63  }
0x109: {  	_ = 	snop  }
0x10a: {  	[hbm4b:s3+s2] =	stream.indirect_vreg.scatter [tilespmem:s6], [sflag:$0x2], $0x80, v3, vm0, $0xb8;
	[tilespmem:$0x18200] =	vst v63  }
0x10b: {  	s19 =	simm.s32 $0xA400  }
0x10c: {  	[hbm4b:s4+s2] =	stream.indirect_vreg.scatter [tilespmem:s19], [sflag:$0x2], $0x80, v3, vm1, $0xb8;
	[tilespmem:$0x18200] =	vst v63  }
0x10d: {  	v3 =	vld [tilespmem:$0x18170];
	_ =	sdelay $0x4  }
0x10e: {  	v47 =	vshrl.u32 v3, $0x3  }
0x10f: {  	v4 =	vmul.u32 $0x18, v47  }
0x110: {  	v3 =	vand.u32 $0x7, v3  }
0x111: {  	v3 =	vor.u32 v3, v4  }
0x112: {  	v4 =	vperm.xlane v3, v0;
	_ =	sdelay $0x1  }
0x113: {  	v4 =	vadd.s32 v1, v4;
	_ =	sdelay $0x1  }
0x114: {  	v3 =	vperm.xlane v3, v2;
	_ =	sdelay $0x1  }
0x115: {  	s20 =	simm.s32 $0xA800;
	v3 =	vadd.s32 v1, v3  }
0x116: {  	[hbm4b:s3+s2] =	stream.indirect_vreg.scatter [tilespmem:s20], [sflag:$0x2], $0x80, v4, vm0, $0xb8;
	[tilespmem:$0x18200] =	vst v63  }
0x117: {  	s21 =	simm.s32 $0xB000  }
0x118: {  	[hbm4b:s4+s2] =	stream.indirect_vreg.scatter [tilespmem:s21], [sflag:$0x2], $0x80, v4, vm1, $0xb8;
	[tilespmem:$0x18200] =	vst v63  }
0x119: {  	s22 =	simm.s32 $0xB400  }
0x11a: {  	[hbm4b:s3+s2] =	stream.indirect_vreg.scatter [tilespmem:s22], [sflag:$0x2], $0x80, v3, vm0, $0xb8;
	[tilespmem:$0x18200] =	vst v63  }
0x11b: {  	s23 =	simm.s32 $0xBC00  }
0x11c: {  	[hbm4b:s4+s2] =	stream.indirect_vreg.scatter [tilespmem:s23], [sflag:$0x2], $0x80, v3, vm1, $0xb8;
	[tilespmem:$0x18200] =	vst v63  }
0x11d: {  	v3 =	vld [tilespmem:$0x18080];
	_ =	sdelay $0x4  }
0x11e: {  	v48 =	vshrl.u32 v3, $0x3  }
0x11f: {  	v4 =	vmul.u32 $0x18, v48  }
0x120: {  	v3 =	vand.u32 $0x7, v3  }
0x121: {  	v3 =	vor.u32 v3, v4  }
0x122: {  	v4 =	vperm.xlane v3, v0;
	_ =	sdelay $0x1  }
0x123: {  	v4 =	vadd.s32 v1, v4;
	_ =	sdelay $0x1  }
0x124: {  	v3 =	vperm.xlane v3, v2;
	_ =	sdelay $0x1  }
0x125: {  	s24 =	simm.s32 $0xC000;
	v3 =	vadd.s32 v1, v3  }
0x126: {  	[hbm4b:s3+s2] =	stream.indirect_vreg.scatter [tilespmem:s24], [sflag:$0x2], $0x80, v4, vm0, $0xb8;
	[tilespmem:$0x18200] =	vst v63  }
0x127: {  	s1 =	simm.s32 $0xC800  }
0x128: {  	[hbm4b:s4+s2] =	stream.indirect_vreg.scatter [tilespmem:s1], [sflag:$0x2], $0x80, v4, vm1, $0xb8;
	[tilespmem:$0x18200] =	vst v63  }
0x129: {  	s6 =	simm.s32 $0xCC00  }
0x12a: {  	[hbm4b:s3+s2] =	stream.indirect_vreg.scatter [tilespmem:s6], [sflag:$0x2], $0x80, v3, vm0, $0xb8;
	[tilespmem:$0x18200] =	vst v63  }
0x12b: {  	s7 =	simm.s32 $0xD400  }
0x12c: {  	[hbm4b:s4+s2] =	stream.indirect_vreg.scatter [tilespmem:s7], [sflag:$0x2], $0x80, v3, vm1, $0xb8;
	[tilespmem:$0x18200] =	vst v63  }
0x12d: {  	v3 =	vld [tilespmem:$0x18090];
	_ =	sdelay $0x4  }
0x12e: {  	v49 =	vshrl.u32 v3, $0x3  }
0x12f: {  	v4 =	vmul.u32 $0x18, v49  }
0x130: {  	v3 =	vand.u32 $0x7, v3  }
0x131: {  	v3 =	vor.u32 v3, v4  }
0x132: {  	v4 =	vperm.xlane v3, v0;
	_ =	sdelay $0x1  }
0x133: {  	v4 =	vadd.s32 v1, v4;
	_ =	sdelay $0x1  }
0x134: {  	v3 =	vperm.xlane v3, v2;
	_ =	sdelay $0x1  }
0x135: {  	s8 =	simm.s32 $0xD800;
	v3 =	vadd.s32 v1, v3  }
0x136: {  	[hbm4b:s3+s2] =	stream.indirect_vreg.scatter [tilespmem:s8], [sflag:$0x2], $0x80, v4, vm0, $0xb8;
	[tilespmem:$0x18200] =	vst v63  }
0x137: {  	s9 =	simm.s32 $0xE000  }
0x138: {  	[hbm4b:s4+s2] =	stream.indirect_vreg.scatter [tilespmem:s9], [sflag:$0x2], $0x80, v4, vm1, $0xb8;
	[tilespmem:$0x18200] =	vst v63  }
0x139: {  	s10 =	simm.s32 $0xE400  }
0x13a: {  	[hbm4b:s3+s2] =	stream.indirect_vreg.scatter [tilespmem:s10], [sflag:$0x2], $0x80, v3, vm0, $0xb8;
	[tilespmem:$0x18200] =	vst v63  }
0x13b: {  	s11 =	simm.s32 $0xEC00  }
0x13c: {  	[hbm4b:s4+s2] =	stream.indirect_vreg.scatter [tilespmem:s11], [sflag:$0x2], $0x80, v3, vm1, $0xb8;
	[tilespmem:$0x18200] =	vst v63  }
0x13d: {  	v3 =	vld [tilespmem:$0x180A0];
	_ =	sdelay $0x4  }
0x13e: {  	v50 =	vshrl.u32 v3, $0x3  }
0x13f: {  	v4 =	vmul.u32 $0x18, v50  }
0x140: {  	v3 =	vand.u32 $0x7, v3  }
0x141: {  	v3 =	vor.u32 v3, v4  }
0x142: {  	v4 =	vperm.xlane v3, v0;
	_ =	sdelay $0x1  }
0x143: {  	v4 =	vadd.s32 v1, v4;
	_ =	sdelay $0x1  }
0x144: {  	v3 =	vperm.xlane v3, v2;
	_ =	sdelay $0x1  }
0x145: {  	s12 =	simm.s32 $0xF000;
	v3 =	vadd.s32 v1, v3  }
0x146: {  	[hbm4b:s3+s2] =	stream.indirect_vreg.scatter [tilespmem:s12], [sflag:$0x2], $0x80, v4, vm0, $0xb8;
	[tilespmem:$0x18200] =	vst v63  }
0x147: {  	s13 =	simm.s32 $0xF800  }
0x148: {  	[hbm4b:s4+s2] =	stream.indirect_vreg.scatter [tilespmem:s13], [sflag:$0x2], $0x80, v4, vm1, $0xb8;
	[tilespmem:$0x18200] =	vst v63  }
0x149: {  	s14 =	simm.s32 $0xFC00  }
0x14a: {  	[hbm4b:s3+s2] =	stream.indirect_vreg.scatter [tilespmem:s14], [sflag:$0x2], $0x80, v3, vm0, $0xb8;
	[tilespmem:$0x18200] =	vst v63  }
0x14b: {  	s15 =	simm.s32 $0x10400  }
0x14c: {  	[hbm4b:s4+s2] =	stream.indirect_vreg.scatter [tilespmem:s15], [sflag:$0x2], $0x80, v3, vm1, $0xb8;
	[tilespmem:$0x18200] =	vst v63  }
0x14d: {  	v3 =	vld [tilespmem:$0x180B0];
	_ =	sdelay $0x4  }
0x14e: {  	v51 =	vshrl.u32 v3, $0x3  }
0x14f: {  	v4 =	vmul.u32 $0x18, v51  }
0x150: {  	v3 =	vand.u32 $0x7, v3  }
0x151: {  	v3 =	vor.u32 v3, v4  }
0x152: {  	v4 =	vperm.xlane v3, v0;
	_ =	sdelay $0x1  }
0x153: {  	v4 =	vadd.s32 v1, v4;
	_ =	sdelay $0x1  }
0x154: {  	v3 =	vperm.xlane v3, v2;
	_ =	sdelay $0x1  }
0x155: {  	s16 =	simm.s32 $0x10800;
	v3 =	vadd.s32 v1, v3  }
0x156: {  	[hbm4b:s3+s2] =	stream.indirect_vreg.scatter [tilespmem:s16], [sflag:$0x2], $0x80, v4, vm0, $0xb8;
	[tilespmem:$0x18200] =	vst v63  }
0x157: {  	s17 =	simm.s32 $0x11000  }
0x158: {  	[hbm4b:s4+s2] =	stream.indirect_vreg.scatter [tilespmem:s17], [sflag:$0x2], $0x80, v4, vm1, $0xb8;
	[tilespmem:$0x18200] =	vst v63  }
0x159: {  	s19 =	simm.s32 $0x11400  }
0x15a: {  	[hbm4b:s3+s2] =	stream.indirect_vreg.scatter [tilespmem:s19], [sflag:$0x2], $0x80, v3, vm0, $0xb8;
	[tilespmem:$0x18200] =	vst v63  }
0x15b: {  	s20 =	simm.s32 $0x11C00  }
0x15c: {  	[hbm4b:s4+s2] =	stream.indirect_vreg.scatter [tilespmem:s20], [sflag:$0x2], $0x80, v3, vm1, $0xb8;
	[tilespmem:$0x18200] =	vst v63  }
0x15d: {  	v3 =	vld [tilespmem:$0x180C0];
	_ =	sdelay $0x4  }
0x15e: {  	v52 =	vshrl.u32 v3, $0x3  }
0x15f: {  	v4 =	vmul.u32 $0x18, v52  }
0x160: {  	v3 =	vand.u32 $0x7, v3  }
0x161: {  	v3 =	vor.u32 v3, v4  }
0x162: {  	v4 =	vperm.xlane v3, v0;
	_ =	sdelay $0x1  }
0x163: {  	v4 =	vadd.s32 v1, v4;
	_ =	sdelay $0x1  }
0x164: {  	v3 =	vperm.xlane v3, v2;
	_ =	sdelay $0x1  }
0x165: {  	s21 =	simm.s32 $0x12000;
	v3 =	vadd.s32 v1, v3  }
0x166: {  	[hbm4b:s3+s2] =	stream.indirect_vreg.scatter [tilespmem:s21], [sflag:$0x2], $0x80, v4, vm0, $0xb8;
	[tilespmem:$0x18200] =	vst v63  }
0x167: {  	s22 =	simm.s32 $0x12800  }
0x168: {  	[hbm4b:s4+s2] =	stream.indirect_vreg.scatter [tilespmem:s22], [sflag:$0x2], $0x80, v4, vm1, $0xb8;
	[tilespmem:$0x18200] =	vst v63  }
0x169: {  	s23 =	simm.s32 $0x12C00  }
0x16a: {  	[hbm4b:s3+s2] =	stream.indirect_vreg.scatter [tilespmem:s23], [sflag:$0x2], $0x80, v3, vm0, $0xb8;
	[tilespmem:$0x18200] =	vst v63  }
0x16b: {  	s24 =	simm.s32 $0x13400  }
0x16c: {  	[hbm4b:s4+s2] =	stream.indirect_vreg.scatter [tilespmem:s24], [sflag:$0x2], $0x80, v3, vm1, $0xb8;
	[tilespmem:$0x18200] =	vst v63  }
0x16d: {  	v3 =	vld [tilespmem:$0x180D0];
	_ =	sdelay $0x4  }
0x16e: {  	v53 =	vshrl.u32 v3, $0x3  }
0x16f: {  	v4 =	vmul.u32 $0x18, v53  }
0x170: {  	v3 =	vand.u32 $0x7, v3  }
0x171: {  	v3 =	vor.u32 v3, v4  }
0x172: {  	v4 =	vperm.xlane v3, v0;
	_ =	sdelay $0x1  }
0x173: {  	v4 =	vadd.s32 v1, v4;
	_ =	sdelay $0x1  }
0x174: {  	v3 =	vperm.xlane v3, v2;
	_ =	sdelay $0x1  }
0x175: {  	s25 =	simm.s32 $0x13800;
	v3 =	vadd.s32 v1, v3  }
0x176: {  	[hbm4b:s3+s2] =	stream.indirect_vreg.scatter [tilespmem:s25], [sflag:$0x2], $0x80, v4, vm0, $0xb8;
	[tilespmem:$0x18200] =	vst v63  }
0x177: {  	s26 =	simm.s32 $0x14000  }
0x178: {  	[hbm4b:s4+s2] =	stream.indirect_vreg.scatter [tilespmem:s26], [sflag:$0x2], $0x80, v4, vm1, $0xb8;
	[tilespmem:$0x18200] =	vst v63  }
0x179: {  	s28 =	simm.s32 $0x14400  }
0x17a: {  	[hbm4b:s3+s2] =	stream.indirect_vreg.scatter [tilespmem:s28], [sflag:$0x2], $0x80, v3, vm0, $0xb8;
	[tilespmem:$0x18200] =	vst v63  }
0x17b: {  	s29 =	simm.s32 $0x14C00  }
0x17c: {  	[hbm4b:s4+s2] =	stream.indirect_vreg.scatter [tilespmem:s29], [sflag:$0x2], $0x80, v3, vm1, $0xb8;
	[tilespmem:$0x18200] =	vst v63  }
0x17d: {  	v3 =	vld [tilespmem:$0x180E0];
	_ =	sdelay $0x4  }
0x17e: {  	v54 =	vshrl.u32 v3, $0x3  }
0x17f: {  	v4 =	vmul.u32 $0x18, v54  }
0x180: {  	v3 =	vand.u32 $0x7, v3  }
0x181: {  	v3 =	vor.u32 v3, v4  }
0x182: {  	v4 =	vperm.xlane v3, v0;
	_ =	sdelay $0x1  }
0x183: {  	v4 =	vadd.s32 v1, v4;
	_ =	sdelay $0x1  }
0x184: {  	v3 =	vperm.xlane v3, v2;
	_ =	sdelay $0x1  }
0x185: {  	s30 =	simm.s32 $0x15000;
	v3 =	vadd.s32 v1, v3  }
0x186: {  	[hbm4b:s3+s2] =	stream.indirect_vreg.scatter [tilespmem:s30], [sflag:$0x2], $0x80, v4, vm0, $0xb8;
	[tilespmem:$0x18200] =	vst v63  }
0x187: {  	s31 =	simm.s32 $0x15800  }
0x188: {  	[hbm4b:s4+s2] =	stream.indirect_vreg.scatter [tilespmem:s31], [sflag:$0x2], $0x80, v4, vm1, $0xb8;
	[tilespmem:$0x18200] =	vst v63  }
0x189: {  	s0 =	simm.s32 $0x15C00  }
0x18a: {  	[hbm4b:s3+s2] =	stream.indirect_vreg.scatter [tilespmem:s0], [sflag:$0x2], $0x80, v3, vm0, $0xb8;
	[tilespmem:$0x18200] =	vst v63  }
0x18b: {  	s0 =	simm.s32 $0x16400  }
0x18c: {  	[hbm4b:s4+s2] =	stream.indirect_vreg.scatter [tilespmem:s0], [sflag:$0x2], $0x80, v3, vm1, $0xb8;
	[tilespmem:$0x18200] =	vst v63  }
0x18d: {  	v3 =	vld [tilespmem:$0x180F0];
	_ =	sdelay $0x4  }
0x18e: {  	v55 =	vshrl.u32 v3, $0x3  }
0x18f: {  	v4 =	vmul.u32 $0x18, v55  }
0x190: {  	v3 =	vand.u32 $0x7, v3  }
0x191: {  	v3 =	vor.u32 v3, v4  }
0x192: {  	v4 =	vperm.xlane v3, v0;
	_ =	sdelay $0x1  }
0x193: {  	v4 =	vadd.s32 v1, v4;
	_ =	sdelay $0x1  }
0x194: {  	v3 =	vperm.xlane v3, v2;
	_ =	sdelay $0x1  }
0x195: {  	s0 =	simm.s32 $0x16800;
	v3 =	vadd.s32 v1, v3  }
0x196: {  	[hbm4b:s3+s2] =	stream.indirect_vreg.scatter [tilespmem:s0], [sflag:$0x2], $0x80, v4, vm0, $0xb8;
	[tilespmem:$0x18200] =	vst v63  }
0x197: {  	s0 =	simm.s32 $0x17000  }
0x198: {  	[hbm4b:s4+s2] =	stream.indirect_vreg.scatter [tilespmem:s0], [sflag:$0x2], $0x80, v4, vm1, $0xb8;
	[tilespmem:$0x18200] =	vst v63  }
0x199: {  	s0 =	simm.s32 $0x17400  }
0x19a: {  	[hbm4b:s3+s2] =	stream.indirect_vreg.scatter [tilespmem:s0], [sflag:$0x2], $0x80, v3, vm0, $0xb8;
	[tilespmem:$0x18200] =	vst v63  }
0x19b: {  	s0 =	simm.s32 $0x17C00  }
0x19c: {  	[hbm4b:s4+s2] =	stream.indirect_vreg.scatter [tilespmem:s0], [sflag:$0x2], $0x80, v3, vm1, $0xb8;
	[tilespmem:$0x18200] =	vst v63  }
0x19d: {  	v3 =	vld [tilespmem:$0x18180];
	_ =	sdelay $0x4  }
0x19e: {  	v56 =	vshrl.u32 v3, $0x3  }
0x19f: {  	v4 =	vmul.u32 $0x18, v56  }
0x1a0: {  	v3 =	vand.u32 $0x7, v3  }
0x1a1: {  	v3 =	vor.u32 v3, v4  }
0x1a2: {  	v4 =	vperm.xlane v3, v0;
	_ =	sdelay $0x1  }
0x1a3: {  	v4 =	vadd.s32 v1, v4;
	_ =	sdelay $0x1  }
0x1a4: {  	v3 =	vperm.xlane v3, v2;
	_ =	sdelay $0x1  }
0x1a5: {  	s0 =	simm.s32 $0xC000;
	v3 =	vadd.s32 v1, v3  }
0x1a6: {  	[hbm4b:s3+s2] =	stream.indirect_vreg.scatter [tilespmem:s0], [sflag:$0x2], $0x80, v4, vm0, $0xb8;
	[tilespmem:$0x18200] =	vst v63  }
0x1a7: {  	_ = 	snop  }
0x1a8: {  	[hbm4b:s4+s2] =	stream.indirect_vreg.scatter [tilespmem:s1], [sflag:$0x2], $0x80, v4, vm1, $0xb8;
	[tilespmem:$0x18200] =	vst v63  }
0x1a9: {  	_ = 	snop  }
0x1aa: {  	[hbm4b:s3+s2] =	stream.indirect_vreg.scatter [tilespmem:s6], [sflag:$0x2], $0x80, v3, vm0, $0xb8;
	[tilespmem:$0x18200] =	vst v63  }
0x1ab: {  	_ = 	snop  }
0x1ac: {  	[hbm4b:s4+s2] =	stream.indirect_vreg.scatter [tilespmem:s7], [sflag:$0x2], $0x80, v3, vm1, $0xb8;
	[tilespmem:$0x18200] =	vst v63  }
0x1ad: {  	v3 =	vld [tilespmem:$0x18190];
	_ =	sdelay $0x4  }
0x1ae: {  	v57 =	vshrl.u32 v3, $0x3  }
0x1af: {  	v4 =	vmul.u32 $0x18, v57  }
0x1b0: {  	v3 =	vand.u32 $0x7, v3  }
0x1b1: {  	v3 =	vor.u32 v3, v4  }
0x1b2: {  	v4 =	vperm.xlane v3, v0;
	_ =	sdelay $0x1  }
0x1b3: {  	v4 =	vadd.s32 v1, v4;
	_ =	sdelay $0x1  }
0x1b4: {  	v3 =	vperm.xlane v3, v2;
	_ =	sdelay $0x1  }
0x1b5: {  	v3 =	vadd.s32 v1, v3  }
0x1b6: {  	[hbm4b:s3+s2] =	stream.indirect_vreg.scatter [tilespmem:s8], [sflag:$0x2], $0x80, v4, vm0, $0xb8;
	[tilespmem:$0x18200] =	vst v63  }
0x1b7: {  	_ = 	snop  }
0x1b8: {  	[hbm4b:s4+s2] =	stream.indirect_vreg.scatter [tilespmem:s9], [sflag:$0x2], $0x80, v4, vm1, $0xb8;
	[tilespmem:$0x18200] =	vst v63  }
0x1b9: {  	_ = 	snop  }
0x1ba: {  	[hbm4b:s3+s2] =	stream.indirect_vreg.scatter [tilespmem:s10], [sflag:$0x2], $0x80, v3, vm0, $0xb8;
	[tilespmem:$0x18200] =	vst v63  }
0x1bb: {  	_ = 	snop  }
0x1bc: {  	[hbm4b:s4+s2] =	stream.indirect_vreg.scatter [tilespmem:s11], [sflag:$0x2], $0x80, v3, vm1, $0xb8;
	[tilespmem:$0x18200] =	vst v63  }
0x1bd: {  	v3 =	vld [tilespmem:$0x181A0];
	_ =	sdelay $0x4  }
0x1be: {  	v58 =	vshrl.u32 v3, $0x3  }
0x1bf: {  	v4 =	vmul.u32 $0x18, v58  }
0x1c0: {  	v3 =	vand.u32 $0x7, v3  }
0x1c1: {  	v3 =	vor.u32 v3, v4  }
0x1c2: {  	v4 =	vperm.xlane v3, v0;
	_ =	sdelay $0x1  }
0x1c3: {  	v4 =	vadd.s32 v1, v4;
	_ =	sdelay $0x1  }
0x1c4: {  	v3 =	vperm.xlane v3, v2;
	_ =	sdelay $0x1  }
0x1c5: {  	v3 =	vadd.s32 v1, v3  }
0x1c6: {  	[hbm4b:s3+s2] =	stream.indirect_vreg.scatter [tilespmem:s12], [sflag:$0x2], $0x80, v4, vm0, $0xb8;
	[tilespmem:$0x18200] =	vst v63  }
0x1c7: {  	_ = 	snop  }
0x1c8: {  	[hbm4b:s4+s2] =	stream.indirect_vreg.scatter [tilespmem:s13], [sflag:$0x2], $0x80, v4, vm1, $0xb8;
	[tilespmem:$0x18200] =	vst v63  }
0x1c9: {  	_ = 	snop  }
0x1ca: {  	[hbm4b:s3+s2] =	stream.indirect_vreg.scatter [tilespmem:s14], [sflag:$0x2], $0x80, v3, vm0, $0xb8;
	[tilespmem:$0x18200] =	vst v63  }
0x1cb: {  	_ = 	snop  }
0x1cc: {  	[hbm4b:s4+s2] =	stream.indirect_vreg.scatter [tilespmem:s15], [sflag:$0x2], $0x80, v3, vm1, $0xb8;
	[tilespmem:$0x18200] =	vst v63  }
0x1cd: {  	v3 =	vld [tilespmem:$0x181B0];
	_ =	sdelay $0x4  }
0x1ce: {  	v59 =	vshrl.u32 v3, $0x3  }
0x1cf: {  	v4 =	vmul.u32 $0x18, v59  }
0x1d0: {  	v3 =	vand.u32 $0x7, v3  }
0x1d1: {  	v3 =	vor.u32 v3, v4  }
0x1d2: {  	v4 =	vperm.xlane v3, v0;
	_ =	sdelay $0x1  }
0x1d3: {  	v4 =	vadd.s32 v1, v4;
	_ =	sdelay $0x1  }
0x1d4: {  	v3 =	vperm.xlane v3, v2;
	_ =	sdelay $0x1  }
0x1d5: {  	v3 =	vadd.s32 v1, v3  }
0x1d6: {  	[hbm4b:s3+s2] =	stream.indirect_vreg.scatter [tilespmem:s16], [sflag:$0x2], $0x80, v4, vm0, $0xb8;
	[tilespmem:$0x18200] =	vst v63  }
0x1d7: {  	_ = 	snop  }
0x1d8: {  	[hbm4b:s4+s2] =	stream.indirect_vreg.scatter [tilespmem:s17], [sflag:$0x2], $0x80, v4, vm1, $0xb8;
	[tilespmem:$0x18200] =	vst v63  }
0x1d9: {  	_ = 	snop  }
0x1da: {  	[hbm4b:s3+s2] =	stream.indirect_vreg.scatter [tilespmem:s19], [sflag:$0x2], $0x80, v3, vm0, $0xb8;
	[tilespmem:$0x18200] =	vst v63  }
0x1db: {  	_ = 	snop  }
0x1dc: {  	[hbm4b:s4+s2] =	stream.indirect_vreg.scatter [tilespmem:s20], [sflag:$0x2], $0x80, v3, vm1, $0xb8;
	[tilespmem:$0x18200] =	vst v63  }
0x1dd: {  	v3 =	vld [tilespmem:$0x181C0];
	_ =	sdelay $0x4  }
0x1de: {  	v60 =	vshrl.u32 v3, $0x3  }
0x1df: {  	v4 =	vmul.u32 $0x18, v60  }
0x1e0: {  	v3 =	vand.u32 $0x7, v3  }
0x1e1: {  	v3 =	vor.u32 v3, v4  }
0x1e2: {  	v4 =	vperm.xlane v3, v0;
	_ =	sdelay $0x1  }
0x1e3: {  	v4 =	vadd.s32 v1, v4;
	_ =	sdelay $0x1  }
0x1e4: {  	v3 =	vperm.xlane v3, v2;
	_ =	sdelay $0x1  }
0x1e5: {  	v3 =	vadd.s32 v1, v3  }
0x1e6: {  	[hbm4b:s3+s2] =	stream.indirect_vreg.scatter [tilespmem:s21], [sflag:$0x2], $0x80, v4, vm0, $0xb8;
	[tilespmem:$0x18200] =	vst v63  }
0x1e7: {  	_ = 	snop  }
0x1e8: {  	[hbm4b:s4+s2] =	stream.indirect_vreg.scatter [tilespmem:s22], [sflag:$0x2], $0x80, v4, vm1, $0xb8;
	[tilespmem:$0x18200] =	vst v63  }
0x1e9: {  	_ = 	snop  }
0x1ea: {  	[hbm4b:s3+s2] =	stream.indirect_vreg.scatter [tilespmem:s23], [sflag:$0x2], $0x80, v3, vm0, $0xb8;
	[tilespmem:$0x18200] =	vst v63  }
0x1eb: {  	_ = 	snop  }
0x1ec: {  	[hbm4b:s4+s2] =	stream.indirect_vreg.scatter [tilespmem:s24], [sflag:$0x2], $0x80, v3, vm1, $0xb8;
	[tilespmem:$0x18200] =	vst v63  }
0x1ed: {  	v3 =	vld [tilespmem:$0x181D0];
	_ =	sdelay $0x4  }
0x1ee: {  	v61 =	vshrl.u32 v3, $0x3  }
0x1ef: {  	v4 =	vmul.u32 $0x18, v61  }
0x1f0: {  	v3 =	vand.u32 $0x7, v3  }
0x1f1: {  	v3 =	vor.u32 v3, v4  }
0x1f2: {  	v4 =	vperm.xlane v3, v0;
	_ =	sdelay $0x1  }
0x1f3: {  	v4 =	vadd.s32 v1, v4;
	_ =	sdelay $0x1  }
0x1f4: {  	v3 =	vperm.xlane v3, v2;
	_ =	sdelay $0x1  }
0x1f5: {  	v3 =	vadd.s32 v1, v3  }
0x1f6: {  	[hbm4b:s3+s2] =	stream.indirect_vreg.scatter [tilespmem:s25], [sflag:$0x2], $0x80, v4, vm0, $0xb8;
	[tilespmem:$0x18200] =	vst v63  }
0x1f7: {  	_ = 	snop  }
0x1f8: {  	[hbm4b:s4+s2] =	stream.indirect_vreg.scatter [tilespmem:s26], [sflag:$0x2], $0x80, v4, vm1, $0xb8;
	[tilespmem:$0x18200] =	vst v63  }
0x1f9: {  	_ = 	snop  }
0x1fa: {  	[hbm4b:s3+s2] =	stream.indirect_vreg.scatter [tilespmem:s28], [sflag:$0x2], $0x80, v3, vm0, $0xb8;
	[tilespmem:$0x18200] =	vst v63  }
0x1fb: {  	_ = 	snop  }
0x1fc: {  	[hbm4b:s4+s2] =	stream.indirect_vreg.scatter [tilespmem:s29], [sflag:$0x2], $0x80, v3, vm1, $0xb8;
	[tilespmem:$0x18200] =	vst v63  }
0x1fd: {  	v3 =	vld [tilespmem:$0x181E0];
	_ =	sdelay $0x4  }
0x1fe: {  	v62 =	vshrl.u32 v3, $0x3  }
0x1ff: {  	v4 =	vmul.u32 $0x18, v62  }
0x200: {  	v3 =	vand.u32 $0x7, v3  }
0x201: {  	v3 =	vor.u32 v3, v4  }
0x202: {  	v4 =	vperm.xlane v3, v0;
	_ =	sdelay $0x1  }
0x203: {  	v4 =	vadd.s32 v1, v4;
	_ =	sdelay $0x1  }
0x204: {  	v3 =	vperm.xlane v3, v2;
	_ =	sdelay $0x1  }
0x205: {  	v3 =	vadd.s32 v1, v3  }
0x206: {  	[hbm4b:s3+s2] =	stream.indirect_vreg.scatter [tilespmem:s30], [sflag:$0x2], $0x80, v4, vm0, $0xb8;
	[tilespmem:$0x18200] =	vst v63  }
0x207: {  	_ = 	snop  }
0x208: {  	[hbm4b:s4+s2] =	stream.indirect_vreg.scatter [tilespmem:s31], [sflag:$0x2], $0x80, v4, vm1, $0xb8;
	[tilespmem:$0x18200] =	vst v63  }
0x209: {  	s25 =	simm.s32 $0x15C00  }
0x20a: {  	[hbm4b:s3+s2] =	stream.indirect_vreg.scatter [tilespmem:s25], [sflag:$0x2], $0x80, v3, vm0, $0xb8;
	[tilespmem:$0x18200] =	vst v63  }
0x20b: {  	s26 =	simm.s32 $0x16400  }
0x20c: {  	[hbm4b:s4+s2] =	stream.indirect_vreg.scatter [tilespmem:s26], [sflag:$0x2], $0x80, v3, vm1, $0xb8;
	[tilespmem:$0x18200] =	vst v63  }
0x20d: {  	v3 =	vld [tilespmem:$0x181F0];
	_ =	sdelay $0x4  }
0x20e: {  	v63 =	vshrl.u32 v3, $0x3  }
0x20f: {  	v4 =	vmul.u32 $0x18, v63  }
0x210: {  	v3 =	vand.u32 $0x7, v3  }
0x211: {  	v3 =	vor.u32 v3, v4  }
0x212: {  	v4 =	vperm.xlane v3, v0;
	_ =	sdelay $0x1  }
0x213: {  	v4 =	vadd.s32 v1, v4;
	_ =	sdelay $0x1  }
0x214: {  	v3 =	vperm.xlane v3, v2;
	_ =	sdelay $0x1  }
0x215: {  	s28 =	simm.s32 $0x16800;
	v3 =	vadd.s32 v1, v3  }
0x216: {  	[hbm4b:s3+s2] =	stream.indirect_vreg.scatter [tilespmem:s28], [sflag:$0x2], $0x80, v4, vm0, $0xb8;
	[tilespmem:$0x18200] =	vst v63  }
0x217: {  	s29 =	simm.s32 $0x17000  }
0x218: {  	[hbm4b:s4+s2] =	stream.indirect_vreg.scatter [tilespmem:s29], [sflag:$0x2], $0x80, v4, vm1, $0xb8;
	[tilespmem:$0x18200] =	vst v63  }
0x219: {  	s30 =	simm.s32 $0x17400  }
0x21a: {  	[hbm4b:s3+s2] =	stream.indirect_vreg.scatter [tilespmem:s30], [sflag:$0x2], $0x80, v3, vm0, $0xb8;
	[tilespmem:$0x18200] =	vst v63  }
0x21b: {  	s31 =	simm.s32 $0x17C00  }
0x21c: {  	[hbm4b:s4+s2] =	stream.indirect_vreg.scatter [tilespmem:s31], [sflag:$0x2], $0x80, v3, vm1, $0xb8;
	[tilespmem:$0x18200] =	vst v63  }
0x21d: {  	_ =	swait.ge [sflag:s18], $0xC000  }
0x21e: {  	[sflag:s18] =	ssyncset.done $0x0  }
0x21f: {  	[sflag:s18] =	ssyncadd.s32 $0xFFFF4000  }
0x220: {  	_ =	swait.ge [sflag:s18], $0xC000  }
0x221: {  	[sflag:s18] =	ssyncset.done $0x0  }
0x222: {  	[sflag:s18] =	ssyncadd.s32 $0xFFFF4000  }
0x223: {  	p0 =	sne.s32 s5, $0x1;
	_ =	swait.ge [sflag:s18], $0xC000  }
.Ltmp0:
0x224: {  	[sflag:s18] =	ssyncset.done $0x0;
	(pc) =	sbr.rel @p0 .LBB2_1-.Ltmp0, $4  }
0x225: {  	[sflag:s18] =	ssyncadd.s32 $0xFFFF4000  }
0x226: {  	_ =	swait.ge [sflag:s18], $0xC000  }
0x227: {  	[sflag:s18] =	ssyncset.done $0x0  }
0x228: {  	s5 =	sadd.s32 $0xFFFFFFFF, s5;
	[sflag:s18] =	ssyncadd.s32 $0xFFFF4000  }
0x229: {  	_ =	sfence.sel $0x180000  }
0x22a: {  	[bflag:$0x0] =	sbarrier.arrive $0xFFFF  }
0x22b: {  	_ =	strace $0x90000047  }
0x22c: {  	s0 =	stileid.u32;
	[bflag:$0x2] =	sbarrier.arrive $0xFFFF  }
0x22d: {  	p0 =	sne.s32 s0, $0x0;
	s0 =	rddreg [dreg:$0x2]  }
0x22e: {  	s0 =	sadd.s32 @!p0 $0x100000, s0  }
0x22f: {  	[sflag:s0] =	ssyncadd.tile.s32 @!p0 $0x1;
	_ =	shalt  }
.Lfunc_end2:
_tile_overlayer_lowered:
.L_overlay_start_2:
0x230: {  	(tag) =	ssettag $0x2  }
0x231: {  	s0 =	rddreg [dreg:$0x0];
	s2 =	stileid.u32  }
0x232: {  	s1 =	rddreg [dreg:$0x1];
	p0 =	sne.s32 s2, $0x0  }
0x233: {  	s3 =	rddreg [dreg:$0x2];
	[bflag:$0x3] =	sbarrier.arrive $0xFFFF;
	s2 =	simm.s32 @!p0 $0x1C03  }
0x234: {  	[timem:s3], [sflag:s2] =	dma.local @!p0 [hbm:s0], s1  }
0x235: {  	s0 =	simm.s32 @!p0 $0x3  }
0x236: {  	_ =	swait.ge @!p0 [sflag:s0], s1  }
0x237: {  	s1 =	ssub.s32 @!p0 $0x0, s1;
	[sflag:s0] =	ssyncset.done @!p0 $0x0  }
0x238: {  	[sflag:s0] =	ssyncadd.s32 @!p0 s1  }
0x239: {  	[bflag:$0x3] =	sbarrier.arrive $0xFFFF  }
0x23a: {  	_ =	shalt  }

</sc_bundles>
